<compile_context>
chip_gen: v7x
topology: tpu7x:2x2x1
jax: 0.10.2.dev20260603
libtpu: 0.0.44.dev20260713+nightly
codegen_flags: <defaults>
</compile_context>

<pallas_src>
import functools

import jax
import jax.numpy as jnp
from jax import lax
from jax.experimental import pallas as pl
from jax.experimental.pallas import tpu as pltpu
from jax.experimental.pallas import tpu_sc as plsc

N = 4096
K = 33
KO = 48
R2 = 25.0
ROWS = 512
RPW = 128
CAND = N + 32
INF = float("inf")
BIGI = 2**30


def _dist_body(pos8_ref, posT_ref, sq_ref, sqT_ref, b_ref, bT_ref, d_ref):
    blk = pl.program_id(0)
    dot = jnp.dot(pos8_ref[...], posT_ref[...],
                  preferred_element_type=jnp.float32)
    d2 = sq_ref[...] + sqT_ref[...] - 2.0 * dot
    d2 = jnp.maximum(d2, 0.0)
    row_ids = blk * ROWS + jax.lax.broadcasted_iota(jnp.int32, (ROWS, N), 0)
    col_ids = jax.lax.broadcasted_iota(jnp.int32, (ROWS, N), 1)
    valid = (b_ref[...] == bT_ref[...]) & (row_ids != col_ids) & (d2 <= R2)
    d_ref[...] = jnp.where(valid, d2, INF)


def _sqrt_body(x_ref, o_ref):
    o_ref[...] = jnp.sqrt(x_ref[...])


def _sc_topk_body(d_hbm, px_hbm, py_hbm, pz_hbm,
                  src_hbm, tgt_hbm, vx_hbm, vy_hbm, vz_hbm, sqe_hbm,
                  rb0, rb1, cand_i, px_v, py_v, pz_v,
                  osrc, otgt, ovx, ovy, ovz, osqe,
                  sem0, sem1):
    nc = 2
    wid = lax.axis_index("s") * nc + lax.axis_index("c")
    base = wid * RPW
    iota16 = lax.iota(jnp.int32, 16)

    pltpu.sync_copy(px_hbm, px_v)
    pltpu.sync_copy(py_hbm, py_v)
    pltpu.sync_copy(pz_hbm, pz_v)

    inf16 = jnp.full((16,), INF, jnp.float32)
    rb0[pl.ds(N, 16)] = inf16
    rb0[pl.ds(N + 16, 16)] = inf16
    rb1[pl.ds(N, 16)] = inf16
    rb1[pl.ds(N + 16, 16)] = inf16
    neg16 = jnp.full((16,), -1, jnp.int32)
    lane0 = iota16 == 0

    def process(rb, r, ri):
        @plsc.parallel_loop(0, N // 16, carry=jnp.int32(0), unroll=8)
        def cnt(c, cnt):
            v = rb[pl.ds(c * 16, 16)]
            m = v <= R2
            cs = plsc.cumsum(m.astype(jnp.int32))
            pos = cnt + cs - 1
            plsc.store_scatter(cand_i, [pos], c * 16 + iota16, mask=m)
            return cnt + cs[15]
        padpos = cnt + iota16
        plsc.store_scatter(cand_i, [padpos], N + iota16)
        plsc.store_scatter(cand_i, [padpos + 16], N + 16 + iota16)
        nv = (cnt + 15) // 16

        risplat = jnp.full((16,), ri, jnp.int32)
        osrc[ri, pl.ds(0, 16)] = neg16
        osrc[ri, pl.ds(16, 16)] = neg16
        osrc[ri, pl.ds(32, 16)] = neg16

        nk = jnp.minimum(cnt, K)

        @pl.when(cnt <= 32)
        def _():
            vi0 = cand_i[pl.ds(0, 16)]
            vi1 = cand_i[pl.ds(16, 16)]

            def ext_fast(k, _):
                vd0 = plsc.load_gather(rb, [vi0])
                vd1 = plsc.load_gather(rb, [vi1])
                ml0 = jnp.min(vd0)
                ml1 = jnp.min(vd1)
                bl0 = jnp.min(jnp.where(vd0 == ml0, vi0, BIGI))
                bl1 = jnp.min(jnp.where(vd1 == ml1, vi1, BIGI))
                lt = ml1 < ml0
                eq = ml1 == ml0
                bi = jnp.where(lt, bl1,
                               jnp.where(eq, jnp.minimum(bl0, bl1), bl0))
                bsplat = jnp.full((16,), bi, jnp.int32)
                plsc.store_scatter(rb, [bsplat], inf16, mask=lane0)
                plsc.store_scatter(osrc,
                                   [risplat, jnp.full((16,), k, jnp.int32)],
                                   bsplat, mask=lane0)
                return 0
            lax.fori_loop(0, nk, ext_fast, 0)

        @pl.when((cnt > 32) & (cnt <= 48))
        def _():
            vi0 = cand_i[pl.ds(0, 16)]
            vi1 = cand_i[pl.ds(16, 16)]
            vi2 = cand_i[pl.ds(32, 16)]

            def ext_mid(k, _):
                vd0 = plsc.load_gather(rb, [vi0])
                vd1 = plsc.load_gather(rb, [vi1])
                vd2 = plsc.load_gather(rb, [vi2])
                ml0 = jnp.min(vd0)
                ml1 = jnp.min(vd1)
                ml2 = jnp.min(vd2)
                bl0 = jnp.min(jnp.where(vd0 == ml0, vi0, BIGI))
                bl1 = jnp.min(jnp.where(vd1 == ml1, vi1, BIGI))
                bl2 = jnp.min(jnp.where(vd2 == ml2, vi2, BIGI))
                lt = ml1 < ml0
                eq = ml1 == ml0
                ma = jnp.where(lt, ml1, ml0)
                ba = jnp.where(lt, bl1,
                               jnp.where(eq, jnp.minimum(bl0, bl1), bl0))
                lt2 = ml2 < ma
                eq2 = ml2 == ma
                bi = jnp.where(lt2, bl2,
                               jnp.where(eq2, jnp.minimum(ba, bl2), ba))
                bsplat = jnp.full((16,), bi, jnp.int32)
                plsc.store_scatter(rb, [bsplat], inf16, mask=lane0)
                plsc.store_scatter(osrc,
                                   [risplat, jnp.full((16,), k, jnp.int32)],
                                   bsplat, mask=lane0)
                return 0
            lax.fori_loop(0, nk, ext_mid, 0)

        @pl.when(cnt > 48)
        def _():
            def ext_body(k, _):
                def min_body(t, carry):
                    m, bi = carry
                    vi = cand_i[pl.ds(t * 16, 16)]
                    vd = plsc.load_gather(rb, [vi])
                    ml = jnp.min(vd)
                    bl = jnp.min(jnp.where(vd == ml, vi, BIGI))
                    lt = ml < m
                    eq = ml == m
                    return (jnp.where(lt, ml, m),
                            jnp.where(lt, bl,
                                      jnp.where(eq, jnp.minimum(bi, bl), bi)))
                m, bi = lax.fori_loop(0, nv, min_body,
                                      (jnp.float32(INF), jnp.int32(BIGI)))
                bsplat = jnp.full((16,), bi, jnp.int32)
                plsc.store_scatter(rb, [bsplat], inf16, mask=lane0)
                plsc.store_scatter(osrc,
                                   [risplat, jnp.full((16,), k, jnp.int32)],
                                   bsplat, mask=lane0)
                return 0
            lax.fori_loop(0, nk, ext_body, 0)

        rsplat = jnp.full((16,), r, jnp.int32)
        rx = plsc.load_gather(px_v, [rsplat])
        ry = plsc.load_gather(py_v, [rsplat])
        rz = plsc.load_gather(pz_v, [rsplat])
        for t in range(KO // 16):
            sidx = osrc[ri, pl.ds(t * 16, 16)]
            val = sidx >= 0
            ci = jnp.maximum(sidx, 0)
            gx = plsc.load_gather(px_v, [ci])
            gy = plsc.load_gather(py_v, [ci])
            gz = plsc.load_gather(pz_v, [ci])
            zeros = jnp.zeros((16,), jnp.float32)
            vx = jnp.where(val, gx - rx, zeros)
            vy = jnp.where(val, gy - ry, zeros)
            vz = jnp.where(val, gz - rz, zeros)
            sq = vx * vx + vy * vy + vz * vz
            ovx[ri, pl.ds(t * 16, 16)] = vx
            ovy[ri, pl.ds(t * 16, 16)] = vy
            ovz[ri, pl.ds(t * 16, 16)] = vz
            osqe[ri, pl.ds(t * 16, 16)] = sq
            otgt[ri, pl.ds(t * 16, 16)] = jnp.where(val, r, -1)

    pltpu.async_copy(d_hbm.at[base], rb0.at[pl.ds(0, N)], sem0)
    def row_step(i, _):
        r0 = base + 2 * i
        pltpu.make_async_copy(d_hbm.at[r0], rb0.at[pl.ds(0, N)], sem0).wait()
        r1 = r0 + 1
        pltpu.async_copy(d_hbm.at[r1], rb1.at[pl.ds(0, N)], sem1)
        process(rb0, r0, 2 * i)
        pltpu.make_async_copy(d_hbm.at[r1], rb1.at[pl.ds(0, N)], sem1).wait()
        r2 = jnp.minimum(r0 + 2, N - 1)
        pltpu.async_copy(d_hbm.at[r2], rb0.at[pl.ds(0, N)], sem0)
        process(rb1, r1, 2 * i + 1)
        return 0
    lax.fori_loop(0, RPW // 2, row_step, 0)
    pltpu.make_async_copy(d_hbm.at[0], rb0.at[pl.ds(0, N)], sem0).wait()

    pltpu.sync_copy(osrc, src_hbm.at[pl.ds(base, RPW)])
    pltpu.sync_copy(otgt, tgt_hbm.at[pl.ds(base, RPW)])
    pltpu.sync_copy(ovx, vx_hbm.at[pl.ds(base, RPW)])
    pltpu.sync_copy(ovy, vy_hbm.at[pl.ds(base, RPW)])
    pltpu.sync_copy(ovz, vz_hbm.at[pl.ds(base, RPW)])
    pltpu.sync_copy(osqe, sqe_hbm.at[pl.ds(base, RPW)])


def _sc_topk(d, px, py, pz):
    mesh = plsc.VectorSubcoreMesh(core_axis_name="c", subcore_axis_name="s")
    f32 = jnp.float32
    i32 = jnp.int32
    fn = functools.partial(
        pl.kernel,
        mesh=mesh,
        compiler_params=pltpu.CompilerParams(needs_layout_passes=False),
        out_type=[
            jax.ShapeDtypeStruct((N, KO), i32),
            jax.ShapeDtypeStruct((N, KO), i32),
            jax.ShapeDtypeStruct((N, KO), f32),
            jax.ShapeDtypeStruct((N, KO), f32),
            jax.ShapeDtypeStruct((N, KO), f32),
            jax.ShapeDtypeStruct((N, KO), f32),
        ],
        scratch_types=[
            pltpu.VMEM((CAND,), f32),
            pltpu.VMEM((CAND,), f32),
            pltpu.VMEM((CAND,), i32),
            pltpu.VMEM((N,), f32),
            pltpu.VMEM((N,), f32),
            pltpu.VMEM((N,), f32),
            pltpu.VMEM((RPW, KO), i32),
            pltpu.VMEM((RPW, KO), i32),
            pltpu.VMEM((RPW, KO), f32),
            pltpu.VMEM((RPW, KO), f32),
            pltpu.VMEM((RPW, KO), f32),
            pltpu.VMEM((RPW, KO), f32),
            pltpu.SemaphoreType.DMA,
            pltpu.SemaphoreType.DMA,
        ],
    )(_sc_topk_body)
    return fn(d, px, py, pz)


@jax.jit
def kernel(pos, batch):
    n = pos.shape[0]
    sq = jnp.sum(pos * pos, axis=1)
    pos8 = jnp.pad(pos, ((0, 0), (0, 5)))
    posT = pos8.T
    d = pl.pallas_call(
        _dist_body,
        grid=(n // ROWS,),
        in_specs=[
            pl.BlockSpec((ROWS, 8), lambda i: (i, 0)),
            pl.BlockSpec((8, N), lambda i: (0, 0)),
            pl.BlockSpec((ROWS, 1), lambda i: (i, 0)),
            pl.BlockSpec((1, N), lambda i: (0, 0)),
            pl.BlockSpec((ROWS, 1), lambda i: (i, 0)),
            pl.BlockSpec((1, N), lambda i: (0, 0)),
        ],
        out_specs=pl.BlockSpec((ROWS, N), lambda i: (i, 0)),
        out_shape=jax.ShapeDtypeStruct((n, n), jnp.float32),
    )(pos8, posT, sq[:, None], sq[None, :], batch[:, None], batch[None, :])

    px = jnp.asarray(pos[:, 0])
    py = jnp.asarray(pos[:, 1])
    pz = jnp.asarray(pos[:, 2])
    src, tgt, vx, vy, vz, sqe = _sc_topk(d, px, py, pz)

    w = pl.pallas_call(
        _sqrt_body,
        out_shape=jax.ShapeDtypeStruct((n, KO), jnp.float32),
    )(sqe)

    src = src[:, :K].reshape(-1)
    tgt = tgt[:, :K].reshape(-1)
    edge_index = jnp.stack([src, tgt])
    edge_weight = w[:, :K].reshape(-1)
    edge_vec = jnp.stack([vx[:, :K], vy[:, :K], vz[:, :K]],
                         axis=-1).reshape(-1, 3)
    return edge_index, edge_weight, edge_vec

# --- scband reference (transcript-rebuilt; emitter-appended) ---
"""Pipeline reference for scband-my-distance-22497038696716 (READ-ONLY COPY).

The authoritative reference and input builder live on the scoring server;
editing this copy changes nothing except your own understanding.
"""

import jax, jax.numpy as jnp
import numpy as np

CUTOFF_LOWER = 0.0
CUTOFF_UPPER = 5.0
MAX_NUM_NEIGHBORS = 32
K = MAX_NUM_NEIGHBORS + 1
N = 4096
N_MOL = 4
BOX = 25.6


def setup_inputs(seed: int = 0):
    key = jax.random.key(seed)
    k1, k2 = jax.random.split(key)
    pos = jax.random.uniform(k1, (N, 3), dtype=jnp.float32) * BOX
    batch = jnp.sort(jax.random.randint(k2, (N,), 0, N_MOL)).astype(jnp.int32)
    return {"pos": pos, "batch": batch}


def reference(pos, batch):
    # radius_graph implemented as K-nearest-within-radius, fixed-size output
    # with invalid edges masked (index=-1, weight=0, vec=0) instead of compacted
    # so shapes are static.
    n = pos.shape[0]
    r2 = CUTOFF_UPPER ** 2
    sq = jnp.sum(pos * pos, axis=1)
    dist2 = sq[:, None] + sq[None, :] - 2.0 * (pos @ pos.T)
    dist2 = jnp.maximum(dist2, 0.0)
    same = batch[:, None] == batch[None, :]
    eye = jnp.eye(n, dtype=bool)
    valid = same & (~eye) & (dist2 <= r2)
    masked = jnp.where(valid, dist2, jnp.inf)
    neg_vals, idx = jax.lax.top_k(-masked, K)
    valid_k = (neg_vals > -jnp.inf).reshape(-1)
    src = idx.reshape(-1)
    tgt = jnp.repeat(jnp.arange(n), K)
    # edge_vec = pos[source] - pos[target]
    edge_vec_raw = pos[src] - pos[tgt]
    sq_e = jnp.sum(edge_vec_raw * edge_vec_raw, axis=-1)
    w = jnp.sqrt(jnp.where(valid_k, sq_e, 1.0))
    edge_weight0 = jnp.where(valid_k, w, 0.0)
    lower_mask = valid_k & (edge_weight0 >= CUTOFF_LOWER)
    edge_index = jnp.where(lower_mask[None, :], jnp.stack([src, tgt]), -1)
    edge_weight = jnp.where(lower_mask, edge_weight0, 0.0)
    edge_vec = jnp.where(lower_mask[:, None], edge_vec_raw, 0.0)
    return edge_index, edge_weight, edge_vec

if __name__ == "__main__":
    import jax
    _d = setup_inputs()
    print(jax.jit(kernel)(*tuple(_d.values())))

</pallas_src>

<mosaic_0001>
#map = affine_map<(d0, d1) -> (0, 0)>
#map1 = affine_map<(d0, d1) -> (0)>
module attributes {stable_mosaic.version = 14 : i64} {
  func.func @_sc_topk_body(%arg0: i32, %arg1: i32, %arg2: memref<4096x4096xf32, #tpu.memory_space<hbm>>, %arg3: memref<4096xf32, #tpu.memory_space<hbm>>, %arg4: memref<4096xf32, #tpu.memory_space<hbm>>, %arg5: memref<4096xf32, #tpu.memory_space<hbm>>, %arg6: memref<4096x48xi32, #tpu.memory_space<hbm>>, %arg7: memref<4096x48xi32, #tpu.memory_space<hbm>>, %arg8: memref<4096x48xf32, #tpu.memory_space<hbm>>, %arg9: memref<4096x48xf32, #tpu.memory_space<hbm>>, %arg10: memref<4096x48xf32, #tpu.memory_space<hbm>>, %arg11: memref<4096x48xf32, #tpu.memory_space<hbm>>, %arg12: memref<4128xf32, #tpu.memory_space<vmem>>, %arg13: memref<4128xf32, #tpu.memory_space<vmem>>, %arg14: memref<4128xi32, #tpu.memory_space<vmem>>, %arg15: memref<4096xf32, #tpu.memory_space<vmem>>, %arg16: memref<4096xf32, #tpu.memory_space<vmem>>, %arg17: memref<4096xf32, #tpu.memory_space<vmem>>, %arg18: memref<128x48xi32, #tpu.memory_space<vmem>>, %arg19: memref<128x48xi32, #tpu.memory_space<vmem>>, %arg20: memref<128x48xf32, #tpu.memory_space<vmem>>, %arg21: memref<128x48xf32, #tpu.memory_space<vmem>>, %arg22: memref<128x48xf32, #tpu.memory_space<vmem>>, %arg23: memref<128x48xf32, #tpu.memory_space<vmem>>, %arg24: memref<!tpu.dma_semaphore, #tpu.memory_space<semaphore_mem>>, %arg25: memref<!tpu.dma_semaphore, #tpu.memory_space<semaphore_mem>>) attributes {dimension_semantics = [#tpu.dimension_semantics<core_parallel>, #tpu.dimension_semantics<subcore_parallel>], iteration_bounds = array<i64: 2, 16>, scalar_prefetch = 0 : i64, scratch_operands = 14 : i64, tpu.core_type = #tpu.core_type<sc_vector_subcore>, window_params = [{transform_indices = #map}, {transform_indices = #map1}, {transform_indices = #map1}, {transform_indices = #map1}, {transform_indices = #map}, {transform_indices = #map}, {transform_indices = #map}, {transform_indices = #map}, {transform_indices = #map}, {transform_indices = #map}]} {
    %mul3A = arith.constant 2 : i32
    %mul3A_0 = arith.muli %arg1, %mul3A : i32
    %add3A = arith.addi %mul3A_0, %arg0 : i32
    %mul3A_1 = arith.constant 128 : i32
    %mul3A_2 = arith.muli %add3A, %mul3A_1 : i32
    %iota3A = tpu.iota {dimensions = array<i32: 0>} : vector<16xi32>
    "tpu.region"() ({
      %run_scoped3A = tpu.sem_alloc : memref<!tpu.dma_semaphore, #tpu.memory_space<semaphore_mem>>
      tpu.enqueue_dma source(%arg3 : memref<4096xf32, #tpu.memory_space<hbm>>) target(%arg15 : memref<4096xf32, #tpu.memory_space<vmem>>) target_semaphore(%run_scoped3A : memref<!tpu.dma_semaphore, #tpu.memory_space<semaphore_mem>>)
      tpu.wait_dma2 semaphore(%run_scoped3A : memref<!tpu.dma_semaphore, #tpu.memory_space<semaphore_mem>>) src(%arg3 : memref<4096xf32, #tpu.memory_space<hbm>>) dst(%arg15 : memref<4096xf32, #tpu.memory_space<vmem>>)
      tpu.yield
    }) : () -> ()
    "tpu.region"() ({
      %run_scoped3A = tpu.sem_alloc : memref<!tpu.dma_semaphore, #tpu.memory_space<semaphore_mem>>
      tpu.enqueue_dma source(%arg4 : memref<4096xf32, #tpu.memory_space<hbm>>) target(%arg16 : memref<4096xf32, #tpu.memory_space<vmem>>) target_semaphore(%run_scoped3A : memref<!tpu.dma_semaphore, #tpu.memory_space<semaphore_mem>>)
      tpu.wait_dma2 semaphore(%run_scoped3A : memref<!tpu.dma_semaphore, #tpu.memory_space<semaphore_mem>>) src(%arg4 : memref<4096xf32, #tpu.memory_space<hbm>>) dst(%arg16 : memref<4096xf32, #tpu.memory_space<vmem>>)
      tpu.yield
    }) : () -> ()
    "tpu.region"() ({
      %run_scoped3A = tpu.sem_alloc : memref<!tpu.dma_semaphore, #tpu.memory_space<semaphore_mem>>
      tpu.enqueue_dma source(%arg5 : memref<4096xf32, #tpu.memory_space<hbm>>) target(%arg17 : memref<4096xf32, #tpu.memory_space<vmem>>) target_semaphore(%run_scoped3A : memref<!tpu.dma_semaphore, #tpu.memory_space<semaphore_mem>>)
      tpu.wait_dma2 semaphore(%run_scoped3A : memref<!tpu.dma_semaphore, #tpu.memory_space<semaphore_mem>>) src(%arg5 : memref<4096xf32, #tpu.memory_space<hbm>>) dst(%arg17 : memref<4096xf32, #tpu.memory_space<vmem>>)
      tpu.yield
    }) : () -> ()
    %broadcast_in_dim3A = arith.constant 0x7F800000 : f32
    %broadcast_in_dim3A_3 = vector.broadcast %broadcast_in_dim3A : f32 to vector<16xf32>
    %swap3A = arith.constant 4096 : index
    %swap3A_4 = tpu.vector_load %arg12[%swap3A] {strides = array<i32>} : memref<4128xf32, #tpu.memory_space<vmem>>, vector<16xf32>,
    tpu.vector_store %arg12[%swap3A], %broadcast_in_dim3A_3 {strides = array<i32>} : memref<4128xf32, #tpu.memory_space<vmem>>, vector<16xf32>,
    %swap3A_5 = arith.constant 4112 : index
    %swap3A_6 = tpu.vector_load %arg12[%swap3A_5] {strides = array<i32>} : memref<4128xf32, #tpu.memory_space<vmem>>, vector<16xf32>,
    tpu.vector_store %arg12[%swap3A_5], %broadcast_in_dim3A_3 {strides = array<i32>} : memref<4128xf32, #tpu.memory_space<vmem>>, vector<16xf32>,
    %swap3A_7 = arith.constant 4096 : index
    %swap3A_8 = tpu.vector_load %arg13[%swap3A_7] {strides = array<i32>} : memref<4128xf32, #tpu.memory_space<vmem>>, vector<16xf32>,
    tpu.vector_store %arg13[%swap3A_7], %broadcast_in_dim3A_3 {strides = array<i32>} : memref<4128xf32, #tpu.memory_space<vmem>>, vector<16xf32>,
    %swap3A_9 = arith.constant 4112 : index
    %swap3A_10 = tpu.vector_load %arg13[%swap3A_9] {strides = array<i32>} : memref<4128xf32, #tpu.memory_space<vmem>>, vector<16xf32>,
    tpu.vector_store %arg13[%swap3A_9], %broadcast_in_dim3A_3 {strides = array<i32>} : memref<4128xf32, #tpu.memory_space<vmem>>, vector<16xf32>,
    %broadcast_in_dim3A_11 = arith.constant -1 : i32
    %broadcast_in_dim3A_12 = vector.broadcast %broadcast_in_dim3A_11 : i32 to vector<16xi32>
    %eq3A = arith.constant 0 : i32
    %eq3A_13 = vector.broadcast %eq3A : i32 to vector<16xi32>
    %eq3A_14 = arith.cmpi eq, %iota3A, %eq3A_13 : vector<16xi32>
    %dma_start3A = arith.constant 0 : i32
    %dma_start3A_15 = tpu.memref_slice %arg12[%dma_start3A] : memref<4128xf32, #tpu.memory_space<vmem>> -> memref<4096xf32, #tpu.memory_space<vmem>>
    %dma_start3A_16 = arith.constant 0 : i32
    %dma_start3A_17 = tpu.memref_slice %arg2[%mul3A_2, %dma_start3A_16] : memref<4096x4096xf32, #tpu.memory_space<hbm>> -> memref<1x4096xf32, #tpu.memory_space<hbm>>
    %dma_start3A_18 = tpu.memref_squeeze %dma_start3A_17 : memref<1x4096xf32, #tpu.memory_space<hbm>> -> memref<4096xf32, #tpu.memory_space<hbm>>
    %dma_start3A_19 = arith.constant 0 : i32
    %dma_start3A_20 = tpu.memref_slice %arg12[%dma_start3A_19] : memref<4128xf32, #tpu.memory_space<vmem>> -> memref<4096xf32, #tpu.memory_space<vmem>>
    %dma_start3A_21 = arith.constant 0 : i32
    %dma_start3A_22 = tpu.memref_slice %arg2[%mul3A_2, %dma_start3A_21] : memref<4096x4096xf32, #tpu.memory_space<hbm>> -> memref<1x4096xf32, #tpu.memory_space<hbm>>
    %dma_start3A_23 = tpu.memref_squeeze %dma_start3A_22 : memref<1x4096xf32, #tpu.memory_space<hbm>> -> memref<4096xf32, #tpu.memory_space<hbm>>
    tpu.enqueue_dma source(%dma_start3A_23 : memref<4096xf32, #tpu.memory_space<hbm>>) target(%dma_start3A_20 : memref<4096xf32, #tpu.memory_space<vmem>>) target_semaphore(%arg24 : memref<!tpu.dma_semaphore, #tpu.memory_space<semaphore_mem>>)
    %scan3A = arith.constant 0 : i32
    %scan3A_24 = arith.constant 0 : i32
    %scan3A_25 = arith.constant 64 : i32
    %scan3A_26 = arith.addi %scan3A_24, %scan3A_25 : i32
    %scan3A_27 = arith.constant 1 : i32
    %scan3A_28 = scf.for %scan3A_40 = %scan3A_24 to %scan3A_26 step %scan3A_27 iter_args(%scan3A_41 = %scan3A) -> (i32)  : i32 {
      %mul3A_42 = arith.constant 2 : i32
      %mul3A_43 = arith.muli %mul3A_42, %scan3A_40 : i32
      %add3A_44 = arith.addi %mul3A_2, %mul3A_43 : i32
      %dma_wait3A_45 = arith.constant 0 : i32
      %dma_wait3A_46 = tpu.memref_slice %arg12[%dma_wait3A_45] : memref<4128xf32, #tpu.memory_space<vmem>> -> memref<4096xf32, #tpu.memory_space<vmem>>
      %dma_wait3A_47 = arith.constant 0 : i32
      %dma_wait3A_48 = tpu.memref_slice %arg2[%add3A_44, %dma_wait3A_47] : memref<4096x4096xf32, #tpu.memory_space<hbm>> -> memref<1x4096xf32, #tpu.memory_space<hbm>>
      %dma_wait3A_49 = tpu.memref_squeeze %dma_wait3A_48 : memref<1x4096xf32, #tpu.memory_space<hbm>> -> memref<4096xf32, #tpu.memory_space<hbm>>
      %dma_wait3A_50 = arith.constant 0 : i32
      %dma_wait3A_51 = tpu.memref_slice %arg12[%dma_wait3A_50] : memref<4128xf32, #tpu.memory_space<vmem>> -> memref<4096xf32, #tpu.memory_space<vmem>>
      %dma_wait3A_52 = arith.constant 0 : i32
      %dma_wait3A_53 = tpu.memref_slice %arg2[%add3A_44, %dma_wait3A_52] : memref<4096x4096xf32, #tpu.memory_space<hbm>> -> memref<1x4096xf32, #tpu.memory_space<hbm>>
      %dma_wait3A_54 = tpu.memref_squeeze %dma_wait3A_53 : memref<1x4096xf32, #tpu.memory_space<hbm>> -> memref<4096xf32, #tpu.memory_space<hbm>>
      tpu.wait_dma2 semaphore(%arg24 : memref<!tpu.dma_semaphore, #tpu.memory_space<semaphore_mem>>) src(%dma_wait3A_54 : memref<4096xf32, #tpu.memory_space<hbm>>) dst(%dma_wait3A_51 : memref<4096xf32, #tpu.memory_space<vmem>>)
      %add3A_55 = arith.constant 1 : i32
      %add3A_56 = arith.addi %add3A_44, %add3A_55 : i32
      %dma_start3A_57 = arith.constant 0 : i32
      %dma_start3A_58 = tpu.memref_slice %arg13[%dma_start3A_57] : memref<4128xf32, #tpu.memory_space<vmem>> -> memref<4096xf32, #tpu.memory_space<vmem>>
      %dma_start3A_59 = arith.constant 0 : i32
      %dma_start3A_60 = tpu.memref_slice %arg2[%add3A_56, %dma_start3A_59] : memref<4096x4096xf32, #tpu.memory_space<hbm>> -> memref<1x4096xf32, #tpu.memory_space<hbm>>
      %dma_start3A_61 = tpu.memref_squeeze %dma_start3A_60 : memref<1x4096xf32, #tpu.memory_space<hbm>> -> memref<4096xf32, #tpu.memory_space<hbm>>
      %dma_start3A_62 = arith.constant 0 : i32
      %dma_start3A_63 = tpu.memref_slice %arg13[%dma_start3A_62] : memref<4128xf32, #tpu.memory_space<vmem>> -> memref<4096xf32, #tpu.memory_space<vmem>>
      %dma_start3A_64 = arith.constant 0 : i32
      %dma_start3A_65 = tpu.memref_slice %arg2[%add3A_56, %dma_start3A_64] : memref<4096x4096xf32, #tpu.memory_space<hbm>> -> memref<1x4096xf32, #tpu.memory_space<hbm>>
      %dma_start3A_66 = tpu.memref_squeeze %dma_start3A_65 : memref<1x4096xf32, #tpu.memory_space<hbm>> -> memref<4096xf32, #tpu.memory_space<hbm>>
      tpu.enqueue_dma source(%dma_start3A_66 : memref<4096xf32, #tpu.memory_space<hbm>>) target(%dma_start3A_63 : memref<4096xf32, #tpu.memory_space<vmem>>) target_semaphore(%arg25 : memref<!tpu.dma_semaphore, #tpu.memory_space<semaphore_mem>>)
      %mul3A_67 = arith.constant 2 : i32
      %mul3A_68 = arith.muli %mul3A_67, %scan3A_40 : i32
      %parallel_loop3A = arith.constant 0 : i32
      %parallel_loop3A_69 = arith.constant 256 : i32
      %parallel_loop3A_70 = arith.constant 1 : i32
      %parallel_loop3A_71 = arith.constant 0 : i32
      %parallel_loop3A_72 = scf.for %parallel_loop3A_496 = %parallel_loop3A to %parallel_loop3A_69 step %parallel_loop3A_70 iter_args(%parallel_loop3A_497 = %parallel_loop3A_71) -> (i32)  : i32 {
        %parallel_loop3A_498 = arith.constant 16 : i32
        %parallel_loop3A_499 = arith.muli %parallel_loop3A_496, %parallel_loop3A_498 : i32
        %parallel_loop3A_500 = arith.index_cast %parallel_loop3A_499 : i32 to index
        %parallel_loop3A_501 = tpu.vector_load %arg12[%parallel_loop3A_500] {strides = array<i32>} : memref<4128xf32, #tpu.memory_space<vmem>>, vector<16xf32>,
        %parallel_loop3A_502 = arith.constant 2.500000e+01 : f32
        %parallel_loop3A_503 = vector.broadcast %parallel_loop3A_502 : f32 to vector<16xf32>
        %parallel_loop3A_504 = arith.cmpf ole, %parallel_loop3A_501, %parallel_loop3A_503 : vector<16xf32>
        %parallel_loop3A_505 = arith.extui %parallel_loop3A_504 : vector<16xi1> to vector<16xi32>
        %parallel_loop3A_506 = arith.constant true
        %parallel_loop3A_507 = vector.broadcast %parallel_loop3A_506 : i1 to vector<16xi1>
        %parallel_loop3A_508 = tpu.scan <sum>, %parallel_loop3A_505 masked %parallel_loop3A_507 : vector<16xi32>, vector<16xi1> -> vector<16xi32>
        %parallel_loop3A_509 = vector.broadcast %parallel_loop3A_497 : i32 to vector<16xi32>
        %parallel_loop3A_510 = arith.addi %parallel_loop3A_509, %parallel_loop3A_508 : vector<16xi32>
        %parallel_loop3A_511 = arith.constant 1 : i32
        %parallel_loop3A_512 = vector.broadcast %parallel_loop3A_511 : i32 to vector<16xi32>
        %parallel_loop3A_513 = arith.subi %parallel_loop3A_510, %parallel_loop3A_512 : vector<16xi32>
        %parallel_loop3A_514 = arith.constant 16 : i32
        %parallel_loop3A_515 = arith.muli %parallel_loop3A_496, %parallel_loop3A_514 : i32
        %parallel_loop3A_516 = vector.broadcast %parallel_loop3A_515 : i32 to vector<16xi32>
        %parallel_loop3A_517 = arith.addi %parallel_loop3A_516, %iota3A : vector<16xi32>
        tpu.vector_store_idx %arg14[%parallel_loop3A_513], %parallel_loop3A_517 masked %parallel_loop3A_504 : memref<4128xi32, #tpu.memory_space<vmem>>[vector<16xi32>], vector<16xi32>, vector<16xi1>
        %parallel_loop3A_518 = vector.extract_strided_slice %parallel_loop3A_508 {offsets = [15], sizes = [1], strides = [1]} : vector<16xi32> to vector<1xi32>
        %parallel_loop3A_519 = vector.extract %parallel_loop3A_518[0] : i32 from vector<1xi32>
        %parallel_loop3A_520 = arith.addi %parallel_loop3A_497, %parallel_loop3A_519 : i32
        scf.yield %parallel_loop3A_520 : i32
      } {sc.loop_unroll_factor = 8 : i64, sc.parallel_access}
      %add3A_73 = vector.broadcast %parallel_loop3A_72 : i32 to vector<16xi32>
      %add3A_74 = arith.addi %add3A_73, %iota3A : vector<16xi32>
      %add3A_75 = arith.constant 4096 : i32
      %add3A_76 = vector.broadcast %add3A_75 : i32 to vector<16xi32>
      %add3A_77 = arith.addi %add3A_76, %iota3A : vector<16xi32>
      tpu.vector_store_idx %arg14[%add3A_74], %add3A_77 : memref<4128xi32, #tpu.memory_space<vmem>>[vector<16xi32>], vector<16xi32>,
      %add3A_78 = arith.constant 16 : i32
      %add3A_79 = vector.broadcast %add3A_78 : i32 to vector<16xi32>
      %add3A_80 = arith.addi %add3A_74, %add3A_79 : vector<16xi32>
      %add3A_81 = arith.constant 4112 : i32
      %add3A_82 = vector.broadcast %add3A_81 : i32 to vector<16xi32>
      %add3A_83 = arith.addi %add3A_82, %iota3A : vector<16xi32>
      tpu.vector_store_idx %arg14[%add3A_80], %add3A_83 : memref<4128xi32, #tpu.memory_space<vmem>>[vector<16xi32>], vector<16xi32>,
      %add3A_84 = arith.constant 15 : i32
      %add3A_85 = arith.addi %parallel_loop3A_72, %add3A_84 : i32
      %jit3A = arith.constant 16 : i32
      %div3A = arith.divsi %add3A_85, %jit3A : i32
      %sign3A = arith.constant 0 : i32
      %sign3A_86 = arith.cmpi sgt, %add3A_85, %sign3A : i32
      %sign3A_87 = arith.extui %sign3A_86 : i1 to i32
      %sign3A_88 = arith.constant 0 : i32
      %sign3A_89 = arith.cmpi slt, %add3A_85, %sign3A_88 : i32
      %sign3A_90 = arith.extui %sign3A_89 : i1 to i32
      %sign3A_91 = arith.subi %sign3A_87, %sign3A_90 : i32
      %sign3A_92 = arith.constant 0 : i32
      %sign3A_93 = arith.cmpi sgt, %jit3A, %sign3A_92 : i32
      %sign3A_94 = arith.extui %sign3A_93 : i1 to i32
      %sign3A_95 = arith.constant 0 : i32
      %sign3A_96 = arith.cmpi slt, %jit3A, %sign3A_95 : i32
      %sign3A_97 = arith.extui %sign3A_96 : i1 to i32
      %sign3A_98 = arith.subi %sign3A_94, %sign3A_97 : i32
      %ne3A = arith.cmpi ne, %sign3A_91, %sign3A_98 : i32
      %rem3A = arith.remsi %add3A_85, %jit3A : i32
      %ne3A_99 = arith.constant 0 : i32
      %ne3A_100 = arith.cmpi ne, %rem3A, %ne3A_99 : i32
      %and3A = arith.andi %ne3A, %ne3A_100 : i1
      %sub3A = arith.constant 1 : i32
      %sub3A_101 = arith.subi %div3A, %sub3A : i32
      %select_n3A = arith.select %and3A, %sub3A_101, %div3A : i32
      %broadcast_in_dim3A_102 = vector.broadcast %mul3A_68 : i32 to vector<16xi32>
      %swap3A_103 = arith.index_cast %mul3A_68 : i32 to index
      %swap3A_104 = arith.constant 0 : index
      %swap3A_105 = tpu.vector_load %arg18[%swap3A_103, %swap3A_104] {strides = array<i32>} : memref<128x48xi32, #tpu.memory_space<vmem>>, vector<16xi32>,
      tpu.vector_store %arg18[%swap3A_103, %swap3A_104], %broadcast_in_dim3A_12 {strides = array<i32>} : memref<128x48xi32, #tpu.memory_space<vmem>>, vector<16xi32>,
      %swap3A_106 = arith.index_cast %mul3A_68 : i32 to index
      %swap3A_107 = arith.constant 16 : index
      %swap3A_108 = tpu.vector_load %arg18[%swap3A_106, %swap3A_107] {strides = array<i32>} : memref<128x48xi32, #tpu.memory_space<vmem>>, vector<16xi32>,
      tpu.vector_store %arg18[%swap3A_106, %swap3A_107], %broadcast_in_dim3A_12 {strides = array<i32>} : memref<128x48xi32, #tpu.memory_space<vmem>>, vector<16xi32>,
      %swap3A_109 = arith.index_cast %mul3A_68 : i32 to index
      %swap3A_110 = arith.constant 32 : index
      %swap3A_111 = tpu.vector_load %arg18[%swap3A_109, %swap3A_110] {strides = array<i32>} : memref<128x48xi32, #tpu.memory_space<vmem>>, vector<16xi32>,
      tpu.vector_store %arg18[%swap3A_109, %swap3A_110], %broadcast_in_dim3A_12 {strides = array<i32>} : memref<128x48xi32, #tpu.memory_space<vmem>>, vector<16xi32>,
      %min3A = arith.constant 33 : i32
      %min3A_112 = arith.minsi %parallel_loop3A_72, %min3A : i32
      %le3A = arith.constant 32 : i32
      %le3A_113 = arith.cmpi sle, %parallel_loop3A_72, %le3A : i32
      %convert_element_type3A = arith.extui %le3A_113 : i1 to i32
      %cond3A = arith.constant 0 : i32
      %cond3A_114 = arith.cmpi ne, %convert_element_type3A, %cond3A : i32
      scf.if %cond3A_114 {
        %get3A_496 = arith.constant 0 : index
        %get3A_497 = tpu.vector_load %arg14[%get3A_496] {strides = array<i32>} : memref<4128xi32, #tpu.memory_space<vmem>>, vector<16xi32>,
        %get3A_498 = arith.constant 16 : index
        %get3A_499 = tpu.vector_load %arg14[%get3A_498] {strides = array<i32>} : memref<4128xi32, #tpu.memory_space<vmem>>, vector<16xi32>,
        %while3A = arith.constant 0 : i32
        %while3A_500 = arith.constant 0 : i32
        %while3A_501 = arith.subi %min3A_112, %while3A : i32
        %while3A_502 = arith.addi %while3A, %while3A_501 : i32
        %while3A_503 = arith.constant 1 : i32
        %while3A_504 = arith.divsi %while3A_501, %while3A_503 : i32
        %while3A_505 = arith.muli %while3A_504, %while3A_503 : i32
        %while3A_506 = arith.addi %while3A, %while3A_505 : i32
        %while3A_507 = arith.constant 1 : i32
        %while3A_508 = scf.for %while3A_511 = %while3A to %while3A_506 step %while3A_507 iter_args(%while3A_512 = %while3A_500) -> (i32)  : i32 {
          %gather3A_513 = tpu.vector_load_idx %arg12[%get3A_497] : memref<4128xf32, #tpu.memory_space<vmem>>[vector<16xi32>], vector<16xf32>,
          %gather3A_514 = tpu.vector_load_idx %arg12[%get3A_499] : memref<4128xf32, #tpu.memory_space<vmem>>[vector<16xi32>], vector<16xf32>,
          %reduce_min3A = arith.constant true
          %reduce_min3A_515 = vector.broadcast %reduce_min3A : i1 to vector<16xi1>
          %reduce_min3A_516 = tpu.scan <min>, %gather3A_513 masked %reduce_min3A_515 : vector<16xf32>, vector<16xi1> -> vector<16xf32>
          %reduce_min3A_517 = vector.extract %reduce_min3A_516[15] : f32 from vector<16xf32>
          %reduce_min3A_518 = arith.constant true
          %reduce_min3A_519 = vector.broadcast %reduce_min3A_518 : i1 to vector<16xi1>
          %reduce_min3A_520 = tpu.scan <min>, %gather3A_514 masked %reduce_min3A_519 : vector<16xf32>, vector<16xi1> -> vector<16xf32>
          %reduce_min3A_521 = vector.extract %reduce_min3A_520[15] : f32 from vector<16xf32>
          %eq3A_522 = vector.broadcast %reduce_min3A_517 : f32 to vector<16xf32>
          %eq3A_523 = arith.cmpf oeq, %gather3A_513, %eq3A_522 : vector<16xf32>
          %jit3A_524 = arith.constant 1073741824 : i32
          %broadcast_in_dim3A_525 = vector.broadcast %jit3A_524 : i32 to vector<16xi32>
          %select_n3A_526 = arith.select %eq3A_523, %get3A_497, %broadcast_in_dim3A_525 : vector<16xi1>, vector<16xi32>
          %reduce_min3A_527 = arith.constant true
          %reduce_min3A_528 = vector.broadcast %reduce_min3A_527 : i1 to vector<16xi1>
          %reduce_min3A_529 = arith.constant -2147483648 : i32
          %reduce_min3A_530 = vector.broadcast %reduce_min3A_529 : i32 to vector<16xi32>
          %reduce_min3A_531 = arith.xori %select_n3A_526, %reduce_min3A_530 : vector<16xi32>
          %reduce_min3A_532 = tpu.scan <min>, %reduce_min3A_531 masked %reduce_min3A_528 : vector<16xi32>, vector<16xi1> -> vector<16xi32>
          %reduce_min3A_533 = arith.xori %reduce_min3A_532, %reduce_min3A_530 : vector<16xi32>
          %reduce_min3A_534 = vector.extract %reduce_min3A_533[15] : i32 from vector<16xi32>
          %eq3A_535 = vector.broadcast %reduce_min3A_521 : f32 to vector<16xf32>
          %eq3A_536 = arith.cmpf oeq, %gather3A_514, %eq3A_535 : vector<16xf32>
          %jit3A_537 = arith.constant 1073741824 : i32
          %broadcast_in_dim3A_538 = vector.broadcast %jit3A_537 : i32 to vector<16xi32>
          %select_n3A_539 = arith.select %eq3A_536, %get3A_499, %broadcast_in_dim3A_538 : vector<16xi1>, vector<16xi32>
          %reduce_min3A_540 = arith.constant true
          %reduce_min3A_541 = vector.broadcast %reduce_min3A_540 : i1 to vector<16xi1>
          %reduce_min3A_542 = arith.constant -2147483648 : i32
          %reduce_min3A_543 = vector.broadcast %reduce_min3A_542 : i32 to vector<16xi32>
          %reduce_min3A_544 = arith.xori %select_n3A_539, %reduce_min3A_543 : vector<16xi32>
          %reduce_min3A_545 = tpu.scan <min>, %reduce_min3A_544 masked %reduce_min3A_541 : vector<16xi32>, vector<16xi1> -> vector<16xi32>
          %reduce_min3A_546 = arith.xori %reduce_min3A_545, %reduce_min3A_543 : vector<16xi32>
          %reduce_min3A_547 = vector.extract %reduce_min3A_546[15] : i32 from vector<16xi32>
          %lt3A = arith.cmpf olt, %reduce_min3A_521, %reduce_min3A_517 : f32
          %eq3A_548 = arith.cmpf oeq, %reduce_min3A_521, %reduce_min3A_517 : f32
          %min3A_549 = arith.minsi %reduce_min3A_534, %reduce_min3A_547 : i32
          %select_n3A_550 = arith.select %eq3A_548, %min3A_549, %reduce_min3A_534 : i32
          %select_n3A_551 = arith.select %lt3A, %reduce_min3A_547, %select_n3A_550 : i32
          %broadcast_in_dim3A_552 = vector.broadcast %select_n3A_551 : i32 to vector<16xi32>
          tpu.vector_store_idx %arg12[%broadcast_in_dim3A_552], %broadcast_in_dim3A_3 masked %eq3A_14 : memref<4128xf32, #tpu.memory_space<vmem>>[vector<16xi32>], vector<16xf32>, vector<16xi1>
          %broadcast_in_dim3A_553 = vector.broadcast %while3A_511 : i32 to vector<16xi32>
          tpu.vector_store_idx %arg18[%broadcast_in_dim3A_102, %broadcast_in_dim3A_553], %broadcast_in_dim3A_552 masked %eq3A_14 : memref<128x48xi32, #tpu.memory_space<vmem>>[vector<16xi32>, vector<16xi32>], vector<16xi32>, vector<16xi1>
          %while3A_554 = arith.constant 0 : i32
          scf.yield %while3A_554 : i32
        }
        %while3A_509 = arith.constant 1 : i32
        %while3A_510 = scf.for %while3A_511 = %while3A_506 to %while3A_502 step %while3A_509 iter_args(%while3A_512 = %while3A_508) -> (i32)  : i32 {
          %gather3A_513 = tpu.vector_load_idx %arg12[%get3A_497] : memref<4128xf32, #tpu.memory_space<vmem>>[vector<16xi32>], vector<16xf32>,
          %gather3A_514 = tpu.vector_load_idx %arg12[%get3A_499] : memref<4128xf32, #tpu.memory_space<vmem>>[vector<16xi32>], vector<16xf32>,
          %reduce_min3A = arith.constant true
          %reduce_min3A_515 = vector.broadcast %reduce_min3A : i1 to vector<16xi1>
          %reduce_min3A_516 = tpu.scan <min>, %gather3A_513 masked %reduce_min3A_515 : vector<16xf32>, vector<16xi1> -> vector<16xf32>
          %reduce_min3A_517 = vector.extract %reduce_min3A_516[15] : f32 from vector<16xf32>
          %reduce_min3A_518 = arith.constant true
          %reduce_min3A_519 = vector.broadcast %reduce_min3A_518 : i1 to vector<16xi1>
          %reduce_min3A_520 = tpu.scan <min>, %gather3A_514 masked %reduce_min3A_519 : vector<16xf32>, vector<16xi1> -> vector<16xf32>
          %reduce_min3A_521 = vector.extract %reduce_min3A_520[15] : f32 from vector<16xf32>
          %eq3A_522 = vector.broadcast %reduce_min3A_517 : f32 to vector<16xf32>
          %eq3A_523 = arith.cmpf oeq, %gather3A_513, %eq3A_522 : vector<16xf32>
          %jit3A_524 = arith.constant 1073741824 : i32
          %broadcast_in_dim3A_525 = vector.broadcast %jit3A_524 : i32 to vector<16xi32>
          %select_n3A_526 = arith.select %eq3A_523, %get3A_497, %broadcast_in_dim3A_525 : vector<16xi1>, vector<16xi32>
          %reduce_min3A_527 = arith.constant true
          %reduce_min3A_528 = vector.broadcast %reduce_min3A_527 : i1 to vector<16xi1>
          %reduce_min3A_529 = arith.constant -2147483648 : i32
          %reduce_min3A_530 = vector.broadcast %reduce_min3A_529 : i32 to vector<16xi32>
          %reduce_min3A_531 = arith.xori %select_n3A_526, %reduce_min3A_530 : vector<16xi32>
          %reduce_min3A_532 = tpu.scan <min>, %reduce_min3A_531 masked %reduce_min3A_528 : vector<16xi32>, vector<16xi1> -> vector<16xi32>
          %reduce_min3A_533 = arith.xori %reduce_min3A_532, %reduce_min3A_530 : vector<16xi32>
          %reduce_min3A_534 = vector.extract %reduce_min3A_533[15] : i32 from vector<16xi32>
          %eq3A_535 = vector.broadcast %reduce_min3A_521 : f32 to vector<16xf32>
          %eq3A_536 = arith.cmpf oeq, %gather3A_514, %eq3A_535 : vector<16xf32>
          %jit3A_537 = arith.constant 1073741824 : i32
          %broadcast_in_dim3A_538 = vector.broadcast %jit3A_537 : i32 to vector<16xi32>
          %select_n3A_539 = arith.select %eq3A_536, %get3A_499, %broadcast_in_dim3A_538 : vector<16xi1>, vector<16xi32>
          %reduce_min3A_540 = arith.constant true
          %reduce_min3A_541 = vector.broadcast %reduce_min3A_540 : i1 to vector<16xi1>
          %reduce_min3A_542 = arith.constant -2147483648 : i32
          %reduce_min3A_543 = vector.broadcast %reduce_min3A_542 : i32 to vector<16xi32>
          %reduce_min3A_544 = arith.xori %select_n3A_539, %reduce_min3A_543 : vector<16xi32>
          %reduce_min3A_545 = tpu.scan <min>, %reduce_min3A_544 masked %reduce_min3A_541 : vector<16xi32>, vector<16xi1> -> vector<16xi32>
          %reduce_min3A_546 = arith.xori %reduce_min3A_545, %reduce_min3A_543 : vector<16xi32>
          %reduce_min3A_547 = vector.extract %reduce_min3A_546[15] : i32 from vector<16xi32>
          %lt3A = arith.cmpf olt, %reduce_min3A_521, %reduce_min3A_517 : f32
          %eq3A_548 = arith.cmpf oeq, %reduce_min3A_521, %reduce_min3A_517 : f32
          %min3A_549 = arith.minsi %reduce_min3A_534, %reduce_min3A_547 : i32
          %select_n3A_550 = arith.select %eq3A_548, %min3A_549, %reduce_min3A_534 : i32
          %select_n3A_551 = arith.select %lt3A, %reduce_min3A_547, %select_n3A_550 : i32
          %broadcast_in_dim3A_552 = vector.broadcast %select_n3A_551 : i32 to vector<16xi32>
          tpu.vector_store_idx %arg12[%broadcast_in_dim3A_552], %broadcast_in_dim3A_3 masked %eq3A_14 : memref<4128xf32, #tpu.memory_space<vmem>>[vector<16xi32>], vector<16xf32>, vector<16xi1>
          %broadcast_in_dim3A_553 = vector.broadcast %while3A_511 : i32 to vector<16xi32>
          tpu.vector_store_idx %arg18[%broadcast_in_dim3A_102, %broadcast_in_dim3A_553], %broadcast_in_dim3A_552 masked %eq3A_14 : memref<128x48xi32, #tpu.memory_space<vmem>>[vector<16xi32>, vector<16xi32>], vector<16xi32>, vector<16xi1>
          %while3A_554 = arith.constant 0 : i32
          scf.yield %while3A_554 : i32
        }
      } else {
      }
      %gt3A = arith.constant 32 : i32
      %gt3A_115 = arith.cmpi sgt, %parallel_loop3A_72, %gt3A : i32
      %le3A_116 = arith.constant 48 : i32
      %le3A_117 = arith.cmpi sle, %parallel_loop3A_72, %le3A_116 : i32
      %and3A_118 = arith.andi %gt3A_115, %le3A_117 : i1
      %convert_element_type3A_119 = arith.extui %and3A_118 : i1 to i32
      %cond3A_120 = arith.constant 0 : i32
      %cond3A_121 = arith.cmpi ne, %convert_element_type3A_119, %cond3A_120 : i32
      scf.if %cond3A_121 {
        %get3A_496 = arith.constant 0 : index
        %get3A_497 = tpu.vector_load %arg14[%get3A_496] {strides = array<i32>} : memref<4128xi32, #tpu.memory_space<vmem>>, vector<16xi32>,
        %get3A_498 = arith.constant 16 : index
        %get3A_499 = tpu.vector_load %arg14[%get3A_498] {strides = array<i32>} : memref<4128xi32, #tpu.memory_space<vmem>>, vector<16xi32>,
        %get3A_500 = arith.constant 32 : index
        %get3A_501 = tpu.vector_load %arg14[%get3A_500] {strides = array<i32>} : memref<4128xi32, #tpu.memory_space<vmem>>, vector<16xi32>,
        %while3A = arith.constant 0 : i32
        %while3A_502 = arith.constant 0 : i32
        %while3A_503 = arith.subi %min3A_112, %while3A : i32
        %while3A_504 = arith.addi %while3A, %while3A_503 : i32
        %while3A_505 = arith.constant 1 : i32
        %while3A_506 = arith.divsi %while3A_503, %while3A_505 : i32
        %while3A_507 = arith.muli %while3A_506, %while3A_505 : i32
        %while3A_508 = arith.addi %while3A, %while3A_507 : i32
        %while3A_509 = arith.constant 1 : i32
        %while3A_510 = scf.for %while3A_513 = %while3A to %while3A_508 step %while3A_509 iter_args(%while3A_514 = %while3A_502) -> (i32)  : i32 {
          %gather3A_515 = tpu.vector_load_idx %arg12[%get3A_497] : memref<4128xf32, #tpu.memory_space<vmem>>[vector<16xi32>], vector<16xf32>,
          %gather3A_516 = tpu.vector_load_idx %arg12[%get3A_499] : memref<4128xf32, #tpu.memory_space<vmem>>[vector<16xi32>], vector<16xf32>,
          %gather3A_517 = tpu.vector_load_idx %arg12[%get3A_501] : memref<4128xf32, #tpu.memory_space<vmem>>[vector<16xi32>], vector<16xf32>,
          %reduce_min3A = arith.constant true
          %reduce_min3A_518 = vector.broadcast %reduce_min3A : i1 to vector<16xi1>
          %reduce_min3A_519 = tpu.scan <min>, %gather3A_515 masked %reduce_min3A_518 : vector<16xf32>, vector<16xi1> -> vector<16xf32>
          %reduce_min3A_520 = vector.extract %reduce_min3A_519[15] : f32 from vector<16xf32>
          %reduce_min3A_521 = arith.constant true
          %reduce_min3A_522 = vector.broadcast %reduce_min3A_521 : i1 to vector<16xi1>
          %reduce_min3A_523 = tpu.scan <min>, %gather3A_516 masked %reduce_min3A_522 : vector<16xf32>, vector<16xi1> -> vector<16xf32>
          %reduce_min3A_524 = vector.extract %reduce_min3A_523[15] : f32 from vector<16xf32>
          %reduce_min3A_525 = arith.constant true
          %reduce_min3A_526 = vector.broadcast %reduce_min3A_525 : i1 to vector<16xi1>
          %reduce_min3A_527 = tpu.scan <min>, %gather3A_517 masked %reduce_min3A_526 : vector<16xf32>, vector<16xi1> -> vector<16xf32>
          %reduce_min3A_528 = vector.extract %reduce_min3A_527[15] : f32 from vector<16xf32>
          %eq3A_529 = vector.broadcast %reduce_min3A_520 : f32 to vector<16xf32>
          %eq3A_530 = arith.cmpf oeq, %gather3A_515, %eq3A_529 : vector<16xf32>
          %jit3A_531 = arith.constant 1073741824 : i32
          %broadcast_in_dim3A_532 = vector.broadcast %jit3A_531 : i32 to vector<16xi32>
          %select_n3A_533 = arith.select %eq3A_530, %get3A_497, %broadcast_in_dim3A_532 : vector<16xi1>, vector<16xi32>
          %reduce_min3A_534 = arith.constant true
          %reduce_min3A_535 = vector.broadcast %reduce_min3A_534 : i1 to vector<16xi1>
          %reduce_min3A_536 = arith.constant -2147483648 : i32
          %reduce_min3A_537 = vector.broadcast %reduce_min3A_536 : i32 to vector<16xi32>
          %reduce_min3A_538 = arith.xori %select_n3A_533, %reduce_min3A_537 : vector<16xi32>
          %reduce_min3A_539 = tpu.scan <min>, %reduce_min3A_538 masked %reduce_min3A_535 : vector<16xi32>, vector<16xi1> -> vector<16xi32>
          %reduce_min3A_540 = arith.xori %reduce_min3A_539, %reduce_min3A_537 : vector<16xi32>
          %reduce_min3A_541 = vector.extract %reduce_min3A_540[15] : i32 from vector<16xi32>
          %eq3A_542 = vector.broadcast %reduce_min3A_524 : f32 to vector<16xf32>
          %eq3A_543 = arith.cmpf oeq, %gather3A_516, %eq3A_542 : vector<16xf32>
          %jit3A_544 = arith.constant 1073741824 : i32
          %broadcast_in_dim3A_545 = vector.broadcast %jit3A_544 : i32 to vector<16xi32>
          %select_n3A_546 = arith.select %eq3A_543, %get3A_499, %broadcast_in_dim3A_545 : vector<16xi1>, vector<16xi32>
          %reduce_min3A_547 = arith.constant true
          %reduce_min3A_548 = vector.broadcast %reduce_min3A_547 : i1 to vector<16xi1>
          %reduce_min3A_549 = arith.constant -2147483648 : i32
          %reduce_min3A_550 = vector.broadcast %reduce_min3A_549 : i32 to vector<16xi32>
          %reduce_min3A_551 = arith.xori %select_n3A_546, %reduce_min3A_550 : vector<16xi32>
          %reduce_min3A_552 = tpu.scan <min>, %reduce_min3A_551 masked %reduce_min3A_548 : vector<16xi32>, vector<16xi1> -> vector<16xi32>
          %reduce_min3A_553 = arith.xori %reduce_min3A_552, %reduce_min3A_550 : vector<16xi32>
          %reduce_min3A_554 = vector.extract %reduce_min3A_553[15] : i32 from vector<16xi32>
          %eq3A_555 = vector.broadcast %reduce_min3A_528 : f32 to vector<16xf32>
          %eq3A_556 = arith.cmpf oeq, %gather3A_517, %eq3A_555 : vector<16xf32>
          %jit3A_557 = arith.constant 1073741824 : i32
          %broadcast_in_dim3A_558 = vector.broadcast %jit3A_557 : i32 to vector<16xi32>
          %select_n3A_559 = arith.select %eq3A_556, %get3A_501, %broadcast_in_dim3A_558 : vector<16xi1>, vector<16xi32>
          %reduce_min3A_560 = arith.constant true
          %reduce_min3A_561 = vector.broadcast %reduce_min3A_560 : i1 to vector<16xi1>
          %reduce_min3A_562 = arith.constant -2147483648 : i32
          %reduce_min3A_563 = vector.broadcast %reduce_min3A_562 : i32 to vector<16xi32>
          %reduce_min3A_564 = arith.xori %select_n3A_559, %reduce_min3A_563 : vector<16xi32>
          %reduce_min3A_565 = tpu.scan <min>, %reduce_min3A_564 masked %reduce_min3A_561 : vector<16xi32>, vector<16xi1> -> vector<16xi32>
          %reduce_min3A_566 = arith.xori %reduce_min3A_565, %reduce_min3A_563 : vector<16xi32>
          %reduce_min3A_567 = vector.extract %reduce_min3A_566[15] : i32 from vector<16xi32>
          %lt3A = arith.cmpf olt, %reduce_min3A_524, %reduce_min3A_520 : f32
          %eq3A_568 = arith.cmpf oeq, %reduce_min3A_524, %reduce_min3A_520 : f32
          %select_n3A_569 = arith.select %lt3A, %reduce_min3A_524, %reduce_min3A_520 : f32
          %min3A_570 = arith.minsi %reduce_min3A_541, %reduce_min3A_554 : i32
          %select_n3A_571 = arith.select %eq3A_568, %min3A_570, %reduce_min3A_541 : i32
          %select_n3A_572 = arith.select %lt3A, %reduce_min3A_554, %select_n3A_571 : i32
          %lt3A_573 = arith.cmpf olt, %reduce_min3A_528, %select_n3A_569 : f32
          %eq3A_574 = arith.cmpf oeq, %reduce_min3A_528, %select_n3A_569 : f32
          %min3A_575 = arith.minsi %select_n3A_572, %reduce_min3A_567 : i32
          %select_n3A_576 = arith.select %eq3A_574, %min3A_575, %select_n3A_572 : i32
          %select_n3A_577 = arith.select %lt3A_573, %reduce_min3A_567, %select_n3A_576 : i32
          %broadcast_in_dim3A_578 = vector.broadcast %select_n3A_577 : i32 to vector<16xi32>
          tpu.vector_store_idx %arg12[%broadcast_in_dim3A_578], %broadcast_in_dim3A_3 masked %eq3A_14 : memref<4128xf32, #tpu.memory_space<vmem>>[vector<16xi32>], vector<16xf32>, vector<16xi1>
          %broadcast_in_dim3A_579 = vector.broadcast %while3A_513 : i32 to vector<16xi32>
          tpu.vector_store_idx %arg18[%broadcast_in_dim3A_102, %broadcast_in_dim3A_579], %broadcast_in_dim3A_578 masked %eq3A_14 : memref<128x48xi32, #tpu.memory_space<vmem>>[vector<16xi32>, vector<16xi32>], vector<16xi32>, vector<16xi1>
          %while3A_580 = arith.constant 0 : i32
          scf.yield %while3A_580 : i32
        }
        %while3A_511 = arith.constant 1 : i32
        %while3A_512 = scf.for %while3A_513 = %while3A_508 to %while3A_504 step %while3A_511 iter_args(%while3A_514 = %while3A_510) -> (i32)  : i32 {
          %gather3A_515 = tpu.vector_load_idx %arg12[%get3A_497] : memref<4128xf32, #tpu.memory_space<vmem>>[vector<16xi32>], vector<16xf32>,
          %gather3A_516 = tpu.vector_load_idx %arg12[%get3A_499] : memref<4128xf32, #tpu.memory_space<vmem>>[vector<16xi32>], vector<16xf32>,
          %gather3A_517 = tpu.vector_load_idx %arg12[%get3A_501] : memref<4128xf32, #tpu.memory_space<vmem>>[vector<16xi32>], vector<16xf32>,
          %reduce_min3A = arith.constant true
          %reduce_min3A_518 = vector.broadcast %reduce_min3A : i1 to vector<16xi1>
          %reduce_min3A_519 = tpu.scan <min>, %gather3A_515 masked %reduce_min3A_518 : vector<16xf32>, vector<16xi1> -> vector<16xf32>
          %reduce_min3A_520 = vector.extract %reduce_min3A_519[15] : f32 from vector<16xf32>
          %reduce_min3A_521 = arith.constant true
          %reduce_min3A_522 = vector.broadcast %reduce_min3A_521 : i1 to vector<16xi1>
          %reduce_min3A_523 = tpu.scan <min>, %gather3A_516 masked %reduce_min3A_522 : vector<16xf32>, vector<16xi1> -> vector<16xf32>
          %reduce_min3A_524 = vector.extract %reduce_min3A_523[15] : f32 from vector<16xf32>
          %reduce_min3A_525 = arith.constant true
          %reduce_min3A_526 = vector.broadcast %reduce_min3A_525 : i1 to vector<16xi1>
          %reduce_min3A_527 = tpu.scan <min>, %gather3A_517 masked %reduce_min3A_526 : vector<16xf32>, vector<16xi1> -> vector<16xf32>
          %reduce_min3A_528 = vector.extract %reduce_min3A_527[15] : f32 from vector<16xf32>
          %eq3A_529 = vector.broadcast %reduce_min3A_520 : f32 to vector<16xf32>
          %eq3A_530 = arith.cmpf oeq, %gather3A_515, %eq3A_529 : vector<16xf32>
          %jit3A_531 = arith.constant 1073741824 : i32
          %broadcast_in_dim3A_532 = vector.broadcast %jit3A_531 : i32 to vector<16xi32>
          %select_n3A_533 = arith.select %eq3A_530, %get3A_497, %broadcast_in_dim3A_532 : vector<16xi1>, vector<16xi32>
          %reduce_min3A_534 = arith.constant true
          %reduce_min3A_535 = vector.broadcast %reduce_min3A_534 : i1 to vector<16xi1>
          %reduce_min3A_536 = arith.constant -2147483648 : i32
          %reduce_min3A_537 = vector.broadcast %reduce_min3A_536 : i32 to vector<16xi32>
          %reduce_min3A_538 = arith.xori %select_n3A_533, %reduce_min3A_537 : vector<16xi32>
          %reduce_min3A_539 = tpu.scan <min>, %reduce_min3A_538 masked %reduce_min3A_535 : vector<16xi32>, vector<16xi1> -> vector<16xi32>
          %reduce_min3A_540 = arith.xori %reduce_min3A_539, %reduce_min3A_537 : vector<16xi32>
          %reduce_min3A_541 = vector.extract %reduce_min3A_540[15] : i32 from vector<16xi32>
          %eq3A_542 = vector.broadcast %reduce_min3A_524 : f32 to vector<16xf32>
          %eq3A_543 = arith.cmpf oeq, %gather3A_516, %eq3A_542 : vector<16xf32>
          %jit3A_544 = arith.constant 1073741824 : i32
          %broadcast_in_dim3A_545 = vector.broadcast %jit3A_544 : i32 to vector<16xi32>
          %select_n3A_546 = arith.select %eq3A_543, %get3A_499, %broadcast_in_dim3A_545 : vector<16xi1>, vector<16xi32>
          %reduce_min3A_547 = arith.constant true
          %reduce_min3A_548 = vector.broadcast %reduce_min3A_547 : i1 to vector<16xi1>
          %reduce_min3A_549 = arith.constant -2147483648 : i32
          %reduce_min3A_550 = vector.broadcast %reduce_min3A_549 : i32 to vector<16xi32>
          %reduce_min3A_551 = arith.xori %select_n3A_546, %reduce_min3A_550 : vector<16xi32>
          %reduce_min3A_552 = tpu.scan <min>, %reduce_min3A_551 masked %reduce_min3A_548 : vector<16xi32>, vector<16xi1> -> vector<16xi32>
          %reduce_min3A_553 = arith.xori %reduce_min3A_552, %reduce_min3A_550 : vector<16xi32>
          %reduce_min3A_554 = vector.extract %reduce_min3A_553[15] : i32 from vector<16xi32>
          %eq3A_555 = vector.broadcast %reduce_min3A_528 : f32 to vector<16xf32>
          %eq3A_556 = arith.cmpf oeq, %gather3A_517, %eq3A_555 : vector<16xf32>
          %jit3A_557 = arith.constant 1073741824 : i32
          %broadcast_in_dim3A_558 = vector.broadcast %jit3A_557 : i32 to vector<16xi32>
          %select_n3A_559 = arith.select %eq3A_556, %get3A_501, %broadcast_in_dim3A_558 : vector<16xi1>, vector<16xi32>
          %reduce_min3A_560 = arith.constant true
          %reduce_min3A_561 = vector.broadcast %reduce_min3A_560 : i1 to vector<16xi1>
          %reduce_min3A_562 = arith.constant -2147483648 : i32
          %reduce_min3A_563 = vector.broadcast %reduce_min3A_562 : i32 to vector<16xi32>
          %reduce_min3A_564 = arith.xori %select_n3A_559, %reduce_min3A_563 : vector<16xi32>
          %reduce_min3A_565 = tpu.scan <min>, %reduce_min3A_564 masked %reduce_min3A_561 : vector<16xi32>, vector<16xi1> -> vector<16xi32>
          %reduce_min3A_566 = arith.xori %reduce_min3A_565, %reduce_min3A_563 : vector<16xi32>
          %reduce_min3A_567 = vector.extract %reduce_min3A_566[15] : i32 from vector<16xi32>
          %lt3A = arith.cmpf olt, %reduce_min3A_524, %reduce_min3A_520 : f32
          %eq3A_568 = arith.cmpf oeq, %reduce_min3A_524, %reduce_min3A_520 : f32
          %select_n3A_569 = arith.select %lt3A, %reduce_min3A_524, %reduce_min3A_520 : f32
          %min3A_570 = arith.minsi %reduce_min3A_541, %reduce_min3A_554 : i32
          %select_n3A_571 = arith.select %eq3A_568, %min3A_570, %reduce_min3A_541 : i32
          %select_n3A_572 = arith.select %lt3A, %reduce_min3A_554, %select_n3A_571 : i32
          %lt3A_573 = arith.cmpf olt, %reduce_min3A_528, %select_n3A_569 : f32
          %eq3A_574 = arith.cmpf oeq, %reduce_min3A_528, %select_n3A_569 : f32
          %min3A_575 = arith.minsi %select_n3A_572, %reduce_min3A_567 : i32
          %select_n3A_576 = arith.select %eq3A_574, %min3A_575, %select_n3A_572 : i32
          %select_n3A_577 = arith.select %lt3A_573, %reduce_min3A_567, %select_n3A_576 : i32
          %broadcast_in_dim3A_578 = vector.broadcast %select_n3A_577 : i32 to vector<16xi32>
          tpu.vector_store_idx %arg12[%broadcast_in_dim3A_578], %broadcast_in_dim3A_3 masked %eq3A_14 : memref<4128xf32, #tpu.memory_space<vmem>>[vector<16xi32>], vector<16xf32>, vector<16xi1>
          %broadcast_in_dim3A_579 = vector.broadcast %while3A_513 : i32 to vector<16xi32>
          tpu.vector_store_idx %arg18[%broadcast_in_dim3A_102, %broadcast_in_dim3A_579], %broadcast_in_dim3A_578 masked %eq3A_14 : memref<128x48xi32, #tpu.memory_space<vmem>>[vector<16xi32>, vector<16xi32>], vector<16xi32>, vector<16xi1>
          %while3A_580 = arith.constant 0 : i32
          scf.yield %while3A_580 : i32
        }
      } else {
      }
      %gt3A_122 = arith.constant 48 : i32
      %gt3A_123 = arith.cmpi sgt, %parallel_loop3A_72, %gt3A_122 : i32
      %convert_element_type3A_124 = arith.extui %gt3A_123 : i1 to i32
      %cond3A_125 = arith.constant 0 : i32
      %cond3A_126 = arith.cmpi ne, %convert_element_type3A_124, %cond3A_125 : i32
      scf.if %cond3A_126 {
        %while3A = arith.constant 0 : i32
        %while3A_496 = arith.constant 0 : i32
        %while3A_497 = arith.subi %min3A_112, %while3A : i32
        %while3A_498 = arith.addi %while3A, %while3A_497 : i32
        %while3A_499 = arith.constant 1 : i32
        %while3A_500 = arith.divsi %while3A_497, %while3A_499 : i32
        %while3A_501 = arith.muli %while3A_500, %while3A_499 : i32
        %while3A_502 = arith.addi %while3A, %while3A_501 : i32
        %while3A_503 = arith.constant 1 : i32
        %while3A_504 = scf.for %while3A_507 = %while3A to %while3A_502 step %while3A_503 iter_args(%while3A_508 = %while3A_496) -> (i32)  : i32 {
          %while3A_509 = arith.constant 0 : i32
          %while3A_510 = arith.constant 0x7F800000 : f32
          %while3A_511 = arith.constant 1073741824 : i32
          %while3A_512 = arith.subi %select_n3A, %while3A_509 : i32
          %while3A_513 = arith.addi %while3A_509, %while3A_512 : i32
          %while3A_514 = arith.constant 1 : i32
          %while3A_515 = arith.divsi %while3A_512, %while3A_514 : i32
          %while3A_516 = arith.muli %while3A_515, %while3A_514 : i32
          %while3A_517 = arith.addi %while3A_509, %while3A_516 : i32
          %while3A_518 = arith.constant 1 : i32
          %while3A_519:2 = scf.for %while3A_525 = %while3A_509 to %while3A_517 step %while3A_518 iter_args(%while3A_526 = %while3A_510, %while3A_527 = %while3A_511) -> (f32, i32)  : i32 {
            %mul3A_528 = arith.constant 16 : i32
            %mul3A_529 = arith.muli %while3A_525, %mul3A_528 : i32
            %get3A_530 = arith.index_cast %mul3A_529 : i32 to index
            %get3A_531 = tpu.vector_load %arg14[%get3A_530] {strides = array<i32>} : memref<4128xi32, #tpu.memory_space<vmem>>, vector<16xi32>,
            %gather3A_532 = tpu.vector_load_idx %arg12[%get3A_531] : memref<4128xf32, #tpu.memory_space<vmem>>[vector<16xi32>], vector<16xf32>,
            %reduce_min3A = arith.constant true
            %reduce_min3A_533 = vector.broadcast %reduce_min3A : i1 to vector<16xi1>
            %reduce_min3A_534 = tpu.scan <min>, %gather3A_532 masked %reduce_min3A_533 : vector<16xf32>, vector<16xi1> -> vector<16xf32>
            %reduce_min3A_535 = vector.extract %reduce_min3A_534[15] : f32 from vector<16xf32>
            %eq3A_536 = vector.broadcast %reduce_min3A_535 : f32 to vector<16xf32>
            %eq3A_537 = arith.cmpf oeq, %gather3A_532, %eq3A_536 : vector<16xf32>
            %jit3A_538 = arith.constant 1073741824 : i32
            %broadcast_in_dim3A_539 = vector.broadcast %jit3A_538 : i32 to vector<16xi32>
            %select_n3A_540 = arith.select %eq3A_537, %get3A_531, %broadcast_in_dim3A_539 : vector<16xi1>, vector<16xi32>
            %reduce_min3A_541 = arith.constant true
            %reduce_min3A_542 = vector.broadcast %reduce_min3A_541 : i1 to vector<16xi1>
            %reduce_min3A_543 = arith.constant -2147483648 : i32
            %reduce_min3A_544 = vector.broadcast %reduce_min3A_543 : i32 to vector<16xi32>
            %reduce_min3A_545 = arith.xori %select_n3A_540, %reduce_min3A_544 : vector<16xi32>
            %reduce_min3A_546 = tpu.scan <min>, %reduce_min3A_545 masked %reduce_min3A_542 : vector<16xi32>, vector<16xi1> -> vector<16xi32>
            %reduce_min3A_547 = arith.xori %reduce_min3A_546, %reduce_min3A_544 : vector<16xi32>
            %reduce_min3A_548 = vector.extract %reduce_min3A_547[15] : i32 from vector<16xi32>
            %lt3A = arith.cmpf olt, %reduce_min3A_535, %while3A_526 : f32
            %eq3A_549 = arith.cmpf oeq, %reduce_min3A_535, %while3A_526 : f32
            %select_n3A_550 = arith.select %lt3A, %reduce_min3A_535, %while3A_526 : f32
            %min3A_551 = arith.minsi %while3A_527, %reduce_min3A_548 : i32
            %select_n3A_552 = arith.select %eq3A_549, %min3A_551, %while3A_527 : i32
            %select_n3A_553 = arith.select %lt3A, %reduce_min3A_548, %select_n3A_552 : i32
            scf.yield %select_n3A_550, %select_n3A_553 : f32, i32
          }
          %while3A_520 = arith.constant 1 : i32
          %while3A_521:2 = scf.for %while3A_525 = %while3A_517 to %while3A_513 step %while3A_520 iter_args(%while3A_526 = %while3A_519#0, %while3A_527 = %while3A_519#1) -> (f32, i32)  : i32 {
            %mul3A_528 = arith.constant 16 : i32
            %mul3A_529 = arith.muli %while3A_525, %mul3A_528 : i32
            %get3A_530 = arith.index_cast %mul3A_529 : i32 to index
            %get3A_531 = tpu.vector_load %arg14[%get3A_530] {strides = array<i32>} : memref<4128xi32, #tpu.memory_space<vmem>>, vector<16xi32>,
            %gather3A_532 = tpu.vector_load_idx %arg12[%get3A_531] : memref<4128xf32, #tpu.memory_space<vmem>>[vector<16xi32>], vector<16xf32>,
            %reduce_min3A = arith.constant true
            %reduce_min3A_533 = vector.broadcast %reduce_min3A : i1 to vector<16xi1>
            %reduce_min3A_534 = tpu.scan <min>, %gather3A_532 masked %reduce_min3A_533 : vector<16xf32>, vector<16xi1> -> vector<16xf32>
            %reduce_min3A_535 = vector.extract %reduce_min3A_534[15] : f32 from vector<16xf32>
            %eq3A_536 = vector.broadcast %reduce_min3A_535 : f32 to vector<16xf32>
            %eq3A_537 = arith.cmpf oeq, %gather3A_532, %eq3A_536 : vector<16xf32>
            %jit3A_538 = arith.constant 1073741824 : i32
            %broadcast_in_dim3A_539 = vector.broadcast %jit3A_538 : i32 to vector<16xi32>
            %select_n3A_540 = arith.select %eq3A_537, %get3A_531, %broadcast_in_dim3A_539 : vector<16xi1>, vector<16xi32>
            %reduce_min3A_541 = arith.constant true
            %reduce_min3A_542 = vector.broadcast %reduce_min3A_541 : i1 to vector<16xi1>
            %reduce_min3A_543 = arith.constant -2147483648 : i32
            %reduce_min3A_544 = vector.broadcast %reduce_min3A_543 : i32 to vector<16xi32>
            %reduce_min3A_545 = arith.xori %select_n3A_540, %reduce_min3A_544 : vector<16xi32>
            %reduce_min3A_546 = tpu.scan <min>, %reduce_min3A_545 masked %reduce_min3A_542 : vector<16xi32>, vector<16xi1> -> vector<16xi32>
            %reduce_min3A_547 = arith.xori %reduce_min3A_546, %reduce_min3A_544 : vector<16xi32>
            %reduce_min3A_548 = vector.extract %reduce_min3A_547[15] : i32 from vector<16xi32>
            %lt3A = arith.cmpf olt, %reduce_min3A_535, %while3A_526 : f32
            %eq3A_549 = arith.cmpf oeq, %reduce_min3A_535, %while3A_526 : f32
            %select_n3A_550 = arith.select %lt3A, %reduce_min3A_535, %while3A_526 : f32
            %min3A_551 = arith.minsi %while3A_527, %reduce_min3A_548 : i32
            %select_n3A_552 = arith.select %eq3A_549, %min3A_551, %while3A_527 : i32
            %select_n3A_553 = arith.select %lt3A, %reduce_min3A_548, %select_n3A_552 : i32
            scf.yield %select_n3A_550, %select_n3A_553 : f32, i32
          }
          %broadcast_in_dim3A_522 = vector.broadcast %while3A_521#1 : i32 to vector<16xi32>
          tpu.vector_store_idx %arg12[%broadcast_in_dim3A_522], %broadcast_in_dim3A_3 masked %eq3A_14 : memref<4128xf32, #tpu.memory_space<vmem>>[vector<16xi32>], vector<16xf32>, vector<16xi1>
          %broadcast_in_dim3A_523 = vector.broadcast %while3A_507 : i32 to vector<16xi32>
          tpu.vector_store_idx %arg18[%broadcast_in_dim3A_102, %broadcast_in_dim3A_523], %broadcast_in_dim3A_522 masked %eq3A_14 : memref<128x48xi32, #tpu.memory_space<vmem>>[vector<16xi32>, vector<16xi32>], vector<16xi32>, vector<16xi1>
          %while3A_524 = arith.constant 0 : i32
          scf.yield %while3A_524 : i32
        }
        %while3A_505 = arith.constant 1 : i32
        %while3A_506 = scf.for %while3A_507 = %while3A_502 to %while3A_498 step %while3A_505 iter_args(%while3A_508 = %while3A_504) -> (i32)  : i32 {
          %while3A_509 = arith.constant 0 : i32
          %while3A_510 = arith.constant 0x7F800000 : f32
          %while3A_511 = arith.constant 1073741824 : i32
          %while3A_512 = arith.subi %select_n3A, %while3A_509 : i32
          %while3A_513 = arith.addi %while3A_509, %while3A_512 : i32
          %while3A_514 = arith.constant 1 : i32
          %while3A_515 = arith.divsi %while3A_512, %while3A_514 : i32
          %while3A_516 = arith.muli %while3A_515, %while3A_514 : i32
          %while3A_517 = arith.addi %while3A_509, %while3A_516 : i32
          %while3A_518 = arith.constant 1 : i32
          %while3A_519:2 = scf.for %while3A_525 = %while3A_509 to %while3A_517 step %while3A_518 iter_args(%while3A_526 = %while3A_510, %while3A_527 = %while3A_511) -> (f32, i32)  : i32 {
            %mul3A_528 = arith.constant 16 : i32
            %mul3A_529 = arith.muli %while3A_525, %mul3A_528 : i32
            %get3A_530 = arith.index_cast %mul3A_529 : i32 to index
            %get3A_531 = tpu.vector_load %arg14[%get3A_530] {strides = array<i32>} : memref<4128xi32, #tpu.memory_space<vmem>>, vector<16xi32>,
            %gather3A_532 = tpu.vector_load_idx %arg12[%get3A_531] : memref<4128xf32, #tpu.memory_space<vmem>>[vector<16xi32>], vector<16xf32>,
            %reduce_min3A = arith.constant true
            %reduce_min3A_533 = vector.broadcast %reduce_min3A : i1 to vector<16xi1>
            %reduce_min3A_534 = tpu.scan <min>, %gather3A_532 masked %reduce_min3A_533 : vector<16xf32>, vector<16xi1> -> vector<16xf32>
            %reduce_min3A_535 = vector.extract %reduce_min3A_534[15] : f32 from vector<16xf32>
            %eq3A_536 = vector.broadcast %reduce_min3A_535 : f32 to vector<16xf32>
            %eq3A_537 = arith.cmpf oeq, %gather3A_532, %eq3A_536 : vector<16xf32>
            %jit3A_538 = arith.constant 1073741824 : i32
            %broadcast_in_dim3A_539 = vector.broadcast %jit3A_538 : i32 to vector<16xi32>
            %select_n3A_540 = arith.select %eq3A_537, %get3A_531, %broadcast_in_dim3A_539 : vector<16xi1>, vector<16xi32>
            %reduce_min3A_541 = arith.constant true
            %reduce_min3A_542 = vector.broadcast %reduce_min3A_541 : i1 to vector<16xi1>
            %reduce_min3A_543 = arith.constant -2147483648 : i32
            %reduce_min3A_544 = vector.broadcast %reduce_min3A_543 : i32 to vector<16xi32>
            %reduce_min3A_545 = arith.xori %select_n3A_540, %reduce_min3A_544 : vector<16xi32>
            %reduce_min3A_546 = tpu.scan <min>, %reduce_min3A_545 masked %reduce_min3A_542 : vector<16xi32>, vector<16xi1> -> vector<16xi32>
            %reduce_min3A_547 = arith.xori %reduce_min3A_546, %reduce_min3A_544 : vector<16xi32>
            %reduce_min3A_548 = vector.extract %reduce_min3A_547[15] : i32 from vector<16xi32>
            %lt3A = arith.cmpf olt, %reduce_min3A_535, %while3A_526 : f32
            %eq3A_549 = arith.cmpf oeq, %reduce_min3A_535, %while3A_526 : f32
            %select_n3A_550 = arith.select %lt3A, %reduce_min3A_535, %while3A_526 : f32
            %min3A_551 = arith.minsi %while3A_527, %reduce_min3A_548 : i32
            %select_n3A_552 = arith.select %eq3A_549, %min3A_551, %while3A_527 : i32
            %select_n3A_553 = arith.select %lt3A, %reduce_min3A_548, %select_n3A_552 : i32
            scf.yield %select_n3A_550, %select_n3A_553 : f32, i32
          }
          %while3A_520 = arith.constant 1 : i32
          %while3A_521:2 = scf.for %while3A_525 = %while3A_517 to %while3A_513 step %while3A_520 iter_args(%while3A_526 = %while3A_519#0, %while3A_527 = %while3A_519#1) -> (f32, i32)  : i32 {
            %mul3A_528 = arith.constant 16 : i32
            %mul3A_529 = arith.muli %while3A_525, %mul3A_528 : i32
            %get3A_530 = arith.index_cast %mul3A_529 : i32 to index
            %get3A_531 = tpu.vector_load %arg14[%get3A_530] {strides = array<i32>} : memref<4128xi32, #tpu.memory_space<vmem>>, vector<16xi32>,
            %gather3A_532 = tpu.vector_load_idx %arg12[%get3A_531] : memref<4128xf32, #tpu.memory_space<vmem>>[vector<16xi32>], vector<16xf32>,
            %reduce_min3A = arith.constant true
            %reduce_min3A_533 = vector.broadcast %reduce_min3A : i1 to vector<16xi1>
            %reduce_min3A_534 = tpu.scan <min>, %gather3A_532 masked %reduce_min3A_533 : vector<16xf32>, vector<16xi1> -> vector<16xf32>
            %reduce_min3A_535 = vector.extract %reduce_min3A_534[15] : f32 from vector<16xf32>
            %eq3A_536 = vector.broadcast %reduce_min3A_535 : f32 to vector<16xf32>
            %eq3A_537 = arith.cmpf oeq, %gather3A_532, %eq3A_536 : vector<16xf32>
            %jit3A_538 = arith.constant 1073741824 : i32
            %broadcast_in_dim3A_539 = vector.broadcast %jit3A_538 : i32 to vector<16xi32>
            %select_n3A_540 = arith.select %eq3A_537, %get3A_531, %broadcast_in_dim3A_539 : vector<16xi1>, vector<16xi32>
            %reduce_min3A_541 = arith.constant true
            %reduce_min3A_542 = vector.broadcast %reduce_min3A_541 : i1 to vector<16xi1>
            %reduce_min3A_543 = arith.constant -2147483648 : i32
            %reduce_min3A_544 = vector.broadcast %reduce_min3A_543 : i32 to vector<16xi32>
            %reduce_min3A_545 = arith.xori %select_n3A_540, %reduce_min3A_544 : vector<16xi32>
            %reduce_min3A_546 = tpu.scan <min>, %reduce_min3A_545 masked %reduce_min3A_542 : vector<16xi32>, vector<16xi1> -> vector<16xi32>
            %reduce_min3A_547 = arith.xori %reduce_min3A_546, %reduce_min3A_544 : vector<16xi32>
            %reduce_min3A_548 = vector.extract %reduce_min3A_547[15] : i32 from vector<16xi32>
            %lt3A = arith.cmpf olt, %reduce_min3A_535, %while3A_526 : f32
            %eq3A_549 = arith.cmpf oeq, %reduce_min3A_535, %while3A_526 : f32
            %select_n3A_550 = arith.select %lt3A, %reduce_min3A_535, %while3A_526 : f32
            %min3A_551 = arith.minsi %while3A_527, %reduce_min3A_548 : i32
            %select_n3A_552 = arith.select %eq3A_549, %min3A_551, %while3A_527 : i32
            %select_n3A_553 = arith.select %lt3A, %reduce_min3A_548, %select_n3A_552 : i32
            scf.yield %select_n3A_550, %select_n3A_553 : f32, i32
          }
          %broadcast_in_dim3A_522 = vector.broadcast %while3A_521#1 : i32 to vector<16xi32>
          tpu.vector_store_idx %arg12[%broadcast_in_dim3A_522], %broadcast_in_dim3A_3 masked %eq3A_14 : memref<4128xf32, #tpu.memory_space<vmem>>[vector<16xi32>], vector<16xf32>, vector<16xi1>
          %broadcast_in_dim3A_523 = vector.broadcast %while3A_507 : i32 to vector<16xi32>
          tpu.vector_store_idx %arg18[%broadcast_in_dim3A_102, %broadcast_in_dim3A_523], %broadcast_in_dim3A_522 masked %eq3A_14 : memref<128x48xi32, #tpu.memory_space<vmem>>[vector<16xi32>, vector<16xi32>], vector<16xi32>, vector<16xi1>
          %while3A_524 = arith.constant 0 : i32
          scf.yield %while3A_524 : i32
        }
      } else {
      }
      %broadcast_in_dim3A_127 = vector.broadcast %add3A_44 : i32 to vector<16xi32>
      %gather3A = tpu.vector_load_idx %arg15[%broadcast_in_dim3A_127] : memref<4096xf32, #tpu.memory_space<vmem>>[vector<16xi32>], vector<16xf32>,
      %gather3A_128 = tpu.vector_load_idx %arg16[%broadcast_in_dim3A_127] : memref<4096xf32, #tpu.memory_space<vmem>>[vector<16xi32>], vector<16xf32>,
      %gather3A_129 = tpu.vector_load_idx %arg17[%broadcast_in_dim3A_127] : memref<4096xf32, #tpu.memory_space<vmem>>[vector<16xi32>], vector<16xf32>,
      %get3A = arith.index_cast %mul3A_68 : i32 to index
      %get3A_130 = arith.constant 0 : index
      %get3A_131 = tpu.vector_load %arg18[%get3A, %get3A_130] {strides = array<i32>} : memref<128x48xi32, #tpu.memory_space<vmem>>, vector<16xi32>,
      %ge3A = arith.constant 0 : i32
      %ge3A_132 = vector.broadcast %ge3A : i32 to vector<16xi32>
      %ge3A_133 = arith.cmpi sge, %get3A_131, %ge3A_132 : vector<16xi32>
      %max3A = arith.constant 0 : i32
      %max3A_134 = vector.broadcast %max3A : i32 to vector<16xi32>
      %max3A_135 = arith.maxsi %get3A_131, %max3A_134 : vector<16xi32>
      %gather3A_136 = tpu.vector_load_idx %arg15[%max3A_135] : memref<4096xf32, #tpu.memory_space<vmem>>[vector<16xi32>], vector<16xf32>,
      %gather3A_137 = tpu.vector_load_idx %arg16[%max3A_135] : memref<4096xf32, #tpu.memory_space<vmem>>[vector<16xi32>], vector<16xf32>,
      %gather3A_138 = tpu.vector_load_idx %arg17[%max3A_135] : memref<4096xf32, #tpu.memory_space<vmem>>[vector<16xi32>], vector<16xf32>,
      %broadcast_in_dim3A_139 = arith.constant 0.000000e+00 : f32
      %broadcast_in_dim3A_140 = vector.broadcast %broadcast_in_dim3A_139 : f32 to vector<16xf32>
      %sub3A_141 = arith.subf %gather3A_136, %gather3A : vector<16xf32>
      %select_n3A_142 = arith.select %ge3A_133, %sub3A_141, %broadcast_in_dim3A_140 : vector<16xi1>, vector<16xf32>
      %sub3A_143 = arith.subf %gather3A_137, %gather3A_128 : vector<16xf32>
      %select_n3A_144 = arith.select %ge3A_133, %sub3A_143, %broadcast_in_dim3A_140 : vector<16xi1>, vector<16xf32>
      %sub3A_145 = arith.subf %gather3A_138, %gather3A_129 : vector<16xf32>
      %select_n3A_146 = arith.select %ge3A_133, %sub3A_145, %broadcast_in_dim3A_140 : vector<16xi1>, vector<16xf32>
      %mul3A_147 = arith.mulf %select_n3A_142, %select_n3A_142 : vector<16xf32>
      %mul3A_148 = arith.mulf %select_n3A_144, %select_n3A_144 : vector<16xf32>
      %add3A_149 = arith.addf %mul3A_147, %mul3A_148 : vector<16xf32>
      %mul3A_150 = arith.mulf %select_n3A_146, %select_n3A_146 : vector<16xf32>
      %add3A_151 = arith.addf %add3A_149, %mul3A_150 : vector<16xf32>
      %swap3A_152 = arith.index_cast %mul3A_68 : i32 to index
      %swap3A_153 = arith.constant 0 : index
      %swap3A_154 = tpu.vector_load %arg20[%swap3A_152, %swap3A_153] {strides = array<i32>} : memref<128x48xf32, #tpu.memory_space<vmem>>, vector<16xf32>,
      tpu.vector_store %arg20[%swap3A_152, %swap3A_153], %select_n3A_142 {strides = array<i32>} : memref<128x48xf32, #tpu.memory_space<vmem>>, vector<16xf32>,
      %swap3A_155 = arith.index_cast %mul3A_68 : i32 to index
      %swap3A_156 = arith.constant 0 : index
      %swap3A_157 = tpu.vector_load %arg21[%swap3A_155, %swap3A_156] {strides = array<i32>} : memref<128x48xf32, #tpu.memory_space<vmem>>, vector<16xf32>,
      tpu.vector_store %arg21[%swap3A_155, %swap3A_156], %select_n3A_144 {strides = array<i32>} : memref<128x48xf32, #tpu.memory_space<vmem>>, vector<16xf32>,
      %swap3A_158 = arith.index_cast %mul3A_68 : i32 to index
      %swap3A_159 = arith.constant 0 : index
      %swap3A_160 = tpu.vector_load %arg22[%swap3A_158, %swap3A_159] {strides = array<i32>} : memref<128x48xf32, #tpu.memory_space<vmem>>, vector<16xf32>,
      tpu.vector_store %arg22[%swap3A_158, %swap3A_159], %select_n3A_146 {strides = array<i32>} : memref<128x48xf32, #tpu.memory_space<vmem>>, vector<16xf32>,
      %swap3A_161 = arith.index_cast %mul3A_68 : i32 to index
      %swap3A_162 = arith.constant 0 : index
      %swap3A_163 = tpu.vector_load %arg23[%swap3A_161, %swap3A_162] {strides = array<i32>} : memref<128x48xf32, #tpu.memory_space<vmem>>, vector<16xf32>,
      tpu.vector_store %arg23[%swap3A_161, %swap3A_162], %add3A_151 {strides = array<i32>} : memref<128x48xf32, #tpu.memory_space<vmem>>, vector<16xf32>,
      %jit3A_164 = arith.constant -1 : i32
      %broadcast_in_dim3A_165 = vector.broadcast %add3A_44 : i32 to vector<16xi32>
      %broadcast_in_dim3A_166 = vector.broadcast %jit3A_164 : i32 to vector<16xi32>
      %select_n3A_167 = arith.select %ge3A_133, %broadcast_in_dim3A_165, %broadcast_in_dim3A_166 : vector<16xi1>, vector<16xi32>
      %swap3A_168 = arith.index_cast %mul3A_68 : i32 to index
      %swap3A_169 = arith.constant 0 : index
      %swap3A_170 = tpu.vector_load %arg19[%swap3A_168, %swap3A_169] {strides = array<i32>} : memref<128x48xi32, #tpu.memory_space<vmem>>, vector<16xi32>,
      tpu.vector_store %arg19[%swap3A_168, %swap3A_169], %select_n3A_167 {strides = array<i32>} : memref<128x48xi32, #tpu.memory_space<vmem>>, vector<16xi32>,
      %get3A_171 = arith.index_cast %mul3A_68 : i32 to index
      %get3A_172 = arith.constant 16 : index
      %get3A_173 = tpu.vector_load %arg18[%get3A_171, %get3A_172] {strides = array<i32>} : memref<128x48xi32, #tpu.memory_space<vmem>>, vector<16xi32>,
      %ge3A_174 = arith.constant 0 : i32
      %ge3A_175 = vector.broadcast %ge3A_174 : i32 to vector<16xi32>
      %ge3A_176 = arith.cmpi sge, %get3A_173, %ge3A_175 : vector<16xi32>
      %max3A_177 = arith.constant 0 : i32
      %max3A_178 = vector.broadcast %max3A_177 : i32 to vector<16xi32>
      %max3A_179 = arith.maxsi %get3A_173, %max3A_178 : vector<16xi32>
      %gather3A_180 = tpu.vector_load_idx %arg15[%max3A_179] : memref<4096xf32, #tpu.memory_space<vmem>>[vector<16xi32>], vector<16xf32>,
      %gather3A_181 = tpu.vector_load_idx %arg16[%max3A_179] : memref<4096xf32, #tpu.memory_space<vmem>>[vector<16xi32>], vector<16xf32>,
      %gather3A_182 = tpu.vector_load_idx %arg17[%max3A_179] : memref<4096xf32, #tpu.memory_space<vmem>>[vector<16xi32>], vector<16xf32>,
      %broadcast_in_dim3A_183 = arith.constant 0.000000e+00 : f32
      %broadcast_in_dim3A_184 = vector.broadcast %broadcast_in_dim3A_183 : f32 to vector<16xf32>
      %sub3A_185 = arith.subf %gather3A_180, %gather3A : vector<16xf32>
      %select_n3A_186 = arith.select %ge3A_176, %sub3A_185, %broadcast_in_dim3A_184 : vector<16xi1>, vector<16xf32>
      %sub3A_187 = arith.subf %gather3A_181, %gather3A_128 : vector<16xf32>
      %select_n3A_188 = arith.select %ge3A_176, %sub3A_187, %broadcast_in_dim3A_184 : vector<16xi1>, vector<16xf32>
      %sub3A_189 = arith.subf %gather3A_182, %gather3A_129 : vector<16xf32>
      %select_n3A_190 = arith.select %ge3A_176, %sub3A_189, %broadcast_in_dim3A_184 : vector<16xi1>, vector<16xf32>
      %mul3A_191 = arith.mulf %select_n3A_186, %select_n3A_186 : vector<16xf32>
      %mul3A_192 = arith.mulf %select_n3A_188, %select_n3A_188 : vector<16xf32>
      %add3A_193 = arith.addf %mul3A_191, %mul3A_192 : vector<16xf32>
      %mul3A_194 = arith.mulf %select_n3A_190, %select_n3A_190 : vector<16xf32>
      %add3A_195 = arith.addf %add3A_193, %mul3A_194 : vector<16xf32>
      %swap3A_196 = arith.index_cast %mul3A_68 : i32 to index
      %swap3A_197 = arith.constant 16 : index
      %swap3A_198 = tpu.vector_load %arg20[%swap3A_196, %swap3A_197] {strides = array<i32>} : memref<128x48xf32, #tpu.memory_space<vmem>>, vector<16xf32>,
      tpu.vector_store %arg20[%swap3A_196, %swap3A_197], %select_n3A_186 {strides = array<i32>} : memref<128x48xf32, #tpu.memory_space<vmem>>, vector<16xf32>,
      %swap3A_199 = arith.index_cast %mul3A_68 : i32 to index
      %swap3A_200 = arith.constant 16 : index
      %swap3A_201 = tpu.vector_load %arg21[%swap3A_199, %swap3A_200] {strides = array<i32>} : memref<128x48xf32, #tpu.memory_space<vmem>>, vector<16xf32>,
      tpu.vector_store %arg21[%swap3A_199, %swap3A_200], %select_n3A_188 {strides = array<i32>} : memref<128x48xf32, #tpu.memory_space<vmem>>, vector<16xf32>,
      %swap3A_202 = arith.index_cast %mul3A_68 : i32 to index
      %swap3A_203 = arith.constant 16 : index
      %swap3A_204 = tpu.vector_load %arg22[%swap3A_202, %swap3A_203] {strides = array<i32>} : memref<128x48xf32, #tpu.memory_space<vmem>>, vector<16xf32>,
      tpu.vector_store %arg22[%swap3A_202, %swap3A_203], %select_n3A_190 {strides = array<i32>} : memref<128x48xf32, #tpu.memory_space<vmem>>, vector<16xf32>,
      %swap3A_205 = arith.index_cast %mul3A_68 : i32 to index
      %swap3A_206 = arith.constant 16 : index
      %swap3A_207 = tpu.vector_load %arg23[%swap3A_205, %swap3A_206] {strides = array<i32>} : memref<128x48xf32, #tpu.memory_space<vmem>>, vector<16xf32>,
      tpu.vector_store %arg23[%swap3A_205, %swap3A_206], %add3A_195 {strides = array<i32>} : memref<128x48xf32, #tpu.memory_space<vmem>>, vector<16xf32>,
      %jit3A_208 = arith.constant -1 : i32
      %broadcast_in_dim3A_209 = vector.broadcast %add3A_44 : i32 to vector<16xi32>
      %broadcast_in_dim3A_210 = vector.broadcast %jit3A_208 : i32 to vector<16xi32>
      %select_n3A_211 = arith.select %ge3A_176, %broadcast_in_dim3A_209, %broadcast_in_dim3A_210 : vector<16xi1>, vector<16xi32>
      %swap3A_212 = arith.index_cast %mul3A_68 : i32 to index
      %swap3A_213 = arith.constant 16 : index
      %swap3A_214 = tpu.vector_load %arg19[%swap3A_212, %swap3A_213] {strides = array<i32>} : memref<128x48xi32, #tpu.memory_space<vmem>>, vector<16xi32>,
      tpu.vector_store %arg19[%swap3A_212, %swap3A_213], %select_n3A_211 {strides = array<i32>} : memref<128x48xi32, #tpu.memory_space<vmem>>, vector<16xi32>,
      %get3A_215 = arith.index_cast %mul3A_68 : i32 to index
      %get3A_216 = arith.constant 32 : index
      %get3A_217 = tpu.vector_load %arg18[%get3A_215, %get3A_216] {strides = array<i32>} : memref<128x48xi32, #tpu.memory_space<vmem>>, vector<16xi32>,
      %ge3A_218 = arith.constant 0 : i32
      %ge3A_219 = vector.broadcast %ge3A_218 : i32 to vector<16xi32>
      %ge3A_220 = arith.cmpi sge, %get3A_217, %ge3A_219 : vector<16xi32>
      %max3A_221 = arith.constant 0 : i32
      %max3A_222 = vector.broadcast %max3A_221 : i32 to vector<16xi32>
      %max3A_223 = arith.maxsi %get3A_217, %max3A_222 : vector<16xi32>
      %gather3A_224 = tpu.vector_load_idx %arg15[%max3A_223] : memref<4096xf32, #tpu.memory_space<vmem>>[vector<16xi32>], vector<16xf32>,
      %gather3A_225 = tpu.vector_load_idx %arg16[%max3A_223] : memref<4096xf32, #tpu.memory_space<vmem>>[vector<16xi32>], vector<16xf32>,
      %gather3A_226 = tpu.vector_load_idx %arg17[%max3A_223] : memref<4096xf32, #tpu.memory_space<vmem>>[vector<16xi32>], vector<16xf32>,
      %broadcast_in_dim3A_227 = arith.constant 0.000000e+00 : f32
      %broadcast_in_dim3A_228 = vector.broadcast %broadcast_in_dim3A_227 : f32 to vector<16xf32>
      %sub3A_229 = arith.subf %gather3A_224, %gather3A : vector<16xf32>
      %select_n3A_230 = arith.select %ge3A_220, %sub3A_229, %broadcast_in_dim3A_228 : vector<16xi1>, vector<16xf32>
      %sub3A_231 = arith.subf %gather3A_225, %gather3A_128 : vector<16xf32>
      %select_n3A_232 = arith.select %ge3A_220, %sub3A_231, %broadcast_in_dim3A_228 : vector<16xi1>, vector<16xf32>
      %sub3A_233 = arith.subf %gather3A_226, %gather3A_129 : vector<16xf32>
      %select_n3A_234 = arith.select %ge3A_220, %sub3A_233, %broadcast_in_dim3A_228 : vector<16xi1>, vector<16xf32>
      %mul3A_235 = arith.mulf %select_n3A_230, %select_n3A_230 : vector<16xf32>
      %mul3A_236 = arith.mulf %select_n3A_232, %select_n3A_232 : vector<16xf32>
      %add3A_237 = arith.addf %mul3A_235, %mul3A_236 : vector<16xf32>
      %mul3A_238 = arith.mulf %select_n3A_234, %select_n3A_234 : vector<16xf32>
      %add3A_239 = arith.addf %add3A_237, %mul3A_238 : vector<16xf32>
      %swap3A_240 = arith.index_cast %mul3A_68 : i32 to index
      %swap3A_241 = arith.constant 32 : index
      %swap3A_242 = tpu.vector_load %arg20[%swap3A_240, %swap3A_241] {strides = array<i32>} : memref<128x48xf32, #tpu.memory_space<vmem>>, vector<16xf32>,
      tpu.vector_store %arg20[%swap3A_240, %swap3A_241], %select_n3A_230 {strides = array<i32>} : memref<128x48xf32, #tpu.memory_space<vmem>>, vector<16xf32>,
      %swap3A_243 = arith.index_cast %mul3A_68 : i32 to index
      %swap3A_244 = arith.constant 32 : index
      %swap3A_245 = tpu.vector_load %arg21[%swap3A_243, %swap3A_244] {strides = array<i32>} : memref<128x48xf32, #tpu.memory_space<vmem>>, vector<16xf32>,
      tpu.vector_store %arg21[%swap3A_243, %swap3A_244], %select_n3A_232 {strides = array<i32>} : memref<128x48xf32, #tpu.memory_space<vmem>>, vector<16xf32>,
      %swap3A_246 = arith.index_cast %mul3A_68 : i32 to index
      %swap3A_247 = arith.constant 32 : index
      %swap3A_248 = tpu.vector_load %arg22[%swap3A_246, %swap3A_247] {strides = array<i32>} : memref<128x48xf32, #tpu.memory_space<vmem>>, vector<16xf32>,
      tpu.vector_store %arg22[%swap3A_246, %swap3A_247], %select_n3A_234 {strides = array<i32>} : memref<128x48xf32, #tpu.memory_space<vmem>>, vector<16xf32>,
      %swap3A_249 = arith.index_cast %mul3A_68 : i32 to index
      %swap3A_250 = arith.constant 32 : index
      %swap3A_251 = tpu.vector_load %arg23[%swap3A_249, %swap3A_250] {strides = array<i32>} : memref<128x48xf32, #tpu.memory_space<vmem>>, vector<16xf32>,
      tpu.vector_store %arg23[%swap3A_249, %swap3A_250], %add3A_239 {strides = array<i32>} : memref<128x48xf32, #tpu.memory_space<vmem>>, vector<16xf32>,
      %jit3A_252 = arith.constant -1 : i32
      %broadcast_in_dim3A_253 = vector.broadcast %add3A_44 : i32 to vector<16xi32>
      %broadcast_in_dim3A_254 = vector.broadcast %jit3A_252 : i32 to vector<16xi32>
      %select_n3A_255 = arith.select %ge3A_220, %broadcast_in_dim3A_253, %broadcast_in_dim3A_254 : vector<16xi1>, vector<16xi32>
      %swap3A_256 = arith.index_cast %mul3A_68 : i32 to index
      %swap3A_257 = arith.constant 32 : index
      %swap3A_258 = tpu.vector_load %arg19[%swap3A_256, %swap3A_257] {strides = array<i32>} : memref<128x48xi32, #tpu.memory_space<vmem>>, vector<16xi32>,
      tpu.vector_store %arg19[%swap3A_256, %swap3A_257], %select_n3A_255 {strides = array<i32>} : memref<128x48xi32, #tpu.memory_space<vmem>>, vector<16xi32>,
      %dma_wait3A_259 = arith.constant 0 : i32
      %dma_wait3A_260 = tpu.memref_slice %arg13[%dma_wait3A_259] : memref<4128xf32, #tpu.memory_space<vmem>> -> memref<4096xf32, #tpu.memory_space<vmem>>
      %dma_wait3A_261 = arith.constant 0 : i32
      %dma_wait3A_262 = tpu.memref_slice %arg2[%add3A_56, %dma_wait3A_261] : memref<4096x4096xf32, #tpu.memory_space<hbm>> -> memref<1x4096xf32, #tpu.memory_space<hbm>>
      %dma_wait3A_263 = tpu.memref_squeeze %dma_wait3A_262 : memref<1x4096xf32, #tpu.memory_space<hbm>> -> memref<4096xf32, #tpu.memory_space<hbm>>
      %dma_wait3A_264 = arith.constant 0 : i32
      %dma_wait3A_265 = tpu.memref_slice %arg13[%dma_wait3A_264] : memref<4128xf32, #tpu.memory_space<vmem>> -> memref<4096xf32, #tpu.memory_space<vmem>>
      %dma_wait3A_266 = arith.constant 0 : i32
      %dma_wait3A_267 = tpu.memref_slice %arg2[%add3A_56, %dma_wait3A_266] : memref<4096x4096xf32, #tpu.memory_space<hbm>> -> memref<1x4096xf32, #tpu.memory_space<hbm>>
      %dma_wait3A_268 = tpu.memref_squeeze %dma_wait3A_267 : memref<1x4096xf32, #tpu.memory_space<hbm>> -> memref<4096xf32, #tpu.memory_space<hbm>>
      tpu.wait_dma2 semaphore(%arg25 : memref<!tpu.dma_semaphore, #tpu.memory_space<semaphore_mem>>) src(%dma_wait3A_268 : memref<4096xf32, #tpu.memory_space<hbm>>) dst(%dma_wait3A_265 : memref<4096xf32, #tpu.memory_space<vmem>>)
      %add3A_269 = arith.constant 2 : i32
      %add3A_270 = arith.addi %add3A_44, %add3A_269 : i32
      %min3A_271 = arith.constant 4095 : i32
      %min3A_272 = arith.minsi %add3A_270, %min3A_271 : i32
      %dma_start3A_273 = arith.constant 0 : i32
      %dma_start3A_274 = tpu.memref_slice %arg12[%dma_start3A_273] : memref<4128xf32, #tpu.memory_space<vmem>> -> memref<4096xf32, #tpu.memory_space<vmem>>
      %dma_start3A_275 = arith.constant 0 : i32
      %dma_start3A_276 = tpu.memref_slice %arg2[%min3A_272, %dma_start3A_275] : memref<4096x4096xf32, #tpu.memory_space<hbm>> -> memref<1x4096xf32, #tpu.memory_space<hbm>>
      %dma_start3A_277 = tpu.memref_squeeze %dma_start3A_276 : memref<1x4096xf32, #tpu.memory_space<hbm>> -> memref<4096xf32, #tpu.memory_space<hbm>>
      %dma_start3A_278 = arith.constant 0 : i32
      %dma_start3A_279 = tpu.memref_slice %arg12[%dma_start3A_278] : memref<4128xf32, #tpu.memory_space<vmem>> -> memref<4096xf32, #tpu.memory_space<vmem>>
      %dma_start3A_280 = arith.constant 0 : i32
      %dma_start3A_281 = tpu.memref_slice %arg2[%min3A_272, %dma_start3A_280] : memref<4096x4096xf32, #tpu.memory_space<hbm>> -> memref<1x4096xf32, #tpu.memory_space<hbm>>
      %dma_start3A_282 = tpu.memref_squeeze %dma_start3A_281 : memref<1x4096xf32, #tpu.memory_space<hbm>> -> memref<4096xf32, #tpu.memory_space<hbm>>
      tpu.enqueue_dma source(%dma_start3A_282 : memref<4096xf32, #tpu.memory_space<hbm>>) target(%dma_start3A_279 : memref<4096xf32, #tpu.memory_space<vmem>>) target_semaphore(%arg24 : memref<!tpu.dma_semaphore, #tpu.memory_space<semaphore_mem>>)
      %mul3A_283 = arith.constant 2 : i32
      %mul3A_284 = arith.muli %mul3A_283, %scan3A_40 : i32
      %add3A_285 = arith.constant 1 : i32
      %add3A_286 = arith.addi %mul3A_284, %add3A_285 : i32
      %parallel_loop3A_287 = arith.constant 0 : i32
      %parallel_loop3A_288 = arith.constant 256 : i32
      %parallel_loop3A_289 = arith.constant 1 : i32
      %parallel_loop3A_290 = arith.constant 0 : i32
      %parallel_loop3A_291 = scf.for %parallel_loop3A_496 = %parallel_loop3A_287 to %parallel_loop3A_288 step %parallel_loop3A_289 iter_args(%parallel_loop3A_497 = %parallel_loop3A_290) -> (i32)  : i32 {
        %parallel_loop3A_498 = arith.constant 16 : i32
        %parallel_loop3A_499 = arith.muli %parallel_loop3A_496, %parallel_loop3A_498 : i32
        %parallel_loop3A_500 = arith.index_cast %parallel_loop3A_499 : i32 to index
        %parallel_loop3A_501 = tpu.vector_load %arg13[%parallel_loop3A_500] {strides = array<i32>} : memref<4128xf32, #tpu.memory_space<vmem>>, vector<16xf32>,
        %parallel_loop3A_502 = arith.constant 2.500000e+01 : f32
        %parallel_loop3A_503 = vector.broadcast %parallel_loop3A_502 : f32 to vector<16xf32>
        %parallel_loop3A_504 = arith.cmpf ole, %parallel_loop3A_501, %parallel_loop3A_503 : vector<16xf32>
        %parallel_loop3A_505 = arith.extui %parallel_loop3A_504 : vector<16xi1> to vector<16xi32>
        %parallel_loop3A_506 = arith.constant true
        %parallel_loop3A_507 = vector.broadcast %parallel_loop3A_506 : i1 to vector<16xi1>
        %parallel_loop3A_508 = tpu.scan <sum>, %parallel_loop3A_505 masked %parallel_loop3A_507 : vector<16xi32>, vector<16xi1> -> vector<16xi32>
        %parallel_loop3A_509 = vector.broadcast %parallel_loop3A_497 : i32 to vector<16xi32>
        %parallel_loop3A_510 = arith.addi %parallel_loop3A_509, %parallel_loop3A_508 : vector<16xi32>
        %parallel_loop3A_511 = arith.constant 1 : i32
        %parallel_loop3A_512 = vector.broadcast %parallel_loop3A_511 : i32 to vector<16xi32>
        %parallel_loop3A_513 = arith.subi %parallel_loop3A_510, %parallel_loop3A_512 : vector<16xi32>
        %parallel_loop3A_514 = arith.constant 16 : i32
        %parallel_loop3A_515 = arith.muli %parallel_loop3A_496, %parallel_loop3A_514 : i32
        %parallel_loop3A_516 = vector.broadcast %parallel_loop3A_515 : i32 to vector<16xi32>
        %parallel_loop3A_517 = arith.addi %parallel_loop3A_516, %iota3A : vector<16xi32>
        tpu.vector_store_idx %arg14[%parallel_loop3A_513], %parallel_loop3A_517 masked %parallel_loop3A_504 : memref<4128xi32, #tpu.memory_space<vmem>>[vector<16xi32>], vector<16xi32>, vector<16xi1>
        %parallel_loop3A_518 = vector.extract_strided_slice %parallel_loop3A_508 {offsets = [15], sizes = [1], strides = [1]} : vector<16xi32> to vector<1xi32>
        %parallel_loop3A_519 = vector.extract %parallel_loop3A_518[0] : i32 from vector<1xi32>
        %parallel_loop3A_520 = arith.addi %parallel_loop3A_497, %parallel_loop3A_519 : i32
        scf.yield %parallel_loop3A_520 : i32
      } {sc.loop_unroll_factor = 8 : i64, sc.parallel_access}
      %add3A_292 = vector.broadcast %parallel_loop3A_291 : i32 to vector<16xi32>
      %add3A_293 = arith.addi %add3A_292, %iota3A : vector<16xi32>
      %add3A_294 = arith.constant 4096 : i32
      %add3A_295 = vector.broadcast %add3A_294 : i32 to vector<16xi32>
      %add3A_296 = arith.addi %add3A_295, %iota3A : vector<16xi32>
      tpu.vector_store_idx %arg14[%add3A_293], %add3A_296 : memref<4128xi32, #tpu.memory_space<vmem>>[vector<16xi32>], vector<16xi32>,
      %add3A_297 = arith.constant 16 : i32
      %add3A_298 = vector.broadcast %add3A_297 : i32 to vector<16xi32>
      %add3A_299 = arith.addi %add3A_293, %add3A_298 : vector<16xi32>
      %add3A_300 = arith.constant 4112 : i32
      %add3A_301 = vector.broadcast %add3A_300 : i32 to vector<16xi32>
      %add3A_302 = arith.addi %add3A_301, %iota3A : vector<16xi32>
      tpu.vector_store_idx %arg14[%add3A_299], %add3A_302 : memref<4128xi32, #tpu.memory_space<vmem>>[vector<16xi32>], vector<16xi32>,
      %add3A_303 = arith.constant 15 : i32
      %add3A_304 = arith.addi %parallel_loop3A_291, %add3A_303 : i32
      %jit3A_305 = arith.constant 16 : i32
      %div3A_306 = arith.divsi %add3A_304, %jit3A_305 : i32
      %sign3A_307 = arith.constant 0 : i32
      %sign3A_308 = arith.cmpi sgt, %add3A_304, %sign3A_307 : i32
      %sign3A_309 = arith.extui %sign3A_308 : i1 to i32
      %sign3A_310 = arith.constant 0 : i32
      %sign3A_311 = arith.cmpi slt, %add3A_304, %sign3A_310 : i32
      %sign3A_312 = arith.extui %sign3A_311 : i1 to i32
      %sign3A_313 = arith.subi %sign3A_309, %sign3A_312 : i32
      %sign3A_314 = arith.constant 0 : i32
      %sign3A_315 = arith.cmpi sgt, %jit3A_305, %sign3A_314 : i32
      %sign3A_316 = arith.extui %sign3A_315 : i1 to i32
      %sign3A_317 = arith.constant 0 : i32
      %sign3A_318 = arith.cmpi slt, %jit3A_305, %sign3A_317 : i32
      %sign3A_319 = arith.extui %sign3A_318 : i1 to i32
      %sign3A_320 = arith.subi %sign3A_316, %sign3A_319 : i32
      %ne3A_321 = arith.cmpi ne, %sign3A_313, %sign3A_320 : i32
      %rem3A_322 = arith.remsi %add3A_304, %jit3A_305 : i32
      %ne3A_323 = arith.constant 0 : i32
      %ne3A_324 = arith.cmpi ne, %rem3A_322, %ne3A_323 : i32
      %and3A_325 = arith.andi %ne3A_321, %ne3A_324 : i1
      %sub3A_326 = arith.constant 1 : i32
      %sub3A_327 = arith.subi %div3A_306, %sub3A_326 : i32
      %select_n3A_328 = arith.select %and3A_325, %sub3A_327, %div3A_306 : i32
      %broadcast_in_dim3A_329 = vector.broadcast %add3A_286 : i32 to vector<16xi32>
      %swap3A_330 = arith.index_cast %add3A_286 : i32 to index
      %swap3A_331 = arith.constant 0 : index
      %swap3A_332 = tpu.vector_load %arg18[%swap3A_330, %swap3A_331] {strides = array<i32>} : memref<128x48xi32, #tpu.memory_space<vmem>>, vector<16xi32>,
      tpu.vector_store %arg18[%swap3A_330, %swap3A_331], %broadcast_in_dim3A_12 {strides = array<i32>} : memref<128x48xi32, #tpu.memory_space<vmem>>, vector<16xi32>,
      %swap3A_333 = arith.index_cast %add3A_286 : i32 to index
      %swap3A_334 = arith.constant 16 : index
      %swap3A_335 = tpu.vector_load %arg18[%swap3A_333, %swap3A_334] {strides = array<i32>} : memref<128x48xi32, #tpu.memory_space<vmem>>, vector<16xi32>,
      tpu.vector_store %arg18[%swap3A_333, %swap3A_334], %broadcast_in_dim3A_12 {strides = array<i32>} : memref<128x48xi32, #tpu.memory_space<vmem>>, vector<16xi32>,
      %swap3A_336 = arith.index_cast %add3A_286 : i32 to index
      %swap3A_337 = arith.constant 32 : index
      %swap3A_338 = tpu.vector_load %arg18[%swap3A_336, %swap3A_337] {strides = array<i32>} : memref<128x48xi32, #tpu.memory_space<vmem>>, vector<16xi32>,
      tpu.vector_store %arg18[%swap3A_336, %swap3A_337], %broadcast_in_dim3A_12 {strides = array<i32>} : memref<128x48xi32, #tpu.memory_space<vmem>>, vector<16xi32>,
      %min3A_339 = arith.constant 33 : i32
      %min3A_340 = arith.minsi %parallel_loop3A_291, %min3A_339 : i32
      %le3A_341 = arith.constant 32 : i32
      %le3A_342 = arith.cmpi sle, %parallel_loop3A_291, %le3A_341 : i32
      %convert_element_type3A_343 = arith.extui %le3A_342 : i1 to i32
      %cond3A_344 = arith.constant 0 : i32
      %cond3A_345 = arith.cmpi ne, %convert_element_type3A_343, %cond3A_344 : i32
      scf.if %cond3A_345 {
        %get3A_496 = arith.constant 0 : index
        %get3A_497 = tpu.vector_load %arg14[%get3A_496] {strides = array<i32>} : memref<4128xi32, #tpu.memory_space<vmem>>, vector<16xi32>,
        %get3A_498 = arith.constant 16 : index
        %get3A_499 = tpu.vector_load %arg14[%get3A_498] {strides = array<i32>} : memref<4128xi32, #tpu.memory_space<vmem>>, vector<16xi32>,
        %while3A = arith.constant 0 : i32
        %while3A_500 = arith.constant 0 : i32
        %while3A_501 = arith.subi %min3A_340, %while3A : i32
        %while3A_502 = arith.addi %while3A, %while3A_501 : i32
        %while3A_503 = arith.constant 1 : i32
        %while3A_504 = arith.divsi %while3A_501, %while3A_503 : i32
        %while3A_505 = arith.muli %while3A_504, %while3A_503 : i32
        %while3A_506 = arith.addi %while3A, %while3A_505 : i32
        %while3A_507 = arith.constant 1 : i32
        %while3A_508 = scf.for %while3A_511 = %while3A to %while3A_506 step %while3A_507 iter_args(%while3A_512 = %while3A_500) -> (i32)  : i32 {
          %gather3A_513 = tpu.vector_load_idx %arg13[%get3A_497] : memref<4128xf32, #tpu.memory_space<vmem>>[vector<16xi32>], vector<16xf32>,
          %gather3A_514 = tpu.vector_load_idx %arg13[%get3A_499] : memref<4128xf32, #tpu.memory_space<vmem>>[vector<16xi32>], vector<16xf32>,
          %reduce_min3A = arith.constant true
          %reduce_min3A_515 = vector.broadcast %reduce_min3A : i1 to vector<16xi1>
          %reduce_min3A_516 = tpu.scan <min>, %gather3A_513 masked %reduce_min3A_515 : vector<16xf32>, vector<16xi1> -> vector<16xf32>
          %reduce_min3A_517 = vector.extract %reduce_min3A_516[15] : f32 from vector<16xf32>
          %reduce_min3A_518 = arith.constant true
          %reduce_min3A_519 = vector.broadcast %reduce_min3A_518 : i1 to vector<16xi1>
          %reduce_min3A_520 = tpu.scan <min>, %gather3A_514 masked %reduce_min3A_519 : vector<16xf32>, vector<16xi1> -> vector<16xf32>
          %reduce_min3A_521 = vector.extract %reduce_min3A_520[15] : f32 from vector<16xf32>
          %eq3A_522 = vector.broadcast %reduce_min3A_517 : f32 to vector<16xf32>
          %eq3A_523 = arith.cmpf oeq, %gather3A_513, %eq3A_522 : vector<16xf32>
          %jit3A_524 = arith.constant 1073741824 : i32
          %broadcast_in_dim3A_525 = vector.broadcast %jit3A_524 : i32 to vector<16xi32>
          %select_n3A_526 = arith.select %eq3A_523, %get3A_497, %broadcast_in_dim3A_525 : vector<16xi1>, vector<16xi32>
          %reduce_min3A_527 = arith.constant true
          %reduce_min3A_528 = vector.broadcast %reduce_min3A_527 : i1 to vector<16xi1>
          %reduce_min3A_529 = arith.constant -2147483648 : i32
          %reduce_min3A_530 = vector.broadcast %reduce_min3A_529 : i32 to vector<16xi32>
          %reduce_min3A_531 = arith.xori %select_n3A_526, %reduce_min3A_530 : vector<16xi32>
          %reduce_min3A_532 = tpu.scan <min>, %reduce_min3A_531 masked %reduce_min3A_528 : vector<16xi32>, vector<16xi1> -> vector<16xi32>
          %reduce_min3A_533 = arith.xori %reduce_min3A_532, %reduce_min3A_530 : vector<16xi32>
          %reduce_min3A_534 = vector.extract %reduce_min3A_533[15] : i32 from vector<16xi32>
          %eq3A_535 = vector.broadcast %reduce_min3A_521 : f32 to vector<16xf32>
          %eq3A_536 = arith.cmpf oeq, %gather3A_514, %eq3A_535 : vector<16xf32>
          %jit3A_537 = arith.constant 1073741824 : i32
          %broadcast_in_dim3A_538 = vector.broadcast %jit3A_537 : i32 to vector<16xi32>
          %select_n3A_539 = arith.select %eq3A_536, %get3A_499, %broadcast_in_dim3A_538 : vector<16xi1>, vector<16xi32>
          %reduce_min3A_540 = arith.constant true
          %reduce_min3A_541 = vector.broadcast %reduce_min3A_540 : i1 to vector<16xi1>
          %reduce_min3A_542 = arith.constant -2147483648 : i32
          %reduce_min3A_543 = vector.broadcast %reduce_min3A_542 : i32 to vector<16xi32>
          %reduce_min3A_544 = arith.xori %select_n3A_539, %reduce_min3A_543 : vector<16xi32>
          %reduce_min3A_545 = tpu.scan <min>, %reduce_min3A_544 masked %reduce_min3A_541 : vector<16xi32>, vector<16xi1> -> vector<16xi32>
          %reduce_min3A_546 = arith.xori %reduce_min3A_545, %reduce_min3A_543 : vector<16xi32>
          %reduce_min3A_547 = vector.extract %reduce_min3A_546[15] : i32 from vector<16xi32>
          %lt3A = arith.cmpf olt, %reduce_min3A_521, %reduce_min3A_517 : f32
          %eq3A_548 = arith.cmpf oeq, %reduce_min3A_521, %reduce_min3A_517 : f32
          %min3A_549 = arith.minsi %reduce_min3A_534, %reduce_min3A_547 : i32
          %select_n3A_550 = arith.select %eq3A_548, %min3A_549, %reduce_min3A_534 : i32
          %select_n3A_551 = arith.select %lt3A, %reduce_min3A_547, %select_n3A_550 : i32
          %broadcast_in_dim3A_552 = vector.broadcast %select_n3A_551 : i32 to vector<16xi32>
          tpu.vector_store_idx %arg13[%broadcast_in_dim3A_552], %broadcast_in_dim3A_3 masked %eq3A_14 : memref<4128xf32, #tpu.memory_space<vmem>>[vector<16xi32>], vector<16xf32>, vector<16xi1>
          %broadcast_in_dim3A_553 = vector.broadcast %while3A_511 : i32 to vector<16xi32>
          tpu.vector_store_idx %arg18[%broadcast_in_dim3A_329, %broadcast_in_dim3A_553], %broadcast_in_dim3A_552 masked %eq3A_14 : memref<128x48xi32, #tpu.memory_space<vmem>>[vector<16xi32>, vector<16xi32>], vector<16xi32>, vector<16xi1>
          %while3A_554 = arith.constant 0 : i32
          scf.yield %while3A_554 : i32
        }
        %while3A_509 = arith.constant 1 : i32
        %while3A_510 = scf.for %while3A_511 = %while3A_506 to %while3A_502 step %while3A_509 iter_args(%while3A_512 = %while3A_508) -> (i32)  : i32 {
          %gather3A_513 = tpu.vector_load_idx %arg13[%get3A_497] : memref<4128xf32, #tpu.memory_space<vmem>>[vector<16xi32>], vector<16xf32>,
          %gather3A_514 = tpu.vector_load_idx %arg13[%get3A_499] : memref<4128xf32, #tpu.memory_space<vmem>>[vector<16xi32>], vector<16xf32>,
          %reduce_min3A = arith.constant true
          %reduce_min3A_515 = vector.broadcast %reduce_min3A : i1 to vector<16xi1>
          %reduce_min3A_516 = tpu.scan <min>, %gather3A_513 masked %reduce_min3A_515 : vector<16xf32>, vector<16xi1> -> vector<16xf32>
          %reduce_min3A_517 = vector.extract %reduce_min3A_516[15] : f32 from vector<16xf32>
          %reduce_min3A_518 = arith.constant true
          %reduce_min3A_519 = vector.broadcast %reduce_min3A_518 : i1 to vector<16xi1>
          %reduce_min3A_520 = tpu.scan <min>, %gather3A_514 masked %reduce_min3A_519 : vector<16xf32>, vector<16xi1> -> vector<16xf32>
          %reduce_min3A_521 = vector.extract %reduce_min3A_520[15] : f32 from vector<16xf32>
          %eq3A_522 = vector.broadcast %reduce_min3A_517 : f32 to vector<16xf32>
          %eq3A_523 = arith.cmpf oeq, %gather3A_513, %eq3A_522 : vector<16xf32>
          %jit3A_524 = arith.constant 1073741824 : i32
          %broadcast_in_dim3A_525 = vector.broadcast %jit3A_524 : i32 to vector<16xi32>
          %select_n3A_526 = arith.select %eq3A_523, %get3A_497, %broadcast_in_dim3A_525 : vector<16xi1>, vector<16xi32>
          %reduce_min3A_527 = arith.constant true
          %reduce_min3A_528 = vector.broadcast %reduce_min3A_527 : i1 to vector<16xi1>
          %reduce_min3A_529 = arith.constant -2147483648 : i32
          %reduce_min3A_530 = vector.broadcast %reduce_min3A_529 : i32 to vector<16xi32>
          %reduce_min3A_531 = arith.xori %select_n3A_526, %reduce_min3A_530 : vector<16xi32>
          %reduce_min3A_532 = tpu.scan <min>, %reduce_min3A_531 masked %reduce_min3A_528 : vector<16xi32>, vector<16xi1> -> vector<16xi32>
          %reduce_min3A_533 = arith.xori %reduce_min3A_532, %reduce_min3A_530 : vector<16xi32>
          %reduce_min3A_534 = vector.extract %reduce_min3A_533[15] : i32 from vector<16xi32>
          %eq3A_535 = vector.broadcast %reduce_min3A_521 : f32 to vector<16xf32>
          %eq3A_536 = arith.cmpf oeq, %gather3A_514, %eq3A_535 : vector<16xf32>
          %jit3A_537 = arith.constant 1073741824 : i32
          %broadcast_in_dim3A_538 = vector.broadcast %jit3A_537 : i32 to vector<16xi32>
          %select_n3A_539 = arith.select %eq3A_536, %get3A_499, %broadcast_in_dim3A_538 : vector<16xi1>, vector<16xi32>
          %reduce_min3A_540 = arith.constant true
          %reduce_min3A_541 = vector.broadcast %reduce_min3A_540 : i1 to vector<16xi1>
          %reduce_min3A_542 = arith.constant -2147483648 : i32
          %reduce_min3A_543 = vector.broadcast %reduce_min3A_542 : i32 to vector<16xi32>
          %reduce_min3A_544 = arith.xori %select_n3A_539, %reduce_min3A_543 : vector<16xi32>
          %reduce_min3A_545 = tpu.scan <min>, %reduce_min3A_544 masked %reduce_min3A_541 : vector<16xi32>, vector<16xi1> -> vector<16xi32>
          %reduce_min3A_546 = arith.xori %reduce_min3A_545, %reduce_min3A_543 : vector<16xi32>
          %reduce_min3A_547 = vector.extract %reduce_min3A_546[15] : i32 from vector<16xi32>
          %lt3A = arith.cmpf olt, %reduce_min3A_521, %reduce_min3A_517 : f32
          %eq3A_548 = arith.cmpf oeq, %reduce_min3A_521, %reduce_min3A_517 : f32
          %min3A_549 = arith.minsi %reduce_min3A_534, %reduce_min3A_547 : i32
          %select_n3A_550 = arith.select %eq3A_548, %min3A_549, %reduce_min3A_534 : i32
          %select_n3A_551 = arith.select %lt3A, %reduce_min3A_547, %select_n3A_550 : i32
          %broadcast_in_dim3A_552 = vector.broadcast %select_n3A_551 : i32 to vector<16xi32>
          tpu.vector_store_idx %arg13[%broadcast_in_dim3A_552], %broadcast_in_dim3A_3 masked %eq3A_14 : memref<4128xf32, #tpu.memory_space<vmem>>[vector<16xi32>], vector<16xf32>, vector<16xi1>
          %broadcast_in_dim3A_553 = vector.broadcast %while3A_511 : i32 to vector<16xi32>
          tpu.vector_store_idx %arg18[%broadcast_in_dim3A_329, %broadcast_in_dim3A_553], %broadcast_in_dim3A_552 masked %eq3A_14 : memref<128x48xi32, #tpu.memory_space<vmem>>[vector<16xi32>, vector<16xi32>], vector<16xi32>, vector<16xi1>
          %while3A_554 = arith.constant 0 : i32
          scf.yield %while3A_554 : i32
        }
      } else {
      }
      %gt3A_346 = arith.constant 32 : i32
      %gt3A_347 = arith.cmpi sgt, %parallel_loop3A_291, %gt3A_346 : i32
      %le3A_348 = arith.constant 48 : i32
      %le3A_349 = arith.cmpi sle, %parallel_loop3A_291, %le3A_348 : i32
      %and3A_350 = arith.andi %gt3A_347, %le3A_349 : i1
      %convert_element_type3A_351 = arith.extui %and3A_350 : i1 to i32
      %cond3A_352 = arith.constant 0 : i32
      %cond3A_353 = arith.cmpi ne, %convert_element_type3A_351, %cond3A_352 : i32
      scf.if %cond3A_353 {
        %get3A_496 = arith.constant 0 : index
        %get3A_497 = tpu.vector_load %arg14[%get3A_496] {strides = array<i32>} : memref<4128xi32, #tpu.memory_space<vmem>>, vector<16xi32>,
        %get3A_498 = arith.constant 16 : index
        %get3A_499 = tpu.vector_load %arg14[%get3A_498] {strides = array<i32>} : memref<4128xi32, #tpu.memory_space<vmem>>, vector<16xi32>,
        %get3A_500 = arith.constant 32 : index
        %get3A_501 = tpu.vector_load %arg14[%get3A_500] {strides = array<i32>} : memref<4128xi32, #tpu.memory_space<vmem>>, vector<16xi32>,
        %while3A = arith.constant 0 : i32
        %while3A_502 = arith.constant 0 : i32
        %while3A_503 = arith.subi %min3A_340, %while3A : i32
        %while3A_504 = arith.addi %while3A, %while3A_503 : i32
        %while3A_505 = arith.constant 1 : i32
        %while3A_506 = arith.divsi %while3A_503, %while3A_505 : i32
        %while3A_507 = arith.muli %while3A_506, %while3A_505 : i32
        %while3A_508 = arith.addi %while3A, %while3A_507 : i32
        %while3A_509 = arith.constant 1 : i32
        %while3A_510 = scf.for %while3A_513 = %while3A to %while3A_508 step %while3A_509 iter_args(%while3A_514 = %while3A_502) -> (i32)  : i32 {
          %gather3A_515 = tpu.vector_load_idx %arg13[%get3A_497] : memref<4128xf32, #tpu.memory_space<vmem>>[vector<16xi32>], vector<16xf32>,
          %gather3A_516 = tpu.vector_load_idx %arg13[%get3A_499] : memref<4128xf32, #tpu.memory_space<vmem>>[vector<16xi32>], vector<16xf32>,
          %gather3A_517 = tpu.vector_load_idx %arg13[%get3A_501] : memref<4128xf32, #tpu.memory_space<vmem>>[vector<16xi32>], vector<16xf32>,
          %reduce_min3A = arith.constant true
          %reduce_min3A_518 = vector.broadcast %reduce_min3A : i1 to vector<16xi1>
          %reduce_min3A_519 = tpu.scan <min>, %gather3A_515 masked %reduce_min3A_518 : vector<16xf32>, vector<16xi1> -> vector<16xf32>
          %reduce_min3A_520 = vector.extract %reduce_min3A_519[15] : f32 from vector<16xf32>
          %reduce_min3A_521 = arith.constant true
          %reduce_min3A_522 = vector.broadcast %reduce_min3A_521 : i1 to vector<16xi1>
          %reduce_min3A_523 = tpu.scan <min>, %gather3A_516 masked %reduce_min3A_522 : vector<16xf32>, vector<16xi1> -> vector<16xf32>
          %reduce_min3A_524 = vector.extract %reduce_min3A_523[15] : f32 from vector<16xf32>
          %reduce_min3A_525 = arith.constant true
          %reduce_min3A_526 = vector.broadcast %reduce_min3A_525 : i1 to vector<16xi1>
          %reduce_min3A_527 = tpu.scan <min>, %gather3A_517 masked %reduce_min3A_526 : vector<16xf32>, vector<16xi1> -> vector<16xf32>
          %reduce_min3A_528 = vector.extract %reduce_min3A_527[15] : f32 from vector<16xf32>
          %eq3A_529 = vector.broadcast %reduce_min3A_520 : f32 to vector<16xf32>
          %eq3A_530 = arith.cmpf oeq, %gather3A_515, %eq3A_529 : vector<16xf32>
          %jit3A_531 = arith.constant 1073741824 : i32
          %broadcast_in_dim3A_532 = vector.broadcast %jit3A_531 : i32 to vector<16xi32>
          %select_n3A_533 = arith.select %eq3A_530, %get3A_497, %broadcast_in_dim3A_532 : vector<16xi1>, vector<16xi32>
          %reduce_min3A_534 = arith.constant true
          %reduce_min3A_535 = vector.broadcast %reduce_min3A_534 : i1 to vector<16xi1>
          %reduce_min3A_536 = arith.constant -2147483648 : i32
          %reduce_min3A_537 = vector.broadcast %reduce_min3A_536 : i32 to vector<16xi32>
          %reduce_min3A_538 = arith.xori %select_n3A_533, %reduce_min3A_537 : vector<16xi32>
          %reduce_min3A_539 = tpu.scan <min>, %reduce_min3A_538 masked %reduce_min3A_535 : vector<16xi32>, vector<16xi1> -> vector<16xi32>
          %reduce_min3A_540 = arith.xori %reduce_min3A_539, %reduce_min3A_537 : vector<16xi32>
          %reduce_min3A_541 = vector.extract %reduce_min3A_540[15] : i32 from vector<16xi32>
          %eq3A_542 = vector.broadcast %reduce_min3A_524 : f32 to vector<16xf32>
          %eq3A_543 = arith.cmpf oeq, %gather3A_516, %eq3A_542 : vector<16xf32>
          %jit3A_544 = arith.constant 1073741824 : i32
          %broadcast_in_dim3A_545 = vector.broadcast %jit3A_544 : i32 to vector<16xi32>
          %select_n3A_546 = arith.select %eq3A_543, %get3A_499, %broadcast_in_dim3A_545 : vector<16xi1>, vector<16xi32>
          %reduce_min3A_547 = arith.constant true
          %reduce_min3A_548 = vector.broadcast %reduce_min3A_547 : i1 to vector<16xi1>
          %reduce_min3A_549 = arith.constant -2147483648 : i32
          %reduce_min3A_550 = vector.broadcast %reduce_min3A_549 : i32 to vector<16xi32>
          %reduce_min3A_551 = arith.xori %select_n3A_546, %reduce_min3A_550 : vector<16xi32>
          %reduce_min3A_552 = tpu.scan <min>, %reduce_min3A_551 masked %reduce_min3A_548 : vector<16xi32>, vector<16xi1> -> vector<16xi32>
          %reduce_min3A_553 = arith.xori %reduce_min3A_552, %reduce_min3A_550 : vector<16xi32>
          %reduce_min3A_554 = vector.extract %reduce_min3A_553[15] : i32 from vector<16xi32>
          %eq3A_555 = vector.broadcast %reduce_min3A_528 : f32 to vector<16xf32>
          %eq3A_556 = arith.cmpf oeq, %gather3A_517, %eq3A_555 : vector<16xf32>
          %jit3A_557 = arith.constant 1073741824 : i32
          %broadcast_in_dim3A_558 = vector.broadcast %jit3A_557 : i32 to vector<16xi32>
          %select_n3A_559 = arith.select %eq3A_556, %get3A_501, %broadcast_in_dim3A_558 : vector<16xi1>, vector<16xi32>
          %reduce_min3A_560 = arith.constant true
          %reduce_min3A_561 = vector.broadcast %reduce_min3A_560 : i1 to vector<16xi1>
          %reduce_min3A_562 = arith.constant -2147483648 : i32
          %reduce_min3A_563 = vector.broadcast %reduce_min3A_562 : i32 to vector<16xi32>
          %reduce_min3A_564 = arith.xori %select_n3A_559, %reduce_min3A_563 : vector<16xi32>
          %reduce_min3A_565 = tpu.scan <min>, %reduce_min3A_564 masked %reduce_min3A_561 : vector<16xi32>, vector<16xi1> -> vector<16xi32>
          %reduce_min3A_566 = arith.xori %reduce_min3A_565, %reduce_min3A_563 : vector<16xi32>
          %reduce_min3A_567 = vector.extract %reduce_min3A_566[15] : i32 from vector<16xi32>
          %lt3A = arith.cmpf olt, %reduce_min3A_524, %reduce_min3A_520 : f32
          %eq3A_568 = arith.cmpf oeq, %reduce_min3A_524, %reduce_min3A_520 : f32
          %select_n3A_569 = arith.select %lt3A, %reduce_min3A_524, %reduce_min3A_520 : f32
          %min3A_570 = arith.minsi %reduce_min3A_541, %reduce_min3A_554 : i32
          %select_n3A_571 = arith.select %eq3A_568, %min3A_570, %reduce_min3A_541 : i32
          %select_n3A_572 = arith.select %lt3A, %reduce_min3A_554, %select_n3A_571 : i32
          %lt3A_573 = arith.cmpf olt, %reduce_min3A_528, %select_n3A_569 : f32
          %eq3A_574 = arith.cmpf oeq, %reduce_min3A_528, %select_n3A_569 : f32
          %min3A_575 = arith.minsi %select_n3A_572, %reduce_min3A_567 : i32
          %select_n3A_576 = arith.select %eq3A_574, %min3A_575, %select_n3A_572 : i32
          %select_n3A_577 = arith.select %lt3A_573, %reduce_min3A_567, %select_n3A_576 : i32
          %broadcast_in_dim3A_578 = vector.broadcast %select_n3A_577 : i32 to vector<16xi32>
          tpu.vector_store_idx %arg13[%broadcast_in_dim3A_578], %broadcast_in_dim3A_3 masked %eq3A_14 : memref<4128xf32, #tpu.memory_space<vmem>>[vector<16xi32>], vector<16xf32>, vector<16xi1>
          %broadcast_in_dim3A_579 = vector.broadcast %while3A_513 : i32 to vector<16xi32>
          tpu.vector_store_idx %arg18[%broadcast_in_dim3A_329, %broadcast_in_dim3A_579], %broadcast_in_dim3A_578 masked %eq3A_14 : memref<128x48xi32, #tpu.memory_space<vmem>>[vector<16xi32>, vector<16xi32>], vector<16xi32>, vector<16xi1>
          %while3A_580 = arith.constant 0 : i32
          scf.yield %while3A_580 : i32
        }
        %while3A_511 = arith.constant 1 : i32
        %while3A_512 = scf.for %while3A_513 = %while3A_508 to %while3A_504 step %while3A_511 iter_args(%while3A_514 = %while3A_510) -> (i32)  : i32 {
          %gather3A_515 = tpu.vector_load_idx %arg13[%get3A_497] : memref<4128xf32, #tpu.memory_space<vmem>>[vector<16xi32>], vector<16xf32>,
          %gather3A_516 = tpu.vector_load_idx %arg13[%get3A_499] : memref<4128xf32, #tpu.memory_space<vmem>>[vector<16xi32>], vector<16xf32>,
          %gather3A_517 = tpu.vector_load_idx %arg13[%get3A_501] : memref<4128xf32, #tpu.memory_space<vmem>>[vector<16xi32>], vector<16xf32>,
          %reduce_min3A = arith.constant true
          %reduce_min3A_518 = vector.broadcast %reduce_min3A : i1 to vector<16xi1>
          %reduce_min3A_519 = tpu.scan <min>, %gather3A_515 masked %reduce_min3A_518 : vector<16xf32>, vector<16xi1> -> vector<16xf32>
          %reduce_min3A_520 = vector.extract %reduce_min3A_519[15] : f32 from vector<16xf32>
          %reduce_min3A_521 = arith.constant true
          %reduce_min3A_522 = vector.broadcast %reduce_min3A_521 : i1 to vector<16xi1>
          %reduce_min3A_523 = tpu.scan <min>, %gather3A_516 masked %reduce_min3A_522 : vector<16xf32>, vector<16xi1> -> vector<16xf32>
          %reduce_min3A_524 = vector.extract %reduce_min3A_523[15] : f32 from vector<16xf32>
          %reduce_min3A_525 = arith.constant true
          %reduce_min3A_526 = vector.broadcast %reduce_min3A_525 : i1 to vector<16xi1>
          %reduce_min3A_527 = tpu.scan <min>, %gather3A_517 masked %reduce_min3A_526 : vector<16xf32>, vector<16xi1> -> vector<16xf32>
          %reduce_min3A_528 = vector.extract %reduce_min3A_527[15] : f32 from vector<16xf32>
          %eq3A_529 = vector.broadcast %reduce_min3A_520 : f32 to vector<16xf32>
          %eq3A_530 = arith.cmpf oeq, %gather3A_515, %eq3A_529 : vector<16xf32>
          %jit3A_531 = arith.constant 1073741824 : i32
          %broadcast_in_dim3A_532 = vector.broadcast %jit3A_531 : i32 to vector<16xi32>
          %select_n3A_533 = arith.select %eq3A_530, %get3A_497, %broadcast_in_dim3A_532 : vector<16xi1>, vector<16xi32>
          %reduce_min3A_534 = arith.constant true
          %reduce_min3A_535 = vector.broadcast %reduce_min3A_534 : i1 to vector<16xi1>
          %reduce_min3A_536 = arith.constant -2147483648 : i32
          %reduce_min3A_537 = vector.broadcast %reduce_min3A_536 : i32 to vector<16xi32>
          %reduce_min3A_538 = arith.xori %select_n3A_533, %reduce_min3A_537 : vector<16xi32>
          %reduce_min3A_539 = tpu.scan <min>, %reduce_min3A_538 masked %reduce_min3A_535 : vector<16xi32>, vector<16xi1> -> vector<16xi32>
          %reduce_min3A_540 = arith.xori %reduce_min3A_539, %reduce_min3A_537 : vector<16xi32>
          %reduce_min3A_541 = vector.extract %reduce_min3A_540[15] : i32 from vector<16xi32>
          %eq3A_542 = vector.broadcast %reduce_min3A_524 : f32 to vector<16xf32>
          %eq3A_543 = arith.cmpf oeq, %gather3A_516, %eq3A_542 : vector<16xf32>
          %jit3A_544 = arith.constant 1073741824 : i32
          %broadcast_in_dim3A_545 = vector.broadcast %jit3A_544 : i32 to vector<16xi32>
          %select_n3A_546 = arith.select %eq3A_543, %get3A_499, %broadcast_in_dim3A_545 : vector<16xi1>, vector<16xi32>
          %reduce_min3A_547 = arith.constant true
          %reduce_min3A_548 = vector.broadcast %reduce_min3A_547 : i1 to vector<16xi1>
          %reduce_min3A_549 = arith.constant -2147483648 : i32
          %reduce_min3A_550 = vector.broadcast %reduce_min3A_549 : i32 to vector<16xi32>
          %reduce_min3A_551 = arith.xori %select_n3A_546, %reduce_min3A_550 : vector<16xi32>
          %reduce_min3A_552 = tpu.scan <min>, %reduce_min3A_551 masked %reduce_min3A_548 : vector<16xi32>, vector<16xi1> -> vector<16xi32>
          %reduce_min3A_553 = arith.xori %reduce_min3A_552, %reduce_min3A_550 : vector<16xi32>
          %reduce_min3A_554 = vector.extract %reduce_min3A_553[15] : i32 from vector<16xi32>
          %eq3A_555 = vector.broadcast %reduce_min3A_528 : f32 to vector<16xf32>
          %eq3A_556 = arith.cmpf oeq, %gather3A_517, %eq3A_555 : vector<16xf32>
          %jit3A_557 = arith.constant 1073741824 : i32
          %broadcast_in_dim3A_558 = vector.broadcast %jit3A_557 : i32 to vector<16xi32>
          %select_n3A_559 = arith.select %eq3A_556, %get3A_501, %broadcast_in_dim3A_558 : vector<16xi1>, vector<16xi32>
          %reduce_min3A_560 = arith.constant true
          %reduce_min3A_561 = vector.broadcast %reduce_min3A_560 : i1 to vector<16xi1>
          %reduce_min3A_562 = arith.constant -2147483648 : i32
          %reduce_min3A_563 = vector.broadcast %reduce_min3A_562 : i32 to vector<16xi32>
          %reduce_min3A_564 = arith.xori %select_n3A_559, %reduce_min3A_563 : vector<16xi32>
          %reduce_min3A_565 = tpu.scan <min>, %reduce_min3A_564 masked %reduce_min3A_561 : vector<16xi32>, vector<16xi1> -> vector<16xi32>
          %reduce_min3A_566 = arith.xori %reduce_min3A_565, %reduce_min3A_563 : vector<16xi32>
          %reduce_min3A_567 = vector.extract %reduce_min3A_566[15] : i32 from vector<16xi32>
          %lt3A = arith.cmpf olt, %reduce_min3A_524, %reduce_min3A_520 : f32
          %eq3A_568 = arith.cmpf oeq, %reduce_min3A_524, %reduce_min3A_520 : f32
          %select_n3A_569 = arith.select %lt3A, %reduce_min3A_524, %reduce_min3A_520 : f32
          %min3A_570 = arith.minsi %reduce_min3A_541, %reduce_min3A_554 : i32
          %select_n3A_571 = arith.select %eq3A_568, %min3A_570, %reduce_min3A_541 : i32
          %select_n3A_572 = arith.select %lt3A, %reduce_min3A_554, %select_n3A_571 : i32
          %lt3A_573 = arith.cmpf olt, %reduce_min3A_528, %select_n3A_569 : f32
          %eq3A_574 = arith.cmpf oeq, %reduce_min3A_528, %select_n3A_569 : f32
          %min3A_575 = arith.minsi %select_n3A_572, %reduce_min3A_567 : i32
          %select_n3A_576 = arith.select %eq3A_574, %min3A_575, %select_n3A_572 : i32
          %select_n3A_577 = arith.select %lt3A_573, %reduce_min3A_567, %select_n3A_576 : i32
          %broadcast_in_dim3A_578 = vector.broadcast %select_n3A_577 : i32 to vector<16xi32>
          tpu.vector_store_idx %arg13[%broadcast_in_dim3A_578], %broadcast_in_dim3A_3 masked %eq3A_14 : memref<4128xf32, #tpu.memory_space<vmem>>[vector<16xi32>], vector<16xf32>, vector<16xi1>
          %broadcast_in_dim3A_579 = vector.broadcast %while3A_513 : i32 to vector<16xi32>
          tpu.vector_store_idx %arg18[%broadcast_in_dim3A_329, %broadcast_in_dim3A_579], %broadcast_in_dim3A_578 masked %eq3A_14 : memref<128x48xi32, #tpu.memory_space<vmem>>[vector<16xi32>, vector<16xi32>], vector<16xi32>, vector<16xi1>
          %while3A_580 = arith.constant 0 : i32
          scf.yield %while3A_580 : i32
        }
      } else {
      }
      %gt3A_354 = arith.constant 48 : i32
      %gt3A_355 = arith.cmpi sgt, %parallel_loop3A_291, %gt3A_354 : i32
      %convert_element_type3A_356 = arith.extui %gt3A_355 : i1 to i32
      %cond3A_357 = arith.constant 0 : i32
      %cond3A_358 = arith.cmpi ne, %convert_element_type3A_356, %cond3A_357 : i32
      scf.if %cond3A_358 {
        %while3A = arith.constant 0 : i32
        %while3A_496 = arith.constant 0 : i32
        %while3A_497 = arith.subi %min3A_340, %while3A : i32
        %while3A_498 = arith.addi %while3A, %while3A_497 : i32
        %while3A_499 = arith.constant 1 : i32
        %while3A_500 = arith.divsi %while3A_497, %while3A_499 : i32
        %while3A_501 = arith.muli %while3A_500, %while3A_499 : i32
        %while3A_502 = arith.addi %while3A, %while3A_501 : i32
        %while3A_503 = arith.constant 1 : i32
        %while3A_504 = scf.for %while3A_507 = %while3A to %while3A_502 step %while3A_503 iter_args(%while3A_508 = %while3A_496) -> (i32)  : i32 {
          %while3A_509 = arith.constant 0 : i32
          %while3A_510 = arith.constant 0x7F800000 : f32
          %while3A_511 = arith.constant 1073741824 : i32
          %while3A_512 = arith.subi %select_n3A_328, %while3A_509 : i32
          %while3A_513 = arith.addi %while3A_509, %while3A_512 : i32
          %while3A_514 = arith.constant 1 : i32
          %while3A_515 = arith.divsi %while3A_512, %while3A_514 : i32
          %while3A_516 = arith.muli %while3A_515, %while3A_514 : i32
          %while3A_517 = arith.addi %while3A_509, %while3A_516 : i32
          %while3A_518 = arith.constant 1 : i32
          %while3A_519:2 = scf.for %while3A_525 = %while3A_509 to %while3A_517 step %while3A_518 iter_args(%while3A_526 = %while3A_510, %while3A_527 = %while3A_511) -> (f32, i32)  : i32 {
            %mul3A_528 = arith.constant 16 : i32
            %mul3A_529 = arith.muli %while3A_525, %mul3A_528 : i32
            %get3A_530 = arith.index_cast %mul3A_529 : i32 to index
            %get3A_531 = tpu.vector_load %arg14[%get3A_530] {strides = array<i32>} : memref<4128xi32, #tpu.memory_space<vmem>>, vector<16xi32>,
            %gather3A_532 = tpu.vector_load_idx %arg13[%get3A_531] : memref<4128xf32, #tpu.memory_space<vmem>>[vector<16xi32>], vector<16xf32>,
            %reduce_min3A = arith.constant true
            %reduce_min3A_533 = vector.broadcast %reduce_min3A : i1 to vector<16xi1>
            %reduce_min3A_534 = tpu.scan <min>, %gather3A_532 masked %reduce_min3A_533 : vector<16xf32>, vector<16xi1> -> vector<16xf32>
            %reduce_min3A_535 = vector.extract %reduce_min3A_534[15] : f32 from vector<16xf32>
            %eq3A_536 = vector.broadcast %reduce_min3A_535 : f32 to vector<16xf32>
            %eq3A_537 = arith.cmpf oeq, %gather3A_532, %eq3A_536 : vector<16xf32>
            %jit3A_538 = arith.constant 1073741824 : i32
            %broadcast_in_dim3A_539 = vector.broadcast %jit3A_538 : i32 to vector<16xi32>
            %select_n3A_540 = arith.select %eq3A_537, %get3A_531, %broadcast_in_dim3A_539 : vector<16xi1>, vector<16xi32>
            %reduce_min3A_541 = arith.constant true
            %reduce_min3A_542 = vector.broadcast %reduce_min3A_541 : i1 to vector<16xi1>
            %reduce_min3A_543 = arith.constant -2147483648 : i32
            %reduce_min3A_544 = vector.broadcast %reduce_min3A_543 : i32 to vector<16xi32>
            %reduce_min3A_545 = arith.xori %select_n3A_540, %reduce_min3A_544 : vector<16xi32>
            %reduce_min3A_546 = tpu.scan <min>, %reduce_min3A_545 masked %reduce_min3A_542 : vector<16xi32>, vector<16xi1> -> vector<16xi32>
            %reduce_min3A_547 = arith.xori %reduce_min3A_546, %reduce_min3A_544 : vector<16xi32>
            %reduce_min3A_548 = vector.extract %reduce_min3A_547[15] : i32 from vector<16xi32>
            %lt3A = arith.cmpf olt, %reduce_min3A_535, %while3A_526 : f32
            %eq3A_549 = arith.cmpf oeq, %reduce_min3A_535, %while3A_526 : f32
            %select_n3A_550 = arith.select %lt3A, %reduce_min3A_535, %while3A_526 : f32
            %min3A_551 = arith.minsi %while3A_527, %reduce_min3A_548 : i32
            %select_n3A_552 = arith.select %eq3A_549, %min3A_551, %while3A_527 : i32
            %select_n3A_553 = arith.select %lt3A, %reduce_min3A_548, %select_n3A_552 : i32
            scf.yield %select_n3A_550, %select_n3A_553 : f32, i32
          }
          %while3A_520 = arith.constant 1 : i32
          %while3A_521:2 = scf.for %while3A_525 = %while3A_517 to %while3A_513 step %while3A_520 iter_args(%while3A_526 = %while3A_519#0, %while3A_527 = %while3A_519#1) -> (f32, i32)  : i32 {
            %mul3A_528 = arith.constant 16 : i32
            %mul3A_529 = arith.muli %while3A_525, %mul3A_528 : i32
            %get3A_530 = arith.index_cast %mul3A_529 : i32 to index
            %get3A_531 = tpu.vector_load %arg14[%get3A_530] {strides = array<i32>} : memref<4128xi32, #tpu.memory_space<vmem>>, vector<16xi32>,
            %gather3A_532 = tpu.vector_load_idx %arg13[%get3A_531] : memref<4128xf32, #tpu.memory_space<vmem>>[vector<16xi32>], vector<16xf32>,
            %reduce_min3A = arith.constant true
            %reduce_min3A_533 = vector.broadcast %reduce_min3A : i1 to vector<16xi1>
            %reduce_min3A_534 = tpu.scan <min>, %gather3A_532 masked %reduce_min3A_533 : vector<16xf32>, vector<16xi1> -> vector<16xf32>
            %reduce_min3A_535 = vector.extract %reduce_min3A_534[15] : f32 from vector<16xf32>
            %eq3A_536 = vector.broadcast %reduce_min3A_535 : f32 to vector<16xf32>
            %eq3A_537 = arith.cmpf oeq, %gather3A_532, %eq3A_536 : vector<16xf32>
            %jit3A_538 = arith.constant 1073741824 : i32
            %broadcast_in_dim3A_539 = vector.broadcast %jit3A_538 : i32 to vector<16xi32>
            %select_n3A_540 = arith.select %eq3A_537, %get3A_531, %broadcast_in_dim3A_539 : vector<16xi1>, vector<16xi32>
            %reduce_min3A_541 = arith.constant true
            %reduce_min3A_542 = vector.broadcast %reduce_min3A_541 : i1 to vector<16xi1>
            %reduce_min3A_543 = arith.constant -2147483648 : i32
            %reduce_min3A_544 = vector.broadcast %reduce_min3A_543 : i32 to vector<16xi32>
            %reduce_min3A_545 = arith.xori %select_n3A_540, %reduce_min3A_544 : vector<16xi32>
            %reduce_min3A_546 = tpu.scan <min>, %reduce_min3A_545 masked %reduce_min3A_542 : vector<16xi32>, vector<16xi1> -> vector<16xi32>
            %reduce_min3A_547 = arith.xori %reduce_min3A_546, %reduce_min3A_544 : vector<16xi32>
            %reduce_min3A_548 = vector.extract %reduce_min3A_547[15] : i32 from vector<16xi32>
            %lt3A = arith.cmpf olt, %reduce_min3A_535, %while3A_526 : f32
            %eq3A_549 = arith.cmpf oeq, %reduce_min3A_535, %while3A_526 : f32
            %select_n3A_550 = arith.select %lt3A, %reduce_min3A_535, %while3A_526 : f32
            %min3A_551 = arith.minsi %while3A_527, %reduce_min3A_548 : i32
            %select_n3A_552 = arith.select %eq3A_549, %min3A_551, %while3A_527 : i32
            %select_n3A_553 = arith.select %lt3A, %reduce_min3A_548, %select_n3A_552 : i32
            scf.yield %select_n3A_550, %select_n3A_553 : f32, i32
          }
          %broadcast_in_dim3A_522 = vector.broadcast %while3A_521#1 : i32 to vector<16xi32>
          tpu.vector_store_idx %arg13[%broadcast_in_dim3A_522], %broadcast_in_dim3A_3 masked %eq3A_14 : memref<4128xf32, #tpu.memory_space<vmem>>[vector<16xi32>], vector<16xf32>, vector<16xi1>
          %broadcast_in_dim3A_523 = vector.broadcast %while3A_507 : i32 to vector<16xi32>
          tpu.vector_store_idx %arg18[%broadcast_in_dim3A_329, %broadcast_in_dim3A_523], %broadcast_in_dim3A_522 masked %eq3A_14 : memref<128x48xi32, #tpu.memory_space<vmem>>[vector<16xi32>, vector<16xi32>], vector<16xi32>, vector<16xi1>
          %while3A_524 = arith.constant 0 : i32
          scf.yield %while3A_524 : i32
        }
        %while3A_505 = arith.constant 1 : i32
        %while3A_506 = scf.for %while3A_507 = %while3A_502 to %while3A_498 step %while3A_505 iter_args(%while3A_508 = %while3A_504) -> (i32)  : i32 {
          %while3A_509 = arith.constant 0 : i32
          %while3A_510 = arith.constant 0x7F800000 : f32
          %while3A_511 = arith.constant 1073741824 : i32
          %while3A_512 = arith.subi %select_n3A_328, %while3A_509 : i32
          %while3A_513 = arith.addi %while3A_509, %while3A_512 : i32
          %while3A_514 = arith.constant 1 : i32
          %while3A_515 = arith.divsi %while3A_512, %while3A_514 : i32
          %while3A_516 = arith.muli %while3A_515, %while3A_514 : i32
          %while3A_517 = arith.addi %while3A_509, %while3A_516 : i32
          %while3A_518 = arith.constant 1 : i32
          %while3A_519:2 = scf.for %while3A_525 = %while3A_509 to %while3A_517 step %while3A_518 iter_args(%while3A_526 = %while3A_510, %while3A_527 = %while3A_511) -> (f32, i32)  : i32 {
            %mul3A_528 = arith.constant 16 : i32
            %mul3A_529 = arith.muli %while3A_525, %mul3A_528 : i32
            %get3A_530 = arith.index_cast %mul3A_529 : i32 to index
            %get3A_531 = tpu.vector_load %arg14[%get3A_530] {strides = array<i32>} : memref<4128xi32, #tpu.memory_space<vmem>>, vector<16xi32>,
            %gather3A_532 = tpu.vector_load_idx %arg13[%get3A_531] : memref<4128xf32, #tpu.memory_space<vmem>>[vector<16xi32>], vector<16xf32>,
            %reduce_min3A = arith.constant true
            %reduce_min3A_533 = vector.broadcast %reduce_min3A : i1 to vector<16xi1>
            %reduce_min3A_534 = tpu.scan <min>, %gather3A_532 masked %reduce_min3A_533 : vector<16xf32>, vector<16xi1> -> vector<16xf32>
            %reduce_min3A_535 = vector.extract %reduce_min3A_534[15] : f32 from vector<16xf32>
            %eq3A_536 = vector.broadcast %reduce_min3A_535 : f32 to vector<16xf32>
            %eq3A_537 = arith.cmpf oeq, %gather3A_532, %eq3A_536 : vector<16xf32>
            %jit3A_538 = arith.constant 1073741824 : i32
            %broadcast_in_dim3A_539 = vector.broadcast %jit3A_538 : i32 to vector<16xi32>
            %select_n3A_540 = arith.select %eq3A_537, %get3A_531, %broadcast_in_dim3A_539 : vector<16xi1>, vector<16xi32>
            %reduce_min3A_541 = arith.constant true
            %reduce_min3A_542 = vector.broadcast %reduce_min3A_541 : i1 to vector<16xi1>
            %reduce_min3A_543 = arith.constant -2147483648 : i32
            %reduce_min3A_544 = vector.broadcast %reduce_min3A_543 : i32 to vector<16xi32>
            %reduce_min3A_545 = arith.xori %select_n3A_540, %reduce_min3A_544 : vector<16xi32>
            %reduce_min3A_546 = tpu.scan <min>, %reduce_min3A_545 masked %reduce_min3A_542 : vector<16xi32>, vector<16xi1> -> vector<16xi32>
            %reduce_min3A_547 = arith.xori %reduce_min3A_546, %reduce_min3A_544 : vector<16xi32>
            %reduce_min3A_548 = vector.extract %reduce_min3A_547[15] : i32 from vector<16xi32>
            %lt3A = arith.cmpf olt, %reduce_min3A_535, %while3A_526 : f32
            %eq3A_549 = arith.cmpf oeq, %reduce_min3A_535, %while3A_526 : f32
            %select_n3A_550 = arith.select %lt3A, %reduce_min3A_535, %while3A_526 : f32
            %min3A_551 = arith.minsi %while3A_527, %reduce_min3A_548 : i32
            %select_n3A_552 = arith.select %eq3A_549, %min3A_551, %while3A_527 : i32
            %select_n3A_553 = arith.select %lt3A, %reduce_min3A_548, %select_n3A_552 : i32
            scf.yield %select_n3A_550, %select_n3A_553 : f32, i32
          }
          %while3A_520 = arith.constant 1 : i32
          %while3A_521:2 = scf.for %while3A_525 = %while3A_517 to %while3A_513 step %while3A_520 iter_args(%while3A_526 = %while3A_519#0, %while3A_527 = %while3A_519#1) -> (f32, i32)  : i32 {
            %mul3A_528 = arith.constant 16 : i32
            %mul3A_529 = arith.muli %while3A_525, %mul3A_528 : i32
            %get3A_530 = arith.index_cast %mul3A_529 : i32 to index
            %get3A_531 = tpu.vector_load %arg14[%get3A_530] {strides = array<i32>} : memref<4128xi32, #tpu.memory_space<vmem>>, vector<16xi32>,
            %gather3A_532 = tpu.vector_load_idx %arg13[%get3A_531] : memref<4128xf32, #tpu.memory_space<vmem>>[vector<16xi32>], vector<16xf32>,
            %reduce_min3A = arith.constant true
            %reduce_min3A_533 = vector.broadcast %reduce_min3A : i1 to vector<16xi1>
            %reduce_min3A_534 = tpu.scan <min>, %gather3A_532 masked %reduce_min3A_533 : vector<16xf32>, vector<16xi1> -> vector<16xf32>
            %reduce_min3A_535 = vector.extract %reduce_min3A_534[15] : f32 from vector<16xf32>
            %eq3A_536 = vector.broadcast %reduce_min3A_535 : f32 to vector<16xf32>
            %eq3A_537 = arith.cmpf oeq, %gather3A_532, %eq3A_536 : vector<16xf32>
            %jit3A_538 = arith.constant 1073741824 : i32
            %broadcast_in_dim3A_539 = vector.broadcast %jit3A_538 : i32 to vector<16xi32>
            %select_n3A_540 = arith.select %eq3A_537, %get3A_531, %broadcast_in_dim3A_539 : vector<16xi1>, vector<16xi32>
            %reduce_min3A_541 = arith.constant true
            %reduce_min3A_542 = vector.broadcast %reduce_min3A_541 : i1 to vector<16xi1>
            %reduce_min3A_543 = arith.constant -2147483648 : i32
            %reduce_min3A_544 = vector.broadcast %reduce_min3A_543 : i32 to vector<16xi32>
            %reduce_min3A_545 = arith.xori %select_n3A_540, %reduce_min3A_544 : vector<16xi32>
            %reduce_min3A_546 = tpu.scan <min>, %reduce_min3A_545 masked %reduce_min3A_542 : vector<16xi32>, vector<16xi1> -> vector<16xi32>
            %reduce_min3A_547 = arith.xori %reduce_min3A_546, %reduce_min3A_544 : vector<16xi32>
            %reduce_min3A_548 = vector.extract %reduce_min3A_547[15] : i32 from vector<16xi32>
            %lt3A = arith.cmpf olt, %reduce_min3A_535, %while3A_526 : f32
            %eq3A_549 = arith.cmpf oeq, %reduce_min3A_535, %while3A_526 : f32
            %select_n3A_550 = arith.select %lt3A, %reduce_min3A_535, %while3A_526 : f32
            %min3A_551 = arith.minsi %while3A_527, %reduce_min3A_548 : i32
            %select_n3A_552 = arith.select %eq3A_549, %min3A_551, %while3A_527 : i32
            %select_n3A_553 = arith.select %lt3A, %reduce_min3A_548, %select_n3A_552 : i32
            scf.yield %select_n3A_550, %select_n3A_553 : f32, i32
          }
          %broadcast_in_dim3A_522 = vector.broadcast %while3A_521#1 : i32 to vector<16xi32>
          tpu.vector_store_idx %arg13[%broadcast_in_dim3A_522], %broadcast_in_dim3A_3 masked %eq3A_14 : memref<4128xf32, #tpu.memory_space<vmem>>[vector<16xi32>], vector<16xf32>, vector<16xi1>
          %broadcast_in_dim3A_523 = vector.broadcast %while3A_507 : i32 to vector<16xi32>
          tpu.vector_store_idx %arg18[%broadcast_in_dim3A_329, %broadcast_in_dim3A_523], %broadcast_in_dim3A_522 masked %eq3A_14 : memref<128x48xi32, #tpu.memory_space<vmem>>[vector<16xi32>, vector<16xi32>], vector<16xi32>, vector<16xi1>
          %while3A_524 = arith.constant 0 : i32
          scf.yield %while3A_524 : i32
        }
      } else {
      }
      %broadcast_in_dim3A_359 = vector.broadcast %add3A_56 : i32 to vector<16xi32>
      %gather3A_360 = tpu.vector_load_idx %arg15[%broadcast_in_dim3A_359] : memref<4096xf32, #tpu.memory_space<vmem>>[vector<16xi32>], vector<16xf32>,
      %gather3A_361 = tpu.vector_load_idx %arg16[%broadcast_in_dim3A_359] : memref<4096xf32, #tpu.memory_space<vmem>>[vector<16xi32>], vector<16xf32>,
      %gather3A_362 = tpu.vector_load_idx %arg17[%broadcast_in_dim3A_359] : memref<4096xf32, #tpu.memory_space<vmem>>[vector<16xi32>], vector<16xf32>,
      %get3A_363 = arith.index_cast %add3A_286 : i32 to index
      %get3A_364 = arith.constant 0 : index
      %get3A_365 = tpu.vector_load %arg18[%get3A_363, %get3A_364] {strides = array<i32>} : memref<128x48xi32, #tpu.memory_space<vmem>>, vector<16xi32>,
      %ge3A_366 = arith.constant 0 : i32
      %ge3A_367 = vector.broadcast %ge3A_366 : i32 to vector<16xi32>
      %ge3A_368 = arith.cmpi sge, %get3A_365, %ge3A_367 : vector<16xi32>
      %max3A_369 = arith.constant 0 : i32
      %max3A_370 = vector.broadcast %max3A_369 : i32 to vector<16xi32>
      %max3A_371 = arith.maxsi %get3A_365, %max3A_370 : vector<16xi32>
      %gather3A_372 = tpu.vector_load_idx %arg15[%max3A_371] : memref<4096xf32, #tpu.memory_space<vmem>>[vector<16xi32>], vector<16xf32>,
      %gather3A_373 = tpu.vector_load_idx %arg16[%max3A_371] : memref<4096xf32, #tpu.memory_space<vmem>>[vector<16xi32>], vector<16xf32>,
      %gather3A_374 = tpu.vector_load_idx %arg17[%max3A_371] : memref<4096xf32, #tpu.memory_space<vmem>>[vector<16xi32>], vector<16xf32>,
      %broadcast_in_dim3A_375 = arith.constant 0.000000e+00 : f32
      %broadcast_in_dim3A_376 = vector.broadcast %broadcast_in_dim3A_375 : f32 to vector<16xf32>
      %sub3A_377 = arith.subf %gather3A_372, %gather3A_360 : vector<16xf32>
      %select_n3A_378 = arith.select %ge3A_368, %sub3A_377, %broadcast_in_dim3A_376 : vector<16xi1>, vector<16xf32>
      %sub3A_379 = arith.subf %gather3A_373, %gather3A_361 : vector<16xf32>
      %select_n3A_380 = arith.select %ge3A_368, %sub3A_379, %broadcast_in_dim3A_376 : vector<16xi1>, vector<16xf32>
      %sub3A_381 = arith.subf %gather3A_374, %gather3A_362 : vector<16xf32>
      %select_n3A_382 = arith.select %ge3A_368, %sub3A_381, %broadcast_in_dim3A_376 : vector<16xi1>, vector<16xf32>
      %mul3A_383 = arith.mulf %select_n3A_378, %select_n3A_378 : vector<16xf32>
      %mul3A_384 = arith.mulf %select_n3A_380, %select_n3A_380 : vector<16xf32>
      %add3A_385 = arith.addf %mul3A_383, %mul3A_384 : vector<16xf32>
      %mul3A_386 = arith.mulf %select_n3A_382, %select_n3A_382 : vector<16xf32>
      %add3A_387 = arith.addf %add3A_385, %mul3A_386 : vector<16xf32>
      %swap3A_388 = arith.index_cast %add3A_286 : i32 to index
      %swap3A_389 = arith.constant 0 : index
      %swap3A_390 = tpu.vector_load %arg20[%swap3A_388, %swap3A_389] {strides = array<i32>} : memref<128x48xf32, #tpu.memory_space<vmem>>, vector<16xf32>,
      tpu.vector_store %arg20[%swap3A_388, %swap3A_389], %select_n3A_378 {strides = array<i32>} : memref<128x48xf32, #tpu.memory_space<vmem>>, vector<16xf32>,
      %swap3A_391 = arith.index_cast %add3A_286 : i32 to index
      %swap3A_392 = arith.constant 0 : index
      %swap3A_393 = tpu.vector_load %arg21[%swap3A_391, %swap3A_392] {strides = array<i32>} : memref<128x48xf32, #tpu.memory_space<vmem>>, vector<16xf32>,
      tpu.vector_store %arg21[%swap3A_391, %swap3A_392], %select_n3A_380 {strides = array<i32>} : memref<128x48xf32, #tpu.memory_space<vmem>>, vector<16xf32>,
      %swap3A_394 = arith.index_cast %add3A_286 : i32 to index
      %swap3A_395 = arith.constant 0 : index
      %swap3A_396 = tpu.vector_load %arg22[%swap3A_394, %swap3A_395] {strides = array<i32>} : memref<128x48xf32, #tpu.memory_space<vmem>>, vector<16xf32>,
      tpu.vector_store %arg22[%swap3A_394, %swap3A_395], %select_n3A_382 {strides = array<i32>} : memref<128x48xf32, #tpu.memory_space<vmem>>, vector<16xf32>,
      %swap3A_397 = arith.index_cast %add3A_286 : i32 to index
      %swap3A_398 = arith.constant 0 : index
      %swap3A_399 = tpu.vector_load %arg23[%swap3A_397, %swap3A_398] {strides = array<i32>} : memref<128x48xf32, #tpu.memory_space<vmem>>, vector<16xf32>,
      tpu.vector_store %arg23[%swap3A_397, %swap3A_398], %add3A_387 {strides = array<i32>} : memref<128x48xf32, #tpu.memory_space<vmem>>, vector<16xf32>,
      %jit3A_400 = arith.constant -1 : i32
      %broadcast_in_dim3A_401 = vector.broadcast %add3A_56 : i32 to vector<16xi32>
      %broadcast_in_dim3A_402 = vector.broadcast %jit3A_400 : i32 to vector<16xi32>
      %select_n3A_403 = arith.select %ge3A_368, %broadcast_in_dim3A_401, %broadcast_in_dim3A_402 : vector<16xi1>, vector<16xi32>
      %swap3A_404 = arith.index_cast %add3A_286 : i32 to index
      %swap3A_405 = arith.constant 0 : index
      %swap3A_406 = tpu.vector_load %arg19[%swap3A_404, %swap3A_405] {strides = array<i32>} : memref<128x48xi32, #tpu.memory_space<vmem>>, vector<16xi32>,
      tpu.vector_store %arg19[%swap3A_404, %swap3A_405], %select_n3A_403 {strides = array<i32>} : memref<128x48xi32, #tpu.memory_space<vmem>>, vector<16xi32>,
      %get3A_407 = arith.index_cast %add3A_286 : i32 to index
      %get3A_408 = arith.constant 16 : index
      %get3A_409 = tpu.vector_load %arg18[%get3A_407, %get3A_408] {strides = array<i32>} : memref<128x48xi32, #tpu.memory_space<vmem>>, vector<16xi32>,
      %ge3A_410 = arith.constant 0 : i32
      %ge3A_411 = vector.broadcast %ge3A_410 : i32 to vector<16xi32>
      %ge3A_412 = arith.cmpi sge, %get3A_409, %ge3A_411 : vector<16xi32>
      %max3A_413 = arith.constant 0 : i32
      %max3A_414 = vector.broadcast %max3A_413 : i32 to vector<16xi32>
      %max3A_415 = arith.maxsi %get3A_409, %max3A_414 : vector<16xi32>
      %gather3A_416 = tpu.vector_load_idx %arg15[%max3A_415] : memref<4096xf32, #tpu.memory_space<vmem>>[vector<16xi32>], vector<16xf32>,
      %gather3A_417 = tpu.vector_load_idx %arg16[%max3A_415] : memref<4096xf32, #tpu.memory_space<vmem>>[vector<16xi32>], vector<16xf32>,
      %gather3A_418 = tpu.vector_load_idx %arg17[%max3A_415] : memref<4096xf32, #tpu.memory_space<vmem>>[vector<16xi32>], vector<16xf32>,
      %broadcast_in_dim3A_419 = arith.constant 0.000000e+00 : f32
      %broadcast_in_dim3A_420 = vector.broadcast %broadcast_in_dim3A_419 : f32 to vector<16xf32>
      %sub3A_421 = arith.subf %gather3A_416, %gather3A_360 : vector<16xf32>
      %select_n3A_422 = arith.select %ge3A_412, %sub3A_421, %broadcast_in_dim3A_420 : vector<16xi1>, vector<16xf32>
      %sub3A_423 = arith.subf %gather3A_417, %gather3A_361 : vector<16xf32>
      %select_n3A_424 = arith.select %ge3A_412, %sub3A_423, %broadcast_in_dim3A_420 : vector<16xi1>, vector<16xf32>
      %sub3A_425 = arith.subf %gather3A_418, %gather3A_362 : vector<16xf32>
      %select_n3A_426 = arith.select %ge3A_412, %sub3A_425, %broadcast_in_dim3A_420 : vector<16xi1>, vector<16xf32>
      %mul3A_427 = arith.mulf %select_n3A_422, %select_n3A_422 : vector<16xf32>
      %mul3A_428 = arith.mulf %select_n3A_424, %select_n3A_424 : vector<16xf32>
      %add3A_429 = arith.addf %mul3A_427, %mul3A_428 : vector<16xf32>
      %mul3A_430 = arith.mulf %select_n3A_426, %select_n3A_426 : vector<16xf32>
      %add3A_431 = arith.addf %add3A_429, %mul3A_430 : vector<16xf32>
      %swap3A_432 = arith.index_cast %add3A_286 : i32 to index
      %swap3A_433 = arith.constant 16 : index
      %swap3A_434 = tpu.vector_load %arg20[%swap3A_432, %swap3A_433] {strides = array<i32>} : memref<128x48xf32, #tpu.memory_space<vmem>>, vector<16xf32>,
      tpu.vector_store %arg20[%swap3A_432, %swap3A_433], %select_n3A_422 {strides = array<i32>} : memref<128x48xf32, #tpu.memory_space<vmem>>, vector<16xf32>,
      %swap3A_435 = arith.index_cast %add3A_286 : i32 to index
      %swap3A_436 = arith.constant 16 : index
      %swap3A_437 = tpu.vector_load %arg21[%swap3A_435, %swap3A_436] {strides = array<i32>} : memref<128x48xf32, #tpu.memory_space<vmem>>, vector<16xf32>,
      tpu.vector_store %arg21[%swap3A_435, %swap3A_436], %select_n3A_424 {strides = array<i32>} : memref<128x48xf32, #tpu.memory_space<vmem>>, vector<16xf32>,
      %swap3A_438 = arith.index_cast %add3A_286 : i32 to index
      %swap3A_439 = arith.constant 16 : index
      %swap3A_440 = tpu.vector_load %arg22[%swap3A_438, %swap3A_439] {strides = array<i32>} : memref<128x48xf32, #tpu.memory_space<vmem>>, vector<16xf32>,
      tpu.vector_store %arg22[%swap3A_438, %swap3A_439], %select_n3A_426 {strides = array<i32>} : memref<128x48xf32, #tpu.memory_space<vmem>>, vector<16xf32>,
      %swap3A_441 = arith.index_cast %add3A_286 : i32 to index
      %swap3A_442 = arith.constant 16 : index
      %swap3A_443 = tpu.vector_load %arg23[%swap3A_441, %swap3A_442] {strides = array<i32>} : memref<128x48xf32, #tpu.memory_space<vmem>>, vector<16xf32>,
      tpu.vector_store %arg23[%swap3A_441, %swap3A_442], %add3A_431 {strides = array<i32>} : memref<128x48xf32, #tpu.memory_space<vmem>>, vector<16xf32>,
      %jit3A_444 = arith.constant -1 : i32
      %broadcast_in_dim3A_445 = vector.broadcast %add3A_56 : i32 to vector<16xi32>
      %broadcast_in_dim3A_446 = vector.broadcast %jit3A_444 : i32 to vector<16xi32>
      %select_n3A_447 = arith.select %ge3A_412, %broadcast_in_dim3A_445, %broadcast_in_dim3A_446 : vector<16xi1>, vector<16xi32>
      %swap3A_448 = arith.index_cast %add3A_286 : i32 to index
      %swap3A_449 = arith.constant 16 : index
      %swap3A_450 = tpu.vector_load %arg19[%swap3A_448, %swap3A_449] {strides = array<i32>} : memref<128x48xi32, #tpu.memory_space<vmem>>, vector<16xi32>,
      tpu.vector_store %arg19[%swap3A_448, %swap3A_449], %select_n3A_447 {strides = array<i32>} : memref<128x48xi32, #tpu.memory_space<vmem>>, vector<16xi32>,
      %get3A_451 = arith.index_cast %add3A_286 : i32 to index
      %get3A_452 = arith.constant 32 : index
      %get3A_453 = tpu.vector_load %arg18[%get3A_451, %get3A_452] {strides = array<i32>} : memref<128x48xi32, #tpu.memory_space<vmem>>, vector<16xi32>,
      %ge3A_454 = arith.constant 0 : i32
      %ge3A_455 = vector.broadcast %ge3A_454 : i32 to vector<16xi32>
      %ge3A_456 = arith.cmpi sge, %get3A_453, %ge3A_455 : vector<16xi32>
      %max3A_457 = arith.constant 0 : i32
      %max3A_458 = vector.broadcast %max3A_457 : i32 to vector<16xi32>
      %max3A_459 = arith.maxsi %get3A_453, %max3A_458 : vector<16xi32>
      %gather3A_460 = tpu.vector_load_idx %arg15[%max3A_459] : memref<4096xf32, #tpu.memory_space<vmem>>[vector<16xi32>], vector<16xf32>,
      %gather3A_461 = tpu.vector_load_idx %arg16[%max3A_459] : memref<4096xf32, #tpu.memory_space<vmem>>[vector<16xi32>], vector<16xf32>,
      %gather3A_462 = tpu.vector_load_idx %arg17[%max3A_459] : memref<4096xf32, #tpu.memory_space<vmem>>[vector<16xi32>], vector<16xf32>,
      %broadcast_in_dim3A_463 = arith.constant 0.000000e+00 : f32
      %broadcast_in_dim3A_464 = vector.broadcast %broadcast_in_dim3A_463 : f32 to vector<16xf32>
      %sub3A_465 = arith.subf %gather3A_460, %gather3A_360 : vector<16xf32>
      %select_n3A_466 = arith.select %ge3A_456, %sub3A_465, %broadcast_in_dim3A_464 : vector<16xi1>, vector<16xf32>
      %sub3A_467 = arith.subf %gather3A_461, %gather3A_361 : vector<16xf32>
      %select_n3A_468 = arith.select %ge3A_456, %sub3A_467, %broadcast_in_dim3A_464 : vector<16xi1>, vector<16xf32>
      %sub3A_469 = arith.subf %gather3A_462, %gather3A_362 : vector<16xf32>
      %select_n3A_470 = arith.select %ge3A_456, %sub3A_469, %broadcast_in_dim3A_464 : vector<16xi1>, vector<16xf32>
      %mul3A_471 = arith.mulf %select_n3A_466, %select_n3A_466 : vector<16xf32>
      %mul3A_472 = arith.mulf %select_n3A_468, %select_n3A_468 : vector<16xf32>
      %add3A_473 = arith.addf %mul3A_471, %mul3A_472 : vector<16xf32>
      %mul3A_474 = arith.mulf %select_n3A_470, %select_n3A_470 : vector<16xf32>
      %add3A_475 = arith.addf %add3A_473, %mul3A_474 : vector<16xf32>
      %swap3A_476 = arith.index_cast %add3A_286 : i32 to index
      %swap3A_477 = arith.constant 32 : index
      %swap3A_478 = tpu.vector_load %arg20[%swap3A_476, %swap3A_477] {strides = array<i32>} : memref<128x48xf32, #tpu.memory_space<vmem>>, vector<16xf32>,
      tpu.vector_store %arg20[%swap3A_476, %swap3A_477], %select_n3A_466 {strides = array<i32>} : memref<128x48xf32, #tpu.memory_space<vmem>>, vector<16xf32>,
      %swap3A_479 = arith.index_cast %add3A_286 : i32 to index
      %swap3A_480 = arith.constant 32 : index
      %swap3A_481 = tpu.vector_load %arg21[%swap3A_479, %swap3A_480] {strides = array<i32>} : memref<128x48xf32, #tpu.memory_space<vmem>>, vector<16xf32>,
      tpu.vector_store %arg21[%swap3A_479, %swap3A_480], %select_n3A_468 {strides = array<i32>} : memref<128x48xf32, #tpu.memory_space<vmem>>, vector<16xf32>,
      %swap3A_482 = arith.index_cast %add3A_286 : i32 to index
      %swap3A_483 = arith.constant 32 : index
      %swap3A_484 = tpu.vector_load %arg22[%swap3A_482, %swap3A_483] {strides = array<i32>} : memref<128x48xf32, #tpu.memory_space<vmem>>, vector<16xf32>,
      tpu.vector_store %arg22[%swap3A_482, %swap3A_483], %select_n3A_470 {strides = array<i32>} : memref<128x48xf32, #tpu.memory_space<vmem>>, vector<16xf32>,
      %swap3A_485 = arith.index_cast %add3A_286 : i32 to index
      %swap3A_486 = arith.constant 32 : index
      %swap3A_487 = tpu.vector_load %arg23[%swap3A_485, %swap3A_486] {strides = array<i32>} : memref<128x48xf32, #tpu.memory_space<vmem>>, vector<16xf32>,
      tpu.vector_store %arg23[%swap3A_485, %swap3A_486], %add3A_475 {strides = array<i32>} : memref<128x48xf32, #tpu.memory_space<vmem>>, vector<16xf32>,
      %jit3A_488 = arith.constant -1 : i32
      %broadcast_in_dim3A_489 = vector.broadcast %add3A_56 : i32 to vector<16xi32>
      %broadcast_in_dim3A_490 = vector.broadcast %jit3A_488 : i32 to vector<16xi32>
      %select_n3A_491 = arith.select %ge3A_456, %broadcast_in_dim3A_489, %broadcast_in_dim3A_490 : vector<16xi1>, vector<16xi32>
      %swap3A_492 = arith.index_cast %add3A_286 : i32 to index
      %swap3A_493 = arith.constant 32 : index
      %swap3A_494 = tpu.vector_load %arg19[%swap3A_492, %swap3A_493] {strides = array<i32>} : memref<128x48xi32, #tpu.memory_space<vmem>>, vector<16xi32>,
      tpu.vector_store %arg19[%swap3A_492, %swap3A_493], %select_n3A_491 {strides = array<i32>} : memref<128x48xi32, #tpu.memory_space<vmem>>, vector<16xi32>,
      %scan3A_495 = arith.constant 0 : i32
      scf.yield %scan3A_495 : i32
    }
    %scan3A_29 = arith.constant 64 : i32
    %dma_wait3A = arith.constant 0 : i32
    %dma_wait3A_30 = arith.constant 0 : i32
    %dma_wait3A_31 = tpu.memref_slice %arg12[%dma_wait3A_30] : memref<4128xf32, #tpu.memory_space<vmem>> -> memref<4096xf32, #tpu.memory_space<vmem>>
    %dma_wait3A_32 = arith.constant 0 : i32
    %dma_wait3A_33 = tpu.memref_slice %arg2[%dma_wait3A, %dma_wait3A_32] : memref<4096x4096xf32, #tpu.memory_space<hbm>> -> memref<1x4096xf32, #tpu.memory_space<hbm>>
    %dma_wait3A_34 = tpu.memref_squeeze %dma_wait3A_33 : memref<1x4096xf32, #tpu.memory_space<hbm>> -> memref<4096xf32, #tpu.memory_space<hbm>>
    %dma_wait3A_35 = arith.constant 0 : i32
    %dma_wait3A_36 = tpu.memref_slice %arg12[%dma_wait3A_35] : memref<4128xf32, #tpu.memory_space<vmem>> -> memref<4096xf32, #tpu.memory_space<vmem>>
    %dma_wait3A_37 = arith.constant 0 : i32
    %dma_wait3A_38 = tpu.memref_slice %arg2[%dma_wait3A, %dma_wait3A_37] : memref<4096x4096xf32, #tpu.memory_space<hbm>> -> memref<1x4096xf32, #tpu.memory_space<hbm>>
    %dma_wait3A_39 = tpu.memref_squeeze %dma_wait3A_38 : memref<1x4096xf32, #tpu.memory_space<hbm>> -> memref<4096xf32, #tpu.memory_space<hbm>>
    tpu.wait_dma2 semaphore(%arg24 : memref<!tpu.dma_semaphore, #tpu.memory_space<semaphore_mem>>) src(%dma_wait3A_39 : memref<4096xf32, #tpu.memory_space<hbm>>) dst(%dma_wait3A_36 : memref<4096xf32, #tpu.memory_space<vmem>>)
    "tpu.region"() ({
      %run_scoped3A = tpu.sem_alloc : memref<!tpu.dma_semaphore, #tpu.memory_space<semaphore_mem>>
      %dma_start3A_40 = arith.constant 0 : i32
      %dma_start3A_41 = tpu.memref_slice %arg6[%mul3A_2, %dma_start3A_40] : memref<4096x48xi32, #tpu.memory_space<hbm>> -> memref<128x48xi32, #tpu.memory_space<hbm>>
      %dma_start3A_42 = arith.constant 0 : i32
      %dma_start3A_43 = tpu.memref_slice %arg6[%mul3A_2, %dma_start3A_42] : memref<4096x48xi32, #tpu.memory_space<hbm>> -> memref<128x48xi32, #tpu.memory_space<hbm>>
      tpu.enqueue_dma source(%arg18 : memref<128x48xi32, #tpu.memory_space<vmem>>) target(%dma_start3A_43 : memref<128x48xi32, #tpu.memory_space<hbm>>) target_semaphore(%run_scoped3A : memref<!tpu.dma_semaphore, #tpu.memory_space<semaphore_mem>>)
      %dma_wait3A_44 = arith.constant 0 : i32
      %dma_wait3A_45 = tpu.memref_slice %arg6[%mul3A_2, %dma_wait3A_44] : memref<4096x48xi32, #tpu.memory_space<hbm>> -> memref<128x48xi32, #tpu.memory_space<hbm>>
      %dma_wait3A_46 = arith.constant 0 : i32
      %dma_wait3A_47 = tpu.memref_slice %arg6[%mul3A_2, %dma_wait3A_46] : memref<4096x48xi32, #tpu.memory_space<hbm>> -> memref<128x48xi32, #tpu.memory_space<hbm>>
      tpu.wait_dma2 semaphore(%run_scoped3A : memref<!tpu.dma_semaphore, #tpu.memory_space<semaphore_mem>>) src(%arg18 : memref<128x48xi32, #tpu.memory_space<vmem>>) dst(%dma_wait3A_47 : memref<128x48xi32, #tpu.memory_space<hbm>>)
      tpu.yield
    }) : () -> ()
    "tpu.region"() ({
      %run_scoped3A = tpu.sem_alloc : memref<!tpu.dma_semaphore, #tpu.memory_space<semaphore_mem>>
      %dma_start3A_40 = arith.constant 0 : i32
      %dma_start3A_41 = tpu.memref_slice %arg7[%mul3A_2, %dma_start3A_40] : memref<4096x48xi32, #tpu.memory_space<hbm>> -> memref<128x48xi32, #tpu.memory_space<hbm>>
      %dma_start3A_42 = arith.constant 0 : i32
      %dma_start3A_43 = tpu.memref_slice %arg7[%mul3A_2, %dma_start3A_42] : memref<4096x48xi32, #tpu.memory_space<hbm>> -> memref<128x48xi32, #tpu.memory_space<hbm>>
      tpu.enqueue_dma source(%arg19 : memref<128x48xi32, #tpu.memory_space<vmem>>) target(%dma_start3A_43 : memref<128x48xi32, #tpu.memory_space<hbm>>) target_semaphore(%run_scoped3A : memref<!tpu.dma_semaphore, #tpu.memory_space<semaphore_mem>>)
      %dma_wait3A_44 = arith.constant 0 : i32
      %dma_wait3A_45 = tpu.memref_slice %arg7[%mul3A_2, %dma_wait3A_44] : memref<4096x48xi32, #tpu.memory_space<hbm>> -> memref<128x48xi32, #tpu.memory_space<hbm>>
      %dma_wait3A_46 = arith.constant 0 : i32
      %dma_wait3A_47 = tpu.memref_slice %arg7[%mul3A_2, %dma_wait3A_46] : memref<4096x48xi32, #tpu.memory_space<hbm>> -> memref<128x48xi32, #tpu.memory_space<hbm>>
      tpu.wait_dma2 semaphore(%run_scoped3A : memref<!tpu.dma_semaphore, #tpu.memory_space<semaphore_mem>>) src(%arg19 : memref<128x48xi32, #tpu.memory_space<vmem>>) dst(%dma_wait3A_47 : memref<128x48xi32, #tpu.memory_space<hbm>>)
      tpu.yield
    }) : () -> ()
    "tpu.region"() ({
      %run_scoped3A = tpu.sem_alloc : memref<!tpu.dma_semaphore, #tpu.memory_space<semaphore_mem>>
      %dma_start3A_40 = arith.constant 0 : i32
      %dma_start3A_41 = tpu.memref_slice %arg8[%mul3A_2, %dma_start3A_40] : memref<4096x48xf32, #tpu.memory_space<hbm>> -> memref<128x48xf32, #tpu.memory_space<hbm>>
      %dma_start3A_42 = arith.constant 0 : i32
      %dma_start3A_43 = tpu.memref_slice %arg8[%mul3A_2, %dma_start3A_42] : memref<4096x48xf32, #tpu.memory_space<hbm>> -> memref<128x48xf32, #tpu.memory_space<hbm>>
      tpu.enqueue_dma source(%arg20 : memref<128x48xf32, #tpu.memory_space<vmem>>) target(%dma_start3A_43 : memref<128x48xf32, #tpu.memory_space<hbm>>) target_semaphore(%run_scoped3A : memref<!tpu.dma_semaphore, #tpu.memory_space<semaphore_mem>>)
      %dma_wait3A_44 = arith.constant 0 : i32
      %dma_wait3A_45 = tpu.memref_slice %arg8[%mul3A_2, %dma_wait3A_44] : memref<4096x48xf32, #tpu.memory_space<hbm>> -> memref<128x48xf32, #tpu.memory_space<hbm>>
      %dma_wait3A_46 = arith.constant 0 : i32
      %dma_wait3A_47 = tpu.memref_slice %arg8[%mul3A_2, %dma_wait3A_46] : memref<4096x48xf32, #tpu.memory_space<hbm>> -> memref<128x48xf32, #tpu.memory_space<hbm>>
      tpu.wait_dma2 semaphore(%run_scoped3A : memref<!tpu.dma_semaphore, #tpu.memory_space<semaphore_mem>>) src(%arg20 : memref<128x48xf32, #tpu.memory_space<vmem>>) dst(%dma_wait3A_47 : memref<128x48xf32, #tpu.memory_space<hbm>>)
      tpu.yield
    }) : () -> ()
    "tpu.region"() ({
      %run_scoped3A = tpu.sem_alloc : memref<!tpu.dma_semaphore, #tpu.memory_space<semaphore_mem>>
      %dma_start3A_40 = arith.constant 0 : i32
      %dma_start3A_41 = tpu.memref_slice %arg9[%mul3A_2, %dma_start3A_40] : memref<4096x48xf32, #tpu.memory_space<hbm>> -> memref<128x48xf32, #tpu.memory_space<hbm>>
      %dma_start3A_42 = arith.constant 0 : i32
      %dma_start3A_43 = tpu.memref_slice %arg9[%mul3A_2, %dma_start3A_42] : memref<4096x48xf32, #tpu.memory_space<hbm>> -> memref<128x48xf32, #tpu.memory_space<hbm>>
      tpu.enqueue_dma source(%arg21 : memref<128x48xf32, #tpu.memory_space<vmem>>) target(%dma_start3A_43 : memref<128x48xf32, #tpu.memory_space<hbm>>) target_semaphore(%run_scoped3A : memref<!tpu.dma_semaphore, #tpu.memory_space<semaphore_mem>>)
      %dma_wait3A_44 = arith.constant 0 : i32
      %dma_wait3A_45 = tpu.memref_slice %arg9[%mul3A_2, %dma_wait3A_44] : memref<4096x48xf32, #tpu.memory_space<hbm>> -> memref<128x48xf32, #tpu.memory_space<hbm>>
      %dma_wait3A_46 = arith.constant 0 : i32
      %dma_wait3A_47 = tpu.memref_slice %arg9[%mul3A_2, %dma_wait3A_46] : memref<4096x48xf32, #tpu.memory_space<hbm>> -> memref<128x48xf32, #tpu.memory_space<hbm>>
      tpu.wait_dma2 semaphore(%run_scoped3A : memref<!tpu.dma_semaphore, #tpu.memory_space<semaphore_mem>>) src(%arg21 : memref<128x48xf32, #tpu.memory_space<vmem>>) dst(%dma_wait3A_47 : memref<128x48xf32, #tpu.memory_space<hbm>>)
      tpu.yield
    }) : () -> ()
    "tpu.region"() ({
      %run_scoped3A = tpu.sem_alloc : memref<!tpu.dma_semaphore, #tpu.memory_space<semaphore_mem>>
      %dma_start3A_40 = arith.constant 0 : i32
      %dma_start3A_41 = tpu.memref_slice %arg10[%mul3A_2, %dma_start3A_40] : memref<4096x48xf32, #tpu.memory_space<hbm>> -> memref<128x48xf32, #tpu.memory_space<hbm>>
      %dma_start3A_42 = arith.constant 0 : i32
      %dma_start3A_43 = tpu.memref_slice %arg10[%mul3A_2, %dma_start3A_42] : memref<4096x48xf32, #tpu.memory_space<hbm>> -> memref<128x48xf32, #tpu.memory_space<hbm>>
      tpu.enqueue_dma source(%arg22 : memref<128x48xf32, #tpu.memory_space<vmem>>) target(%dma_start3A_43 : memref<128x48xf32, #tpu.memory_space<hbm>>) target_semaphore(%run_scoped3A : memref<!tpu.dma_semaphore, #tpu.memory_space<semaphore_mem>>)
      %dma_wait3A_44 = arith.constant 0 : i32
      %dma_wait3A_45 = tpu.memref_slice %arg10[%mul3A_2, %dma_wait3A_44] : memref<4096x48xf32, #tpu.memory_space<hbm>> -> memref<128x48xf32, #tpu.memory_space<hbm>>
      %dma_wait3A_46 = arith.constant 0 : i32
      %dma_wait3A_47 = tpu.memref_slice %arg10[%mul3A_2, %dma_wait3A_46] : memref<4096x48xf32, #tpu.memory_space<hbm>> -> memref<128x48xf32, #tpu.memory_space<hbm>>
      tpu.wait_dma2 semaphore(%run_scoped3A : memref<!tpu.dma_semaphore, #tpu.memory_space<semaphore_mem>>) src(%arg22 : memref<128x48xf32, #tpu.memory_space<vmem>>) dst(%dma_wait3A_47 : memref<128x48xf32, #tpu.memory_space<hbm>>)
      tpu.yield
    }) : () -> ()
    "tpu.region"() ({
      %run_scoped3A = tpu.sem_alloc : memref<!tpu.dma_semaphore, #tpu.memory_space<semaphore_mem>>
      %dma_start3A_40 = arith.constant 0 : i32
      %dma_start3A_41 = tpu.memref_slice %arg11[%mul3A_2, %dma_start3A_40] : memref<4096x48xf32, #tpu.memory_space<hbm>> -> memref<128x48xf32, #tpu.memory_space<hbm>>
      %dma_start3A_42 = arith.constant 0 : i32
      %dma_start3A_43 = tpu.memref_slice %arg11[%mul3A_2, %dma_start3A_42] : memref<4096x48xf32, #tpu.memory_space<hbm>> -> memref<128x48xf32, #tpu.memory_space<hbm>>
      tpu.enqueue_dma source(%arg23 : memref<128x48xf32, #tpu.memory_space<vmem>>) target(%dma_start3A_43 : memref<128x48xf32, #tpu.memory_space<hbm>>) target_semaphore(%run_scoped3A : memref<!tpu.dma_semaphore, #tpu.memory_space<semaphore_mem>>)
      %dma_wait3A_44 = arith.constant 0 : i32
      %dma_wait3A_45 = tpu.memref_slice %arg11[%mul3A_2, %dma_wait3A_44] : memref<4096x48xf32, #tpu.memory_space<hbm>> -> memref<128x48xf32, #tpu.memory_space<hbm>>
      %dma_wait3A_46 = arith.constant 0 : i32
      %dma_wait3A_47 = tpu.memref_slice %arg11[%mul3A_2, %dma_wait3A_46] : memref<4096x48xf32, #tpu.memory_space<hbm>> -> memref<128x48xf32, #tpu.memory_space<hbm>>
      tpu.wait_dma2 semaphore(%run_scoped3A : memref<!tpu.dma_semaphore, #tpu.memory_space<semaphore_mem>>) src(%arg23 : memref<128x48xf32, #tpu.memory_space<vmem>>) dst(%dma_wait3A_47 : memref<128x48xf32, #tpu.memory_space<hbm>>)
      tpu.yield
    }) : () -> ()
    return
  }
}

module attributes {stable_mosaic.version = 14 : i64} {
  func.func @_dist_body(%arg0: i32, %arg1: memref<512x8xf32, #tpu.memory_space<vmem>>, %arg2: memref<8x4096xf32, #tpu.memory_space<vmem>>, %arg3: memref<512x1xf32, #tpu.memory_space<vmem>>, %arg4: memref<1x4096xf32, #tpu.memory_space<vmem>>, %arg5: memref<512x1xi32, #tpu.memory_space<vmem>>, %arg6: memref<1x4096xi32, #tpu.memory_space<vmem>>, %arg7: memref<512x4096xf32, #tpu.memory_space<vmem>>) attributes {dimension_semantics = [#tpu.dimension_semantics<arbitrary>], iteration_bounds = array<i64: 8>, scalar_prefetch = 0 : i64, scratch_operands = 0 : i64, tpu.core_type = #tpu.core_type<tc>, window_params = [{transform_indices = @transform_0, window_bounds = array<i64: 512, 8>}, {pipeline_mode = #tpu.pipeline_mode<synchronous>, transform_indices = @transform_1, window_bounds = array<i64: 8, 4096>}, {transform_indices = @transform_2, window_bounds = array<i64: 512, 1>}, {pipeline_mode = #tpu.pipeline_mode<synchronous>, transform_indices = @transform_3, window_bounds = array<i64: 1, 4096>}, {transform_indices = @transform_4, window_bounds = array<i64: 512, 1>}, {pipeline_mode = #tpu.pipeline_mode<synchronous>, transform_indices = @transform_5, window_bounds = array<i64: 1, 4096>}, {transform_indices = @transform_6, window_bounds = array<i64: 512, 4096>}]} {
    %get3A = arith.constant 0 : index
    %get3A_0 = arith.constant 0 : index
    %get3A_1 = vector.load %arg1[%get3A, %get3A_0] : memref<512x8xf32, #tpu.memory_space<vmem>>, vector<512x8xf32>
    %get3A_2 = arith.constant 0 : index
    %get3A_3 = arith.constant 0 : index
    %get3A_4 = vector.load %arg2[%get3A_2, %get3A_3] : memref<8x4096xf32, #tpu.memory_space<vmem>>, vector<8x4096xf32>
    %dot_general3A = arith.constant dense<0.000000e+00> : vector<512x4096xf32>
    %dot_general3A_5 = tpu.matmul %get3A_1, %get3A_4, %dot_general3A {dimension_numbers = #tpu.dot_dimension_numbers<[1], [0], [0], [1], [0, 0, 1, 1], [], []>, transpose_lhs_hint = false} : vector<512x8xf32>, vector<8x4096xf32>, vector<512x4096xf32> -> vector<512x4096xf32>
    %get3A_6 = arith.constant 0 : index
    %get3A_7 = arith.constant 0 : index
    %get3A_8 = vector.load %arg3[%get3A_6, %get3A_7] : memref<512x1xf32, #tpu.memory_space<vmem>>, vector<512x1xf32>
    %get3A_9 = arith.constant 0 : index
    %get3A_10 = arith.constant 0 : index
    %get3A_11 = vector.load %arg4[%get3A_9, %get3A_10] : memref<1x4096xf32, #tpu.memory_space<vmem>>, vector<1x4096xf32>
    %add3A = vector.broadcast %get3A_8 : vector<512x1xf32> to vector<512x4096xf32>
    %add3A_12 = vector.broadcast %get3A_11 : vector<1x4096xf32> to vector<512x4096xf32>
    %add3A_13 = arith.addf %add3A, %add3A_12 : vector<512x4096xf32>
    %mul3A = arith.constant 2.000000e+00 : f32
    %mul3A_14 = vector.broadcast %mul3A : f32 to vector<512x4096xf32>
    %mul3A_15 = arith.mulf %mul3A_14, %dot_general3A_5 : vector<512x4096xf32>
    %sub3A = arith.subf %add3A_13, %mul3A_15 : vector<512x4096xf32>
    %max3A = arith.constant 0.000000e+00 : f32
    %max3A_16 = vector.broadcast %max3A : f32 to vector<512x4096xf32>
    %max3A_17 = arith.maximumf %sub3A, %max3A_16 : vector<512x4096xf32>
    %mul3A_18 = arith.constant 512 : i32
    %mul3A_19 = arith.muli %arg0, %mul3A_18 : i32
    %iota3A = tpu.iota {dimensions = array<i32: 0>} : vector<512x4096xi32>
    %add3A_20 = vector.broadcast %mul3A_19 : i32 to vector<512x4096xi32>
    %add3A_21 = arith.addi %add3A_20, %iota3A : vector<512x4096xi32>
    %iota3A_22 = tpu.iota {dimensions = array<i32: 1>} : vector<512x4096xi32>
    %get3A_23 = arith.constant 0 : index
    %get3A_24 = arith.constant 0 : index
    %get3A_25 = vector.load %arg5[%get3A_23, %get3A_24] : memref<512x1xi32, #tpu.memory_space<vmem>>, vector<512x1xi32>
    %get3A_26 = arith.constant 0 : index
    %get3A_27 = arith.constant 0 : index
    %get3A_28 = vector.load %arg6[%get3A_26, %get3A_27] : memref<1x4096xi32, #tpu.memory_space<vmem>>, vector<1x4096xi32>
    %eq3A = vector.broadcast %get3A_25 : vector<512x1xi32> to vector<512x4096xi32>
    %eq3A_29 = vector.broadcast %get3A_28 : vector<1x4096xi32> to vector<512x4096xi32>
    %eq3A_30 = arith.cmpi eq, %eq3A, %eq3A_29 : vector<512x4096xi32>
    %ne3A = arith.cmpi ne, %add3A_21, %iota3A_22 : vector<512x4096xi32>
    %and3A = arith.andi %eq3A_30, %ne3A : vector<512x4096xi1>
    %le3A = arith.constant 2.500000e+01 : f32
    %le3A_31 = vector.broadcast %le3A : f32 to vector<512x4096xf32>
    %le3A_32 = arith.cmpf ole, %max3A_17, %le3A_31 : vector<512x4096xf32>
    %and3A_33 = arith.andi %and3A, %le3A_32 : vector<512x4096xi1>
    %jit3A = arith.constant 0x7F800000 : f32
    %broadcast_in_dim3A = vector.broadcast %jit3A : f32 to vector<512x4096xf32>
    %select_n3A = arith.select %and3A_33, %max3A_17, %broadcast_in_dim3A : vector<512x4096xi1>, vector<512x4096xf32>
    %swap3A = arith.constant 0 : index
    %swap3A_34 = arith.constant 0 : index
    %swap3A_35 = vector.load %arg7[%swap3A, %swap3A_34] : memref<512x4096xf32, #tpu.memory_space<vmem>>, vector<512x4096xf32>
    tpu.vector_store %arg7[%swap3A, %swap3A_34], %select_n3A {strides = array<i32>} : memref<512x4096xf32, #tpu.memory_space<vmem>>, vector<512x4096xf32>,
    return
  }
  func.func @transform_0(%arg0: i32) -> (i32, i32) {
    %c0_i32 = arith.constant 0 : i32
    %c0_i32_0 = arith.constant 0 : i32
    return %arg0, %c0_i32 : i32, i32
  }
  func.func @transform_1(%arg0: i32) -> (i32, i32) {
    %c0_i32 = arith.constant 0 : i32
    %c0_i32_0 = arith.constant 0 : i32
    %c0_i32_1 = arith.constant 0 : i32
    return %c0_i32, %c0_i32_0 : i32, i32
  }
  func.func @transform_2(%arg0: i32) -> (i32, i32) {
    %c0_i32 = arith.constant 0 : i32
    %c0_i32_0 = arith.constant 0 : i32
    return %arg0, %c0_i32 : i32, i32
  }
  func.func @transform_3(%arg0: i32) -> (i32, i32) {
    %c0_i32 = arith.constant 0 : i32
    %c0_i32_0 = arith.constant 0 : i32
    %c0_i32_1 = arith.constant 0 : i32
    return %c0_i32, %c0_i32_0 : i32, i32
  }
  func.func @transform_4(%arg0: i32) -> (i32, i32) {
    %c0_i32 = arith.constant 0 : i32
    %c0_i32_0 = arith.constant 0 : i32
    return %arg0, %c0_i32 : i32, i32
  }
  func.func @transform_5(%arg0: i32) -> (i32, i32) {
    %c0_i32 = arith.constant 0 : i32
    %c0_i32_0 = arith.constant 0 : i32
    %c0_i32_1 = arith.constant 0 : i32
    return %c0_i32, %c0_i32_0 : i32, i32
  }
  func.func @transform_6(%arg0: i32) -> (i32, i32) {
    %c0_i32 = arith.constant 0 : i32
    %c0_i32_0 = arith.constant 0 : i32
    return %arg0, %c0_i32 : i32, i32
  }
}

module attributes {stable_mosaic.version = 14 : i64} {
  func.func @_sqrt_body(%arg0: memref<4096x48xf32, #tpu.memory_space<vmem>>, %arg1: memref<4096x48xf32, #tpu.memory_space<vmem>>) attributes {dimension_semantics = [], scalar_prefetch = 0 : i64, scratch_operands = 0 : i64, tpu.core_type = #tpu.core_type<tc>} {
    %get3A = arith.constant 0 : index
    %get3A_0 = arith.constant 0 : index
    %get3A_1 = vector.load %arg0[%get3A, %get3A_0] : memref<4096x48xf32, #tpu.memory_space<vmem>>, vector<4096x48xf32>
    %sqrt3A = math.sqrt %get3A_1 : vector<4096x48xf32>
    %swap3A = arith.constant 0 : index
    %swap3A_2 = arith.constant 0 : index
    %swap3A_3 = vector.load %arg1[%swap3A, %swap3A_2] : memref<4096x48xf32, #tpu.memory_space<vmem>>, vector<4096x48xf32>
    tpu.vector_store %arg1[%swap3A, %swap3A_2], %sqrt3A {strides = array<i32>} : memref<4096x48xf32, #tpu.memory_space<vmem>>, vector<4096x48xf32>,
    return
  }
}

</mosaic_0001>

<sc_bundles>
// kernel: kernel.5.cloned.1.call-start
scs
__scs_entry_jumppad:
0x0: {  	(pc) =	sbr.rel $0x88, $3  }
0x1: {  	(tag) =	ssettag $0x0;
	lr =	simm.s32 $0x1  }
0x2: {  	[smem:$0x3F9F] =	sst lr;
	_ =	strace $0xD0000000  }
0x3: {  	_ = 	snop  }
0x4: {  	_ = 	snop  }
0x5: {  	_ = 	snop  }
0x6: {  	_ = 	snop  }
0x7: {  	_ = 	snop  }
__scs_overlays_trampoline_lowered:
0x8: {  	[smem:$0x3FAE] =	sst s0  }
0x9: {  	[smem:$0x3FAF] =	sst s1  }
0xa: {  	[smem:$0x3FB0] =	sst s2  }
0xb: {  	[smem:$0x3FB1] =	sst s3  }
0xc: {  	[smem:$0x3FB2] =	sst s4  }
0xd: {  	[smem:$0x3FB3] =	sst s5  }
0xe: {  	[smem:$0x3FB4] =	sst s6  }
0xf: {  	[smem:$0x3FB5] =	sst s7  }
0x10: {  	[smem:$0x3FB6] =	sst s8  }
0x11: {  	[smem:$0x3FB7] =	sst s9;
	s0 =	simm.s32 @!p0 $0x0  }
0x12: {  	s1 =	sld [smem:$0x3F9D];
	s0 =	simm.s32 @p0 $0x1  }
0x13: {  	[smem:$0x3FB8] =	sst s0;
	s0 =	simm.s32 @!p1 $0x0  }
0x14: {  	s2 =	sld [smem:$0x3F9C];
	s0 =	simm.s32 @p1 $0x1  }
0x15: {  	[smem:$0x3FB9] =	sst s0;
	s0 =	simm.s32 @!p2 $0x0  }
0x16: {  	s3 =	sld [smem:$0x3FDB];
	s0 =	simm.s32 @p2 $0x1  }
0x17: {  	s4 =	simm.s32 $0x1BF5;
	[smem:$0x3FBB] =	sst s0  }
0x18: {  	s0 =	sld [smem:$0x3F9E];
	_ =	swait.ge [sflag:s4], $0x0  }
0x19: {  	s7 =	sld [smem:$0x3F9F]  }
0x1a: {  	s8 =	sadd.s32 $0xFFFFE003, lr  }
0x1b: {  	s9 =	sadd.s32 $0xFFFFFEF7, lr;
	s5 =	simm.s32 $0xFFFFFFFF;
	p2 =	slt.u32 s8, $0xFFFFF086  }
0x1c: {  	p1 =	slt.u32 s9, $0xF7A;
	s5 =	simm.s32 @!p2 $0x0  }
0x1d: {  	s5 =	simm.s32 @p1 $0x1;
	p0 =	seq.s32 s7, s2  }
0x1e: {  	s7 =	smul.u32 @!p0 $0xF7A, s2;
	p2 =	seq.s32 @!p0 s5, $0x0  }
0x1f: {  	s9 =	smul.u32 $0xF7A, s1;
	s8 =	simm.s32 @!p0 $0x1BF5;
	p2 =	por !p2, p0  }
0x20: {  	[sflag:s8] =	ssyncset.s32 @!p0 $0xFFFFF086;
	s6 =	sadd.s32 @!p0 s3, s7;
	s7 =	simm.s32 @!p0 $0x108  }
0x21: {  	s3 =	sadd.s32 s3, s9;
	s6 =	sadd.s32 @!p0 $0x88, s6;
	s7 =	simm.s32 @p2 $0x1082  }
0x22: {  	[simem:s7], [sflag:s8] =	dma.local @!p0 [hbm:s6], $0xF7A  }
0x23: {  	s9 =	sor.u32 $0xD0000000, s2;
	s6 =	simm.s32 $0x108;
	_ =	swait.ge @!p0 [sflag:s8], $0x0  }
0x24: {  	s3 =	sadd.s32 $0x88, s3;
	s6 =	simm.s32 @!p1 $0x1082;
	[sflag:s4] =	ssyncset.s32 $0xFFFFF086  }
0x25: {  	[simem:s6], [sflag:s4] =	dma.local [hbm:s3], $0xF7A  }
0x26: {  	[smem:$0x3F9F] =	sst s1;
	(tag) =	ssettag s2;
	_ =	strace s9  }
0x27: {  	s1 =	sld [smem:$0x3FAF]  }
0x28: {  	s2 =	sld [smem:$0x3FB0]  }
0x29: {  	s4 =	sld [smem:$0x3FB2]  }
0x2a: {  	p0 =	seq.s32 s5, $0x0;
	s5 =	sld [smem:$0x3FB3]  }
0x2b: {  	s6 =	sld [smem:$0x3FB4]  }
0x2c: {  	s7 =	sld [smem:$0x3FB5]  }
0x2d: {  	s3 =	simm.s32 $0x108;
	s8 =	sld [smem:$0x3FB6]  }
0x2e: {  	s3 =	simm.s32 @!p0 $0x1082;
	s9 =	sld [smem:$0x3FB7]  }
0x2f: {  	lr =	sadd.s32 s0, s3;
	s0 =	sld [smem:$0x3FAE]  }
0x30: {  	s3 =	sld [smem:$0x3FB1]  }
0x31: {  	[smem:$0x3FBA] =	sst s10  }
0x32: {  	s10 =	sld [smem:$0x3FB8];
	_ =	sdelay $0x3  }
0x33: {  	p0 =	seq.s32 s10, $0x1;
	s10 =	sld [smem:$0x3FBA];
	_ =	sdelay $0x3  }
0x34: {  	[smem:$0x3FBA] =	sst s10  }
0x35: {  	s10 =	sld [smem:$0x3FB9];
	_ =	sdelay $0x3  }
0x36: {  	p1 =	seq.s32 s10, $0x1;
	s10 =	sld [smem:$0x3FBA];
	_ =	sdelay $0x3  }
0x37: {  	[smem:$0x3FBA] =	sst s10  }
0x38: {  	s10 =	sld [smem:$0x3FBB]  }
0x39: {  	_ = 	snop;
	(pc) =	sbr.ind lr, $3  }
0x3a: {  	_ = 	snop  }
0x3b: {  	_ = 	snop  }
0x3c: {  	p2 =	seq.s32 s10, $0x1;
	s10 =	sld [smem:$0x3FBA]  }
0x3d: {  	_ =	shalt  }
0x3e: {  	_ =	shalt  }
0x3f: {  	_ =	shalt  }
0x40: {  	_ =	shalt  }
0x41: {  	_ =	shalt  }
0x42: {  	_ =	shalt  }
0x43: {  	_ =	shalt  }
0x44: {  	_ =	shalt  }
0x45: {  	_ =	shalt  }
0x46: {  	_ =	shalt  }
0x47: {  	_ =	shalt  }
0x48: {  	_ =	shalt  }
0x49: {  	_ =	shalt  }
0x4a: {  	_ =	shalt  }
0x4b: {  	_ =	shalt  }
0x4c: {  	_ =	shalt  }
0x4d: {  	_ =	shalt  }
0x4e: {  	_ =	shalt  }
0x4f: {  	_ =	shalt  }
0x50: {  	_ =	shalt  }
0x51: {  	_ =	shalt  }
0x52: {  	_ =	shalt  }
0x53: {  	_ =	shalt  }
0x54: {  	_ =	shalt  }
0x55: {  	_ =	shalt  }
0x56: {  	_ =	shalt  }
0x57: {  	_ =	shalt  }
0x58: {  	_ =	shalt  }
0x59: {  	_ =	shalt  }
0x5a: {  	_ =	shalt  }
0x5b: {  	_ =	shalt  }
0x5c: {  	_ =	shalt  }
0x5d: {  	_ =	shalt  }
0x5e: {  	_ =	shalt  }
0x5f: {  	_ =	shalt  }
0x60: {  	_ =	shalt  }
0x61: {  	_ =	shalt  }
0x62: {  	_ =	shalt  }
0x63: {  	_ =	shalt  }
0x64: {  	_ =	shalt  }
0x65: {  	_ =	shalt  }
0x66: {  	_ =	shalt  }
0x67: {  	_ =	shalt  }
0x68: {  	_ =	shalt  }
0x69: {  	_ =	shalt  }
0x6a: {  	_ =	shalt  }
0x6b: {  	_ =	shalt  }
0x6c: {  	_ =	shalt  }
0x6d: {  	_ =	shalt  }
0x6e: {  	_ =	shalt  }
0x6f: {  	_ =	shalt  }
0x70: {  	_ =	shalt  }
0x71: {  	_ =	shalt  }
0x72: {  	_ =	shalt  }
0x73: {  	_ =	shalt  }
0x74: {  	_ =	shalt  }
0x75: {  	_ =	shalt  }
0x76: {  	_ =	shalt  }
0x77: {  	_ =	shalt  }
0x78: {  	_ =	shalt  }
0x79: {  	_ =	shalt  }
0x7a: {  	_ =	shalt  }
0x7b: {  	_ =	shalt  }
0x7c: {  	_ =	shalt  }
0x7d: {  	_ =	shalt  }
0x7e: {  	_ =	shalt  }
0x7f: {  	_ =	shalt  }
0x80: {  	_ =	shalt  }
0x81: {  	_ =	shalt  }
0x82: {  	_ =	shalt  }
0x83: {  	_ =	shalt  }
0x84: {  	_ =	shalt  }
0x85: {  	_ =	shalt  }
0x86: {  	_ =	shalt  }
0x87: {  	_ =	shalt  }
.Lfunc_end0:
.L_simem_size_0:
called_computation_lowered:
.L_overlay_start_0:
0x88: {  	s2 =	sld [smem:$0x3FD9]  }
0x89: {  	s3 =	sld [smem:$0x3FFE];
	_ =	sdelay $0x1  }
0x8a: {  	s1 =	srdreg.scid  }
0x8b: {  	s0 =	sand.u32 $0x1, s1  }
0x8c: {  	s14 =	sshll.u32 s0, $0xA;
	s2 =	sadd.s32 s3, s2  }
0x8d: {  	s2 =	sadd.s32 s2, s14  }
0x8e: {  	[smem:$0x3FC6] =	sst s2  }
0x8f: {  	_ = 	snop  }
0x90: {  	s2 =	sld [smem:$0x3FD0];
	_ =	sdelay $0x2  }
0x91: {  	s15 =	simm.s32 $0xA;
	s4 =	simm.s32 $0x10  }
0x92: {  	[smem:s4], [sflag:s15] =	dma.local [hbm:s2], $0x1  }
0x93: {  	_ =	swait.eq [sflag:s15], $0x1  }
0x94: {  	s16 =	sld [smem:$0x10];
	[sflag:s15] =	ssyncset.done $0x0  }
0x95: {  	s17 =	sld [smem:$0x11];
	[sflag:s15] =	ssyncadd.s32 $0xFFFFFFFF  }
0x96: {  	s18 =	sld [smem:$0x12];
	(tm) =	ssettm $0x1  }
0x97: {  	s5 =	sld [smem:$0x3FFB];
	_ =	sdelay $0x3  }
0x98: {  	_ =	strace s5  }
0x99: {  	s5 =	sld [smem:$0x3FFC];
	_ =	sdelay $0x3  }
0x9a: {  	_ =	strace s5  }
0x9b: {  	s5 =	sld [smem:$0x3FFD];
	_ =	sdelay $0x3  }
0x9c: {  	_ =	strace s5  }
0x9d: {  	_ =	strace $0x8FFFFFFF  }
0x9e: {  	s19 =	sld [smem:$0x3FDB];
	_ =	sdelay $0x1  }
0x9f: {  	s6 =	simm.s32 $_scs_section_size  }
0xa0: {  	s7 =	simm.s32 $_size__tile_overlayer_lowered;
	s8 =	simm.s32 $_tile_overlayer_lowered  }
0xa1: {  	s22 =	simm.s32 $0x1BFF;
	s21 =	sshll.u32 s8, $0x1;
	s5 =	sadd.s32 s6, s19  }
0xa2: {  	s9 =	simm.s32 $0x0;
	s20 =	sshll.u32 s7, $0x1;
	s7 =	sadd.s32 s21, s5  }
0xa3: {  	[timem:s9], [sflag:s22] =	dma.local [hbm:s7], s20  }
0xa4: {  	_ =	swait.ge [sflag:s22], s20  }
0xa5: {  	s6 =	ssub.s32 $0x0, s20;
	[sflag:s22] =	ssyncset.done $0x0  }
0xa6: {  	[sflag:s22] =	ssyncadd.s32 s6;
	_ =	sdelay $0x1  }
0xa7: {  	s23 =	simm.s32 $0x1B8B  }
0xa8: {  	_ =	swait.ge [sflag:s23], $0x1  }
0xa9: {  	[sflag:s23] =	ssyncset.done $0x0  }
0xaa: {  	s25 =	simm.s32 $0x1B8E;
	s24 =	sld [smem:$0x3FFE];
	[sflag:s23] =	ssyncadd.s32 $0xFFFFFFFF  }
0xab: {  	s26 =	simm.s32 $execute0_lowered;
	[smem:$0x3FD2] =	sst s25  }
0xac: {  	s7 =	sshll.u32 s26, $0x1;
	_ =	strace $0x80000046;
	[dreg:$0x1] =	wrdreg $0xFFFFFFFF  }
0xad: {  	s28 =	simm.s32 $_size_execute0_lowered;
	s5 =	sadd.s32 s5, s7;
	[dreg:$0x0] =	wrdreg $0x0  }
0xae: {  	s7 =	sshll.u32 s28, $0x1;
	[dreg:$0x2] =	wrdreg s5  }
0xaf: {  	[dreg:$0x3] =	wrdreg s7  }
0xb0: {  	[dreg:$0x4] =	wrdreg $0xC0  }
0xb1: {  	_ =	task [dreg:s9], $0x5FFFF  }
0xb2: {  	[dreg:$0x1] =	wrdreg $0xFFFFFFFF  }
0xb3: {  	[dreg:$0x0] =	wrdreg $0x60  }
0xb4: {  	[dreg:$0x2] =	wrdreg s24  }
0xb5: {  	[dreg:$0x3] =	wrdreg s16  }
0xb6: {  	[dreg:$0x4] =	wrdreg s17  }
0xb7: {  	[dreg:$0x5] =	wrdreg s18  }
0xb8: {  	[dreg:$0x6] =	wrdreg $0x9  }
0xb9: {  	_ =	task.clear_ibuf [dreg:s9], $0x7FFFF;
	_ =	strace $0x90000046  }
0xba: {  	s29 =	simm.s32 $0x9;
	_ =	strace $0x80000048  }
0xbb: {  	_ =	swait.ge [sflag:s29], $0x1  }
0xbc: {  	[sflag:s29] =	ssyncadd.s32 $0xFFFFFFFF  }
0xbd: {  	_ =	strace $0x90000048  }
0xbe: {  	_ =	sfence  }
0xbf: {  	s30 =	sld [smem:$0x0];
	_ =	sdelay $0x2  }
0xc0: {  	s31 =	sshll.u32 s1, $0xD;
	s1 =	sshrl.u32 s1, $0x2  }
0xc1: {  	s3 =	sand.u32 $0x4000, s31;
	s1 =	sadd.s32 s1, s30  }
0xc2: {  	s0 =	sor.u32 s3, s0;
	s1 =	sshll.u32 s1, $0x11  }
0xc3: {  	s0 =	sor.u32 s1, s0  }
0xc4: {  	s0 =	sadd.s32 $0x8F2B, s0  }
0xc5: {  	[sflag:s0] =	ssyncadd.remote.s32 $0x1  }
0xc6: {  	_ =	sfence.sel $0xFFFF  }
0xc7: {  	[dreg:$0x0] =	wrdreg $0xFFFFFFFF;
	(pc) =	sbr.abs _section_cstart, $3  }
0xc8: {  	[dreg:$0x1] =	wrdreg $0xFFFFFFFF  }
0xc9: {  	_ =	task.clear_ibuf [dreg:s9], $0x2FFFF;
	_ =	strace $0x9FFFFFFF  }
0xca: {  	(tm) =	ssettm $0x7FFFFFFF  }
0xcb: {  	_ =	shalt  }
tec
execute0_lowered:
.L_overlay_start_1:
0x0: {  	(tag) =	ssettag $0x1  }
0x1: {  	s0 =	rddreg [dreg:$0x0]  }
0x2: {  	s1 =	rddreg [dreg:$0x3]  }
0x3: {  	s2 =	srdreg.scid;
	s4 =	simm.s32 $0x0;
	s3 =	stileid.u32  }
0x4: {  	s16 =	simm.s32 $0x3180;
	s18 =	simm.s32 $0x4180;
	s19 =	simm.s32 $0x5180  }
0x5: {  	s2 =	sand.u32 $0x1, s2;
	[smem:$0x7FF] =	sst s4;
	s3 =	sshll.u32 s3, $0x8  }
0x6: {  	s6 =	sadd.s32 $0x1400, s0;
	s7 =	sadd.s32 $0x1200, s0;
	s5 =	sshll.u32 s2, $0x7  }
0x7: {  	_ =	strace $0x80000047;
	s2 =	ssub.s32 $0x2, s2;
	s5 =	sor.u32 s5, s3  }
0x8: {  	[dreg:$0x6] =	wrdreg s7;
	s23 =	sshrl.u32 s2, $0x1;
	s24 =	sshll.u32 s5, $0x9  }
0x9: {  	s3 =	sshll.u32 s5, $0x4;
	[dreg:$0x5] =	wrdreg s5;
	s26 =	sadd.s32 s6, s24  }
0xa: {  	s2 =	ssub.s32 s2, s23;
	s1 =	sadd.s32 s1, s3;
	[dreg:$0x8] =	wrdreg s26  }
0xb: {  	s0 =	sadd.s32 s3, s0;
	s31 =	smax.u32 s2, $0x1;
	[dreg:$0xb] =	wrdreg s1  }
0xc: {  	s22 =	simm.s32 $0x1;
	s25 =	sadd.s32 $0x201400, s0;
	[dreg:$0xe] =	wrdreg s31  }
.Ltmp0:
0xd: {  	s28 =	sadd.s32 $0x211400, s0;
	[dreg:$0x7] =	wrdreg s25;
	(pc) =	sbr.rel .LBB2_1-.Ltmp0, $4  }
0xe: {  	s23 =	simm.s32 $0x1080;
	s29 =	sadd.s32 $0x221400, s0;
	[dreg:$0x9] =	wrdreg s28  }
0xf: {  	v0 =	vlaneseq.u32;
	s24 =	simm.s32 $0x2100;
	s30 =	sadd.s32 $0x231400, s0;
	[dreg:$0xa] =	wrdreg s29  }
0x10: {  	v1 =	vimm.f32 $+Inf;
	v2 =	vimm.s32 $0x0;
	v6 =	vimm.s32 $0xFFFFFFFF;
	s2 =	simm.s32 $0x0;
	s0 =	sadd.s32 $0x241400, s0;
	[dreg:$0xc] =	wrdreg s30  }
0x11: {  	v3 =	vor.u32 $0x1000, v0;
	v4 =	vor.u32 $0x10, v0;
	v5 =	vor.u32 $0x1010, v0;
	s1 =	simm.s32 $0x3;
	[dreg:$0xd] =	wrdreg s0;
	s25 =	simm.s32 $0x6180  }
.LBB2_61:
0x12: {  	_ =	swait.ge [sflag:s22], $0x1000  }
0x13: {  	[sflag:s22] =	ssyncset.done $0x0  }
0x14: {  	s1 =	simm.s32 $0x3;
	s0 =	rddreg [dreg:$0xb];
	[sflag:s22] =	ssyncadd.s32 $0xFFFFF000  }
0x15: {  	[hbm4b:s0+s4] =	stream.linear.scatter [tilespmem:s25], [sflag:$0x3], $0x4000, $0x38;
	[tilespmem:$0x1E180] =	vst v63  }
0x16: {  	_ =	swait.ge [sflag:s1], $0x4000  }
0x17: {  	[sflag:s1] =	ssyncset.done $0x0  }
0x18: {  	s2 =	simm.s32 $0xA180;
	s13 =	rddreg [dreg:$0x7];
	[sflag:s1] =	ssyncadd.s32 $0xFFFFC000  }
0x19: {  	[hbm4b:s13+s4] =	stream.linear.scatter [tilespmem:s2], [sflag:$0x3], $0x4000, $0x38;
	[tilespmem:$0x1E180] =	vst v63  }
0x1a: {  	_ =	swait.ge [sflag:s1], $0x4000  }
0x1b: {  	[sflag:s1] =	ssyncset.done $0x0  }
0x1c: {  	s15 =	simm.s32 $0xE180;
	s14 =	rddreg [dreg:$0x9];
	[sflag:s1] =	ssyncadd.s32 $0xFFFFC000  }
0x1d: {  	[hbm4b:s14+s4] =	stream.linear.scatter [tilespmem:s15], [sflag:$0x3], $0x4000, $0x38;
	[tilespmem:$0x1E180] =	vst v63  }
0x1e: {  	_ =	swait.ge [sflag:s1], $0x4000  }
0x1f: {  	[sflag:s1] =	ssyncset.done $0x0  }
0x20: {  	s20 =	simm.s32 $0x12180;
	s17 =	rddreg [dreg:$0xa];
	[sflag:s1] =	ssyncadd.s32 $0xFFFFC000  }
0x21: {  	[hbm4b:s17+s4] =	stream.linear.scatter [tilespmem:s20], [sflag:$0x3], $0x4000, $0x38;
	[tilespmem:$0x1E180] =	vst v63  }
0x22: {  	_ =	swait.ge [sflag:s1], $0x4000  }
0x23: {  	[sflag:s1] =	ssyncset.done $0x0  }
0x24: {  	s26 =	simm.s32 $0x16180;
	s21 =	rddreg [dreg:$0xc];
	[sflag:s1] =	ssyncadd.s32 $0xFFFFC000  }
0x25: {  	[hbm4b:s21+s4] =	stream.linear.scatter [tilespmem:s26], [sflag:$0x3], $0x4000, $0x38;
	[tilespmem:$0x1E180] =	vst v63  }
0x26: {  	_ =	swait.ge [sflag:s1], $0x4000  }
0x27: {  	[sflag:s1] =	ssyncset.done $0x0  }
0x28: {  	s29 =	simm.s32 $0x1A180;
	s28 =	rddreg [dreg:$0xd];
	[sflag:s1] =	ssyncadd.s32 $0xFFFFC000  }
0x29: {  	[hbm4b:s28+s4] =	stream.linear.scatter [tilespmem:s29], [sflag:$0x3], $0x4000, $0x38;
	[tilespmem:$0x1E180] =	vst v63  }
0x2a: {  	_ =	swait.ge [sflag:s1], $0x4000  }
0x2b: {  	s30 =	rddreg [dreg:$0xf]  }
0x2c: {  	s31 =	rddreg [dreg:$0xe];
	s2 =	sadd.s32 $0x1, s30  }
0x2d: {  	p0 =	sne.s32 s2, s31  }
.Ltmp1:
0x2e: {  	_ = 	snop;
	(pc) =	sbr.rel @!p0 .LBB2_62-.Ltmp1, $3  }
0x2f: {  	_ =	sdelay $0x1  }
0x30: {  	[sflag:s1] =	ssyncset.done $0x0  }
0x31: {  	[sflag:s1] =	ssyncadd.s32 $0xFFFFC000  }
.LBB2_1:
0x32: {  	[dreg:$0xf] =	wrdreg s2  }
0x33: {  	s0 =	rddreg [dreg:$0x6]  }
0x34: {  	[tilespmem:s16], [sflag:$0x3] =	stream.linear.gather [hbm4b:s0+s4], $0x1000, $0x38;
	[tilespmem:$0x1E180] =	vst v63  }
0x35: {  	_ =	swait.ge [sflag:s1], $0x1000  }
0x36: {  	[sflag:s1] =	ssyncset.done $0x0  }
0x37: {  	[sflag:s1] =	ssyncadd.s32 $0xFFFFF000  }
0x38: {  	s26 =	rddreg [dreg:$0x1]  }
0x39: {  	[tilespmem:s18], [sflag:$0x3] =	stream.linear.gather [hbm4b:s26+s4], $0x1000, $0x38;
	[tilespmem:$0x1E180] =	vst v63  }
0x3a: {  	_ =	swait.ge [sflag:s1], $0x1000  }
0x3b: {  	[sflag:s1] =	ssyncset.done $0x0  }
0x3c: {  	[sflag:s1] =	ssyncadd.s32 $0xFFFFF000  }
0x3d: {  	s28 =	rddreg [dreg:$0x2]  }
0x3e: {  	[tilespmem:s19], [sflag:$0x3] =	stream.linear.gather [hbm4b:s28+s4], $0x1000, $0x38;
	[tilespmem:$0x1E180] =	vst v63  }
0x3f: {  	_ =	swait.ge [sflag:s1], $0x1000  }
0x40: {  	[sflag:s1] =	ssyncset.done $0x0  }
0x41: {  	[sflag:s1] =	ssyncadd.s32 $0xFFFFF000  }
.Ltmp2:
0x42: {  	[tilespmem:$0x1000] =	vst v1;
	(pc) =	sbr.rel .LBB2_2-.Ltmp2, $4  }
0x43: {  	[tilespmem:$0x1010] =	vst v1  }
0x44: {  	s30 =	simm.s32 $0x80;
	[tilespmem:$0x2080] =	vst v1  }
0x45: {  	s31 =	simm.s32 $0x400;
	s29 =	rddreg [dreg:$0x8];
	s1 =	simm.s32 $0x0;
	[tilespmem:$0x2090] =	vst v1  }
0x46: {  	[tilespmem:s4], [sflag:$0x1] =	stream.strided.gather [hbm4b:s29+s30], $0x1000, s31, s30, $0x38;
	[tilespmem:$0x1E180] =	vst v63  }
.LBB2_37:
0x47: {  	_ =	sdelay $0x3  }
0x48: {  	[tilespmem:v13+s25+$0x0] =	vst.idx.msk $0x1, v12  }
.LBB2_60:
0x49: {  	v7 =	vld [tilespmem:s28+$0x6180];
	_ =	sdelay $0x3  }
0x4a: {  	v8 =	vmov s2  }
0x4b: {  	vm0 =	vgt.s32 v7, $0x0  }
0x4c: {  	v9 =	vnsel vm0, $0x0, v7;
	_ =	sdelay $0x2  }
0x4d: {  	v10 =	vld.idx.msk [tilespmem:v8+s16+$0x0], $0xffff  }
0x4e: {  	v11 =	vld.idx.msk [tilespmem:v8+s18+$0x0], $0xffff  }
0x4f: {  	v12 =	vld.idx.msk [tilespmem:v9+s16+$0x0], $0xffff  }
0x50: {  	v13 =	vld.idx.msk [tilespmem:v9+s18+$0x0], $0xffff  }
0x51: {  	v14 =	vld.idx.msk [tilespmem:v8+s19+$0x0], $0xffff  }
0x52: {  	v9 =	vld.idx.msk [tilespmem:v9+s19+$0x0], $0xffff;
	_ =	sdelay $0x2  }
0x53: {  	v12 =	vsub.f32 v12, v10;
	v13 =	vsub.f32 v13, v11  }
0x54: {  	vm11 =	vgt.s32 v7, $0xFFFFFFFF  }
0x55: {  	v9 =	vsub.f32 v9, v14;
	v7 =	vnsel vm11, $0x0, v12;
	v49 =	vnsel vm11, $0x0, v13  }
0x56: {  	v50 =	vmul.f32 v7, v7;
	v15 =	vmul.f32 v49, v49  }
0x57: {  	v9 =	vnsel vm11, $0x0, v9  }
0x58: {  	v51 =	vmul.f32 v9, v9;
	v13 =	vadd.f32 v15, v50  }
0x59: {  	[tilespmem:s28+$0xE180] =	vst v7  }
0x5a: {  	[tilespmem:s28+$0x12180] =	vst v49;
	v7 =	vadd.f32 v51, v13  }
0x5b: {  	[tilespmem:s28+$0x16180] =	vst v9  }
0x5c: {  	[tilespmem:s28+$0x1A180] =	vst v7;
	v7 =	vnsel vm11, $0xFFFFFFFF, v8  }
0x5d: {  	s0 =	sor.u32 $0x10, s28;
	[tilespmem:s28+$0xA180] =	vst v7  }
0x5e: {  	v7 =	vld [tilespmem:s0+$0x6180];
	_ =	sdelay $0x4  }
0x5f: {  	vm12 =	vgt.s32 v7, $0x0  }
0x60: {  	v52 =	vnsel vm12, $0x0, v7;
	_ =	sdelay $0x4  }
0x61: {  	v12 =	vld.idx.msk [tilespmem:v52+s16+$0x0], $0xffff  }
0x62: {  	v53 =	vld.idx.msk [tilespmem:v52+s18+$0x0], $0xffff;
	_ =	sdelay $0x1  }
0x63: {  	v9 =	vld.idx.msk [tilespmem:v52+s19+$0x0], $0xffff;
	_ =	sdelay $0x2  }
0x64: {  	v12 =	vsub.f32 v12, v10;
	v13 =	vsub.f32 v53, v11  }
0x65: {  	vm13 =	vgt.s32 v7, $0xFFFFFFFF  }
0x66: {  	v9 =	vsub.f32 v9, v14;
	v7 =	vnsel vm13, $0x0, v12;
	v54 =	vnsel vm13, $0x0, v13  }
0x67: {  	v55 =	vmul.f32 v7, v7;
	v56 =	vmul.f32 v54, v54  }
0x68: {  	v9 =	vnsel vm13, $0x0, v9  }
0x69: {  	v57 =	vmul.f32 v9, v9;
	v13 =	vadd.f32 v56, v55  }
0x6a: {  	[tilespmem:s0+$0xE180] =	vst v7  }
0x6b: {  	[tilespmem:s0+$0x12180] =	vst v54;
	v7 =	vadd.f32 v57, v13  }
0x6c: {  	[tilespmem:s0+$0x16180] =	vst v9  }
0x6d: {  	[tilespmem:s0+$0x1A180] =	vst v7;
	v7 =	vnsel vm13, $0xFFFFFFFF, v8  }
0x6e: {  	s31 =	sor.u32 $0x20, s28;
	[tilespmem:s0+$0xA180] =	vst v7  }
0x6f: {  	v7 =	vld [tilespmem:s31+$0x6180];
	_ =	sdelay $0x4  }
0x70: {  	vm14 =	vgt.s32 v7, $0x0  }
0x71: {  	v58 =	vnsel vm14, $0x0, v7;
	_ =	sdelay $0x4  }
0x72: {  	v12 =	vld.idx.msk [tilespmem:v58+s16+$0x0], $0xffff  }
0x73: {  	v59 =	vld.idx.msk [tilespmem:v58+s18+$0x0], $0xffff;
	_ =	sdelay $0x1  }
0x74: {  	v9 =	vld.idx.msk [tilespmem:v58+s19+$0x0], $0xffff;
	_ =	sdelay $0x2  }
0x75: {  	v10 =	vsub.f32 v12, v10;
	v11 =	vsub.f32 v59, v11  }
0x76: {  	vm15 =	vgt.s32 v7, $0xFFFFFFFF  }
0x77: {  	v9 =	vsub.f32 v9, v14;
	v7 =	vnsel vm15, $0x0, v10;
	v60 =	vnsel vm15, $0x0, v11  }
0x78: {  	v61 =	vmul.f32 v7, v7;
	v62 =	vmul.f32 v60, v60  }
0x79: {  	s1 =	sadd.s32 $0x1, s1;
	v9 =	vnsel vm15, $0x0, v9  }
0x7a: {  	p0 =	sne.s32 s1, $0x40;
	v63 =	vmul.f32 v9, v9;
	v11 =	vadd.f32 v62, v61  }
.Ltmp3:
0x7b: {  	[tilespmem:s31+$0xE180] =	vst v7;
	(pc) =	sbr.rel @!p0 .LBB2_61-.Ltmp3, $4  }
0x7c: {  	[tilespmem:s31+$0x12180] =	vst v60;
	v7 =	vadd.f32 v63, v11  }
0x7d: {  	[tilespmem:s31+$0x16180] =	vst v9  }
0x7e: {  	[tilespmem:s31+$0x1A180] =	vst v7;
	v7 =	vnsel vm15, $0xFFFFFFFF, v8  }
0x7f: {  	[tilespmem:s31+$0xA180] =	vst v7  }
.LBB2_2:
0x80: {  	s28 =	sshll.u32 s1, $0x1;
	s0 =	rddreg [dreg:$0x5]  }
0x81: {  	_ =	swait.ge [sflag:s22], $0x1000;
	s29 =	sor.u32 s0, s28  }
0x82: {  	s3 =	simm.s32 $0x80;
	s2 =	sor.u32 $0x1, s29;
	s0 =	sshll.u32 s29, $0x9  }
0x83: {  	s5 =	simm.s32 $0x400;
	s0 =	sand.u32 $0x1FF000, s0;
	s7 =	sshll.u32 s2, $0x4  }
0x84: {  	[sflag:s22] =	ssyncset.done $0x0;
	s7 =	sand.u32 $0x70, s7;
	s0 =	sadd.s32 s6, s0  }
0x85: {  	s10 =	simm.s32 $0x40;
	[sflag:s22] =	ssyncadd.s32 $0xFFFFF000;
	s0 =	sadd.s32 s7, s0  }
0x86: {  	[tilespmem:s23], [sflag:$0x2] =	stream.strided.gather [hbm4b:s0+s3], $0x1000, s5, s3, $0x38;
	[tilespmem:$0x1E180] =	vst v63  }
0x87: {  	v7 =	vld [tilespmem:s10+$0xFFFFFFC0]  }
0x88: {  	v8 =	vld [tilespmem:s10+$0xFFFFFFD0]  }
0x89: {  	v9 =	vld [tilespmem:s10+$0xFFFFFFE0]  }
0x8a: {  	v10 =	vld [tilespmem:s10+$0xFFFFFFF0]  }
0x8b: {  	v11 =	vld [tilespmem:s10+$0x0]  }
0x8c: {  	vm2 =	vle.f32 v7, $2.500000000e+01;
	v7 =	vld [tilespmem:s10+$0x10]  }
0x8d: {  	vm0 =	vle.f32 v8, $2.500000000e+01;
	v8 =	vld [tilespmem:s10+$0x20]  }
0x8e: {  	v12 =	vsel vm2, $0x1, v2  }
0x8f: {  	vm3 =	vle.f32 v9, $2.500000000e+01;
	v13 =	vsel vm0, $0x1, v2;
	(xrf0) =	vadd.scan.msk.s32 $0xffff, v12  }
0x90: {  	vm4 =	vle.f32 v10, $2.500000000e+01;
	v9 =	vsel vm3, $0x1, v2;
	(xrf0) =	vadd.scan.msk.s32 $0xffff, v13  }
0x91: {  	vm1 =	vle.f32 v11, $2.500000000e+01;
	v10 =	vsel vm4, $0x1, v2;
	(xrf0) =	vadd.scan.msk.s32 $0xffff, v9  }
0x92: {  	v9 =	vsel vm1, $0x1, v2;
	vm6 =	vle.f32 v7, $2.500000000e+01;
	(xrf0) =	vadd.scan.msk.s32 $0xffff, v10;
	vm7 =	vle.f32 v8, $2.500000000e+01;
	v8 =	vld [tilespmem:s10+$0x30]  }
0x93: {  	v7 =	vsel vm6, $0x1, v2;
	(xrf0) =	vadd.scan.msk.s32 $0xffff, v9  }
0x94: {  	v9 =	vsel vm7, $0x1, v2;
	(xrf0) =	vadd.scan.msk.s32 $0xffff, v7  }
0x95: {  	v11, _, _ =	vpop (xrf0);
	(xrf0) =	vadd.scan.msk.s32 $0xffff, v9  }
0x96: {  	(v2sf) =	vpush v11, $0xF;
	v7, _, _ =	vpop (xrf0)  }
0x97: {  	(v2sf) =	vpush v7, $0xF;
	v13, _, _ =	vpop (xrf0);
	vm8 =	vle.f32 v8, $2.500000000e+01  }
0x98: {  	(v2sf) =	vpush v13, $0xF;
	v15, _, _ =	vpop (xrf0);
	v9 =	vsel vm8, $0x1, v2  }
0x99: {  	(v2sf) =	vpush v15, $0xF;
	v8, _, _ =	vpop (xrf0)  }
0x9a: {  	(v2sf) =	vpush v8, $0xF;
	v10, _, _ =	vpop (xrf0)  }
0x9b: {  	s8 =	simm.s32 $0xC0;
	(xrf0) =	vadd.scan.msk.s32 $0xffff, v9;
	(v2sf) =	vpush v10, $0xF;
	v9, _, _ =	vpop (xrf0)  }
0x9c: {  	v14 =	vld [tilespmem:s8+$0xFFFFFFC0];
	(v2sf) =	vpush v9, $0xF  }
0x9d: {  	v17 =	vld [tilespmem:s8+$0xFFFFFFE0]  }
0x9e: {  	s11 =	simm.s32 $0x0  }
0x9f: {  	v16 =	vld [tilespmem:s8+$0xFFFFFFD0];
	v12 =	vmov s11  }
0xa0: {  	v19 =	vld [tilespmem:s8+$0x0];
	v12 =	vadd.s32 $0xFFFFFFFF, v12  }
0xa1: {  	s12 =	simm.s32 $0x0;
	vm9 =	vle.f32 v14, $2.500000000e+01;
	v14 =	vld [tilespmem:s8+$0x10];
	v12 =	vbroadcast v12, $0x0  }
0xa2: {  	v26 =	vor.u32 s12, v0;
	vm10 =	vle.f32 v17, $2.500000000e+01;
	v17 =	vld [tilespmem:s8+$0x30];
	vm15 =	vmmov vm2  }
0xa3: {  	vm5 =	vmmov vm3;
	vm4 =	vmmov vm4;
	v25 =	vadd.s32 v11, v12;
	v11 =	vld [tilespmem:s8+$0xFFFFFFF0];
	v18, _, _ =	vpop (xrf0)  }
0xa4: {  	vm3 =	vmmov vm0;
	v20 =	vsel vm9, $0x1, v2;
	(v2sf) =	vpush v18, $0xF  }
0xa5: {  	vm2 =	vmmov vm6;
	vm6 =	vmmov vm8;
	vm8 =	vle.f32 v16, $2.500000000e+01;
	v16 =	vld [tilespmem:s8+$0x20];
	s9 =	spop (v2sf)  }
0xa6: {  	v23 =	vsel vm10, $0x1, v2;
	vm1 =	vmmov vm1;
	vm12 =	vle.f32 v14, $2.500000000e+01;
	s13 =	sadd.s32 $0x0, s9;
	s14 =	spop (v2sf)  }
0xa7: {  	vm14 =	vle.f32 v17, $2.500000000e+01;
	vm0 =	vmmov vm7;
	v22 =	vsel vm8, $0x1, v2;
	(xrf0) =	vadd.scan.msk.s32 $0xffff, v20;
	s0 =	sadd.s32 s13, s14;
	s15 =	spop (v2sf)  }
0xa8: {  	vm7 =	vle.f32 v19, $2.500000000e+01;
	vm11 =	vle.f32 v11, $2.500000000e+01;
	(xrf0) =	vadd.scan.msk.s32 $0xffff, v22;
	v20 =	vmov s0;
	s0 =	sadd.s32 s0, s15;
	s17 =	spop (v2sf)  }
0xa9: {  	s7 =	simm.s32 $0x70;
	v14 =	vsel vm12, $0x1, v2;
	v22 =	vsel vm11, $0x1, v2;
	(xrf0) =	vadd.scan.msk.s32 $0xffff, v23;
	v11 =	vmov s0;
	s0 =	sadd.s32 s0, s17;
	s20 =	spop (v2sf)  }
0xaa: {  	v19 =	vsel vm7, $0x1, v2;
	v12 =	vor.u32 s7, v0;
	vm13 =	vle.f32 v16, $2.500000000e+01;
	(xrf0) =	vadd.scan.msk.s32 $0xffff, v22;
	s9 =	sadd.s32 s0, s20;
	s10 =	spop (v2sf)  }
0xab: {  	v16 =	vsel vm13, $0x1, v2;
	(xrf0) =	vadd.scan.msk.s32 $0xffff, v19;
	v11 =	vadd.s32 $0xFFFFFFFF, v11;
	v23 =	vmov s9;
	s9 =	sadd.s32 s9, s10;
	s21 =	spop (v2sf)  }
0xac: {  	v22 =	vsel vm14, $0x1, v2;
	(xrf0) =	vadd.scan.msk.s32 $0xffff, v14;
	v11 =	vbroadcast v11, $0x0;
	v19 =	vmov s9;
	s14 =	sadd.s32 s9, s21  }
0xad: {  	v14, _, _ =	vpop (xrf0);
	(xrf0) =	vadd.scan.msk.s32 $0xffff, v16;
	v21 =	vmov s13;
	v20 =	vadd.s32 $0xFFFFFFFF, v20;
	v17 =	vmov s14  }
0xae: {  	v16, _, _ =	vpop (xrf0);
	(xrf0) =	vadd.scan.msk.s32 $0xffff, v22;
	(v2sf) =	vpush v14, $0xF;
	v20 =	vbroadcast v20, $0x0;
	v17 =	vadd.s32 $0xFFFFFFFF, v17  }
0xaf: {  	(v2sf) =	vpush v16, $0xF;
	v24 =	vadd.s32 $0xFFFFFFFF, v19;
	v22 =	vbroadcast v17, $0x0;
	v19, _, _ =	vpop (xrf0)  }
0xb0: {  	v27 =	vadd.s32 $0xFFFFFFFF, v21;
	v17 =	vadd.s32 v15, v11;
	(v2sf) =	vpush v19, $0xF;
	v11, _, _ =	vpop (xrf0)  }
0xb1: {  	v27 =	vbroadcast v27, $0x0;
	v22 =	vadd.s32 v18, v22;
	(v2sf) =	vpush v11, $0xF;
	v18, _, _ =	vpop (xrf0)  }
0xb2: {  	s31 =	simm.s32 $0x60;
	s30 =	simm.s32 $0x40;
	s12 =	simm.s32 $0x20;
	v28 =	vadd.s32 $0xFFFFFFFF, v23;
	v15 =	vmov s0;
	(v2sf) =	vpush v18, $0xF;
	v21, _, _ =	vpop (xrf0)  }
0xb3: {  	s11 =	simm.s32 $0x30;
	s13 =	simm.s32 $0x8;
	v23 =	vadd.s32 v13, v20;
	v15 =	vadd.s32 $0xFFFFFFFF, v15;
	s26 =	spop (v2sf);
	(v2sf) =	vpush v21, $0xF;
	v20, _, _ =	vpop (xrf0)  }
0xb4: {  	[tilespmem:v25+s24+$0x0] =	vst.idx.msk vm15, v26;
	s10 =	simm.s32 $0x10;
	s9 =	simm.s32 $0x50;
	v26 =	vbroadcast v28, $0x0;
	s0 =	sadd.s32 s14, s26;
	v25 =	vbroadcast v15, $0x0;
	(v2sf) =	vpush v20, $0xF;
	v13, _, _ =	vpop (xrf0)  }
.LBB2_3:
0xb5: {  	s13 =	sadd.s32 $0x8, s13;
	(v2sf) =	vpush v13, $0xF;
	v27 =	vadd.s32 v7, v27;
	v24 =	vbroadcast v24, $0x0;
	s7 =	sadd.s32 $0x80, s7;
	v7 =	vmovc v16;
	v15 =	vmovc v19  }
0xb6: {  	v16 =	vmov s0;
	p0 =	slt.u32 s13, $0xF8;
	s14 =	sadd.s32 $0xFFFFFFB0, s7;
	s15 =	sadd.s32 $0xFFFFFFC0, s7;
	v19 =	vadd.s32 v8, v25;
	v25 =	vadd.s32 v10, v26;
	v8 =	vmovc v18;
	v10 =	vmovc v21  }
0xb7: {  	v16 =	vadd.s32 $0xFFFFFFFF, v16;
	s3 =	sadd.s32 $0xFFFFFFA0, s7;
	s17 =	sadd.s32 $0xFFFFFFE0, s7;
	s5 =	sadd.s32 $0xFFFFFFF0, s7;
	v18 =	vor.u32 s12, v0;
	v21 =	vadd.s32 v9, v24;
	[tilespmem:v22+s24+$0x0] =	vst.idx.msk vm6, v12;
	v9 =	vmovc v20  }
0xb8: {  	s8 =	sadd.s32 $0x80, s8;
	vm15 =	vmmov vm9;
	s20 =	sadd.s32 $0xFFFFFFD0, s7;
	v12 =	vbroadcast v16, $0x0;
	v16 =	vor.u32 s11, v0;
	s12 =	smov.u32 s14;
	[tilespmem:v23+s24+$0x0] =	vst.idx.msk vm5, v18  }
0xb9: {  	v20 =	vor.u32 s10, v0;
	s11 =	smov.u32 s15;
	s10 =	smov.u32 s3;
	vm5 =	vmmov vm10;
	v18 =	vld [tilespmem:s8+$0xFFFFFFC0];
	[tilespmem:v17+s24+$0x0] =	vst.idx.msk vm4, v16;
	vm4 =	vmmov vm11  }
0xba: {  	v14 =	vadd.s32 v14, v12;
	v12 =	vor.u32 s9, v0;
	s9 =	smov.u32 s17;
	v16 =	vld [tilespmem:s8+$0xFFFFFFD0];
	[tilespmem:v27+s24+$0x0] =	vst.idx.msk vm3, v20;
	vm3 =	vmmov vm8  }
0xbb: {  	vm6 =	vmmov vm14;
	v17 =	vld [tilespmem:s8+$0xFFFFFFE0];
	[tilespmem:v25+s24+$0x0] =	vst.idx.msk vm2, v12;
	v12 =	vor.u32 s31, v0;
	vm2 =	vmmov vm12;
	s31 =	smov.u32 s5  }
0xbc: {  	v22 =	vor.u32 s30, v0;
	s30 =	smov.u32 s20;
	v20 =	vld [tilespmem:s8+$0xFFFFFFF0];
	[tilespmem:v21+s24+$0x0] =	vst.idx.msk vm0, v12;
	vm0 =	vmmov vm13  }
0xbd: {  	s3 =	sadd.s32 $0xFFFFFF90, s7;
	v21 =	vld [tilespmem:s8+$0x0];
	s5 =	spop (v2sf);
	[tilespmem:v19+s24+$0x0] =	vst.idx.msk vm1, v22;
	vm1 =	vmmov vm7  }
0xbe: {  	v12 =	vor.u32 s7, v0;
	v19 =	vor.u32 s3, v0;
	vm9 =	vle.f32 v18, $2.500000000e+01;
	v18 =	vld [tilespmem:s8+$0x10];
	s0 =	sadd.s32 s0, s5;
	s3 =	spop (v2sf)  }
0xbf: {  	v22 =	vsel vm9, $0x1, v2;
	vm8 =	vle.f32 v16, $2.500000000e+01;
	v16 =	vld [tilespmem:s8+$0x20];
	[tilespmem:v14+s24+$0x0] =	vst.idx.msk vm15, v19;
	v23 =	vmov s0;
	s0 =	sadd.s32 s0, s3;
	s3 =	spop (v2sf)  }
0xc0: {  	v14 =	vsel vm8, $0x1, v2;
	vm10 =	vle.f32 v17, $2.500000000e+01;
	v17 =	vld [tilespmem:s8+$0x30];
	(xrf0) =	vadd.scan.msk.s32 $0xffff, v22;
	v22 =	vmov s0;
	s0 =	sadd.s32 s0, s3;
	s3 =	spop (v2sf)  }
0xc1: {  	v19 =	vsel vm10, $0x1, v2;
	vm11 =	vle.f32 v20, $2.500000000e+01;
	(xrf0) =	vadd.scan.msk.s32 $0xffff, v14;
	v14 =	vmov s0;
	s3 =	sadd.s32 s0, s3;
	s0 =	spop (v2sf)  }
0xc2: {  	v20 =	vsel vm11, $0x1, v2;
	vm7 =	vle.f32 v21, $2.500000000e+01;
	(xrf0) =	vadd.scan.msk.s32 $0xffff, v19;
	v19 =	vadd.s32 $0xFFFFFFFF, v14;
	s0 =	sadd.s32 s3, s0;
	s5 =	spop (v2sf)  }
0xc3: {  	v14 =	vsel vm7, $0x1, v2;
	vm12 =	vle.f32 v18, $2.500000000e+01;
	(xrf0) =	vadd.scan.msk.s32 $0xffff, v20;
	v20 =	vmov s0;
	s0 =	sadd.s32 s0, s5;
	s5 =	spop (v2sf)  }
0xc4: {  	v18 =	vsel vm12, $0x1, v2;
	vm13 =	vle.f32 v16, $2.500000000e+01;
	(xrf0) =	vadd.scan.msk.s32 $0xffff, v14;
	v21 =	vmov s0;
	s0 =	sadd.s32 s0, s5;
	s5 =	spop (v2sf)  }
0xc5: {  	v24 =	vsel vm13, $0x1, v2;
	vm14 =	vle.f32 v17, $2.500000000e+01;
	(xrf0) =	vadd.scan.msk.s32 $0xffff, v18;
	v17 =	vmov s0;
	s0 =	sadd.s32 s0, s5  }
0xc6: {  	v25 =	vbroadcast v19, $0x0;
	v18 =	vsel vm14, $0x1, v2;
	v14, _, _ =	vpop (xrf0);
	(xrf0) =	vadd.scan.msk.s32 $0xffff, v24;
	v17 =	vadd.s32 $0xFFFFFFFF, v17  }
0xc7: {  	v24 =	vadd.s32 $0xFFFFFFFF, v21;
	(v2sf) =	vpush v14, $0xF;
	v16, _, _ =	vpop (xrf0);
	(xrf0) =	vadd.scan.msk.s32 $0xffff, v18;
	v26 =	vbroadcast v17, $0x0  }
0xc8: {  	v17 =	vadd.s32 v11, v25;
	v25 =	vmov s3;
	(v2sf) =	vpush v16, $0xF;
	v19, _, _ =	vpop (xrf0)  }
.Ltmp4:
0xc9: {  	v27 =	vadd.s32 $0xFFFFFFFF, v22;
	(v2sf) =	vpush v19, $0xF;
	v11, _, _ =	vpop (xrf0);
	v22 =	vadd.s32 v13, v26;
	(pc) =	sbr.rel @p0 .LBB2_3-.Ltmp4, $4  }
0xca: {  	v13 =	vadd.s32 $0xFFFFFFFF, v23;
	v23 =	vbroadcast v27, $0x0;
	(v2sf) =	vpush v11, $0xF;
	v18, _, _ =	vpop (xrf0)  }
0xcb: {  	v25 =	vadd.s32 $0xFFFFFFFF, v25;
	v26 =	vadd.s32 $0xFFFFFFFF, v20;
	(v2sf) =	vpush v18, $0xF;
	v21, _, _ =	vpop (xrf0)  }
0xcc: {  	v27 =	vbroadcast v13, $0x0;
	v23 =	vadd.s32 v15, v23;
	(v2sf) =	vpush v21, $0xF;
	v20, _, _ =	vpop (xrf0)  }
0xcd: {  	v25 =	vbroadcast v25, $0x0;
	v26 =	vbroadcast v26, $0x0;
	(v2sf) =	vpush v20, $0xF;
	v13, _, _ =	vpop (xrf0)  }
0xce: {  	_ =	sdelay $0x5  }
0xcf: {  	v7 =	vadd.s32 v7, v27;
	v15 =	vbroadcast v24, $0x0  }
0xd0: {  	v48 =	vmov s0;
	v49 =	vor.u32 s12, v0;
	v50 =	vor.u32 s11, v0  }
0xd1: {  	vm15 =	vmmov vm9;
	v51 =	vor.u32 s10, v0;
	s13 =	spop (v2sf);
	(v2sf) =	vpush v13, $0xF  }
0xd2: {  	vm10 =	vmmov vm10;
	vm9 =	vmmov vm11;
	v24 =	vadd.s32 $0xFFFFFFFF, v48  }
0xd3: {  	v52 =	vor.u32 s31, v0;
	v9 =	vadd.s32 v9, v15;
	v15 =	vbroadcast v24, $0x0  }
0xd4: {  	vm11 =	vmmov vm12;
	vm14 =	vmmov vm14;
	v28 =	vor.u32 s30, v0;
	s3 =	sadd.s32 s0, s13;
	s15 =	spop (v2sf)  }
0xd5: {  	v8 =	vadd.s32 v8, v25;
	v14 =	vadd.s32 v14, v15;
	v15 =	vor.u32 s9, v0;
	s9 =	sadd.s32 $0x80, s7;
	s5 =	sadd.s32 s3, s15;
	s14 =	spop (v2sf)  }
0xd6: {  	vm12 =	vmmov vm13;
	[tilespmem:v22+s24+$0x0] =	vst.idx.msk vm6, v12;
	v10 =	vadd.s32 v10, v26;
	s7 =	sadd.s32 $0xFFFFFF90, s9;
	s17 =	sadd.s32 s5, s14;
	s12 =	spop (v2sf);
	v12 =	vmov s5  }
0xd7: {  	v30 =	vor.u32 s7, v0;
	s20 =	sadd.s32 s17, s12;
	s11 =	spop (v2sf);
	v53 =	vmov s17;
	v12 =	vadd.s32 $0xFFFFFFFF, v12  }
0xd8: {  	v31 =	vmov s3;
	s21 =	sadd.s32 s20, s11;
	s10 =	spop (v2sf);
	v22 =	vadd.s32 $0xFFFFFFFF, v53;
	v12 =	vbroadcast v12, $0x0  }
0xd9: {  	[tilespmem:v7+s24+$0x0] =	vst.idx.msk vm3, v51;
	v58 =	vmov s20;
	s26 =	sadd.s32 s21, s10;
	s8 =	spop (v2sf);
	v54 =	vmov s21;
	v7 =	vbroadcast v22, $0x0  }
0xda: {  	[tilespmem:v8+s24+$0x0] =	vst.idx.msk vm1, v28;
	v8 =	vadd.s32 $0xFFFFFFFF, v58;
	s31 =	sadd.s32 s26, s8;
	v55 =	vmov s26;
	v57 =	vadd.s32 $0xFFFFFFFF, v54  }
0xdb: {  	[tilespmem:v17+s24+$0x0] =	vst.idx.msk vm4, v50;
	v12 =	vadd.s32 v19, v12;
	v8 =	vbroadcast v8, $0x0;
	v29 =	vmov s31  }
0xdc: {  	[tilespmem:v10+s24+$0x0] =	vst.idx.msk vm2, v15;
	v17 =	vadd.s32 $0xFFFFFFFF, v55;
	v7 =	vadd.s32 v11, v7;
	v10 =	vbroadcast v57, $0x0  }
0xdd: {  	[tilespmem:v23+s24+$0x0] =	vst.idx.msk vm5, v49;
	v29 =	vadd.s32 $0xFFFFFFFF, v29;
	v60 =	vbroadcast v17, $0x0;
	v8 =	vadd.s32 v18, v8  }
0xde: {  	[tilespmem:v9+s24+$0x0] =	vst.idx.msk vm0, v52;
	v56 =	vadd.s32 $0xFFFFFFFF, v31;
	s21 =	sadd.s32 $0xFFFFFFB0, s9;
	v29 =	vbroadcast v29, $0x0;
	v10 =	vadd.s32 v21, v10  }
0xdf: {  	[tilespmem:v14+s24+$0x0] =	vst.idx.msk vm15, v30;
	v15 =	vbroadcast v56, $0x0;
	s26 =	sadd.s32 $0xFFFFFFC0, s9;
	v14 =	vor.u32 s21, v0;
	v11 =	vadd.s32 v20, v60  }
0xe0: {  	vm8 =	vmmov vm8;
	v13 =	vadd.s32 v13, v29;
	[tilespmem:v12+s24+$0x0] =	vst.idx.msk vm10, v14;
	v12 =	vor.u32 s26, v0;
	s26 =	sadd.s32 $0xFFFFFFD0, s9;
	s7 =	spop (v2sf)  }
0xe1: {  	s20 =	sadd.s32 $0xFFFFFFE0, s9;
	v59 =	vadd.s32 v16, v15;
	[tilespmem:v7+s24+$0x0] =	vst.idx.msk vm9, v12;
	v63 =	vor.u32 s26, v0;
	s31 =	sadd.s32 s31, s7  }
0xe2: {  	v61 =	vor.u32 s20, v0;
	s21 =	sadd.s32 $0xFFFFFFF0, s9;
	[tilespmem:v8+s24+$0x0] =	vst.idx.msk vm7, v63;
	v7 =	vadd.s32 s31, v0  }
0xe3: {  	v62 =	vor.u32 s21, v0;
	[tilespmem:v10+s24+$0x0] =	vst.idx.msk vm11, v61;
	v12 =	vadd.s32 s31, v4  }
0xe4: {  	s17 =	sadd.s32 $0xFFFFFFA0, s9;
	v15 =	vor.u32 s9, v0;
	[tilespmem:v11+s24+$0x0] =	vst.idx.msk vm12, v62  }
0xe5: {  	[tilespmem:v13+s24+$0x0] =	vst.idx.msk vm14, v15;
	v13 =	vor.u32 s17, v0  }
0xe6: {  	p0 =	sgt.s32 s31, $0x20;
	[tilespmem:v59+s24+$0x0] =	vst.idx.msk vm8, v13  }
.Ltmp5:
0xe7: {  	[tilespmem:v7+s24+$0x0] =	vst.idx.msk $0xffff, v3;
	(pc) =	sbr.rel @p0 .LBB2_9-.Ltmp5, $4  }
0xe8: {  	s30 =	sshll.u32 s1, $0x8;
	[tilespmem:v12+s24+$0x0] =	vst.idx.msk $0xffff, v5  }
0xe9: {  	[tilespmem:s30+$0x6180] =	vst v6  }
0xea: {  	[tilespmem:s30+$0x6190] =	vst v6  }
0xeb: {  	vm15 =	vmmov vm7;
	v13 =	vmov s28;
	[tilespmem:s30+$0x61A0] =	vst v6  }
0xec: {  	p0 =	slt.s32 s31, $0x1  }
.Ltmp6:
0xed: {  	_ = 	snop;
	(pc) =	sbr.rel @p0 .LBB2_31-.Ltmp6, $1  }
0xee: {  	_ =	sdelay $0x3  }
0xef: {  	v7 =	vld [tilespmem:$0x2100]  }
0xf0: {  	v8 =	vld [tilespmem:$0x2110];
	_ =	sdelay $0x6  }
0xf1: {  	v10 =	vld.idx.msk [tilespmem:v7+s4+$0x0], $0xffff  }
0xf2: {  	v11 =	vld.idx.msk [tilespmem:v8+s4+$0x0], $0xffff;
	_ =	sdelay $0x3  }
0xf3: {  	(xrf0) =	vmin.scan.msk.f32 $0xffff, v10  }
0xf4: {  	(xrf0) =	vmin.scan.msk.f32 $0xffff, v11;
	_ =	sdelay $0x4  }
0xf5: {  	v12, _, _ =	vpop (xrf0)  }
0xf6: {  	v14 =	vbroadcast v12, $0xF;
	v15, _, _ =	vpop (xrf0)  }
0xf7: {  	v16 =	vbroadcast v15, $0xF  }
0xf8: {  	v9 =	vxor.u32 $0x80000000, v7;
	vm0 =	veq.f32 v10, v14  }
0xf9: {  	v10 =	vxor.u32 $0x80000000, v8;
	v14 =	vnsel vm0, $0xC0000000, v9;
	vm15 =	veq.f32 v11, v16  }
0xfa: {  	v11 =	vnsel vm15, $0xC0000000, v10;
	(xrf0) =	vmin.scan.msk.u32 $0xffff, v14  }
0xfb: {  	(xrf0) =	vmin.scan.msk.u32 $0xffff, v11;
	_ =	sdelay $0x4  }
0xfc: {  	(v2sf) =	vpush v15, $0xF;
	v11, _, _ =	vpop (xrf0)  }
0xfd: {  	(v2sf) =	vpush v11, $0xF;
	v11, _, _ =	vpop (xrf0)  }
0xfe: {  	(v2sf) =	vpush v11, $0xF  }
0xff: {  	(v2sf) =	vpush v12, $0xF;
	_ =	sdelay $0x7  }
0x100: {  	s3 =	sadd.s32 s15, s13  }
0x101: {  	s3 =	sadd.s32 s14, s3  }
0x102: {  	s3 =	sadd.s32 s12, s3  }
0x103: {  	s3 =	sadd.s32 s11, s3  }
0x104: {  	s3 =	sadd.s32 s10, s3;
	s5 =	spop (v2sf)  }
0x105: {  	s3 =	sadd.s32 s8, s3;
	s9 =	spop (v2sf)  }
0x106: {  	s3 =	sadd.s32 s7, s3;
	s21 =	spop (v2sf)  }
0x107: {  	s9 =	sxor.u32 $0x80000000, s9;
	s12 =	sxor.u32 $0x80000000, s21;
	s26 =	spop (v2sf)  }
0x108: {  	p0 =	seq.f32 s5, s26;
	p1 =	slt.s32 s9, s12;
	s11 =	smov.u32 s12  }
0x109: {  	s31 =	simm.s32 $0x0;
	s0 =	sadd.s32 s0, s3;
	s11 =	smov.u32 @p1 s9  }
0x10a: {  	p2 =	slt.f32 s5, s26;
	s9 =	smov.u32 @p0 s11;
	p0 =	sgt.s32 s0, $0x1  }
0x10b: {  	v14 =	vmov s31;
	s0 =	simm.s32 @!p0 $0x1  }
0x10c: {  	v11 =	vshll.u32 v13, $0x7;
	v13 =	vand.u32 $0x7FFFFF80, v14;
	s9 =	smov.u32 @p2 s12;
	s0 =	smin.u32 s0, $0x21  }
0x10d: {  	v14 =	vand.u32 $0x7F, v14;
	v13 =	vadd.s32 v11, v13;
	v12 =	vmov s9;
	p0 =	seq.s32 s0, $0x1  }
.Ltmp7:
0x10e: {  	v13 =	vor.u32 v14, v13;
	(pc) =	sbr.rel @p0 .LBB2_8-.Ltmp7, $2  }
0x10f: {  	_ =	sdelay $0x2  }
0x110: {  	s7 =	simm.s32 $0x1;
	[tilespmem:v12+s4+$0x0] =	vst.idx.msk $0x1, v1  }
.LBB2_7:
0x111: {  	[tilespmem:v13+s25+$0x0] =	vst.idx.msk $0x1, v12;
	s8 =	smov.u32 s7;
	s7 =	sadd.s32 $0x1, s7  }
0x112: {  	v12 =	vld.idx.msk [tilespmem:v7+s4+$0x0], $0xffff;
	p0 =	seq.s32 s0, s7  }
0x113: {  	v13 =	vld.idx.msk [tilespmem:v8+s4+$0x0], $0xffff;
	_ =	sdelay $0x4  }
0x114: {  	(xrf0) =	vmin.scan.msk.f32 $0xffff, v12  }
0x115: {  	(xrf0) =	vmin.scan.msk.f32 $0xffff, v13;
	_ =	sdelay $0x4  }
0x116: {  	v14, _, _ =	vpop (xrf0)  }
0x117: {  	v15 =	vbroadcast v14, $0xF;
	v16, _, _ =	vpop (xrf0)  }
0x118: {  	v17 =	vbroadcast v16, $0xF;
	(v2sf) =	vpush v16, $0xF  }
0x119: {  	vm0 =	veq.f32 v12, v15  }
0x11a: {  	v12 =	vnsel vm0, $0xC0000000, v9;
	vm0 =	veq.f32 v13, v17  }
0x11b: {  	v13 =	vnsel vm0, $0xC0000000, v10;
	(xrf0) =	vmin.scan.msk.u32 $0xffff, v12  }
0x11c: {  	(xrf0) =	vmin.scan.msk.u32 $0xffff, v13;
	_ =	sdelay $0x4  }
0x11d: {  	v12, _, _ =	vpop (xrf0)  }
0x11e: {  	(v2sf) =	vpush v12, $0xF;
	v12, _, _ =	vpop (xrf0)  }
0x11f: {  	(v2sf) =	vpush v12, $0xF  }
0x120: {  	(v2sf) =	vpush v14, $0xF;
	_ =	sdelay $0x2  }
0x121: {  	s3 =	spop (v2sf);
	_ =	sdelay $0x9  }
0x122: {  	s5 =	spop (v2sf)  }
0x123: {  	s9 =	spop (v2sf)  }
0x124: {  	s10 =	spop (v2sf)  }
0x125: {  	s5 =	sxor.u32 $0x80000000, s5;
	s9 =	sxor.u32 $0x80000000, s9;
	p1 =	slt.f32 s3, s10  }
0x126: {  	p2 =	seq.f32 s3, s10;
	p3 =	slt.s32 s5, s9;
	s3 =	smov.u32 s9  }
0x127: {  	s3 =	smov.u32 @p3 s5  }
0x128: {  	v13 =	vmov s8;
	s5 =	smov.u32 @p2 s3  }
0x129: {  	v14 =	vand.u32 $0x7FFFFF80, v13;
	s5 =	smov.u32 @p1 s9  }
0x12a: {  	v13 =	vand.u32 $0x7F, v13;
	v14 =	vadd.s32 v11, v14;
	v12 =	vmov s5  }
.Ltmp8:
0x12b: {  	v13 =	vor.u32 v13, v14;
	(pc) =	sbr.rel @!p0 .LBB2_7-.Ltmp8, $2  }
0x12c: {  	_ =	sdelay $0x2  }
0x12d: {  	[tilespmem:v12+s4+$0x0] =	vst.idx.msk $0x1, v1  }
.LBB2_8:
.Ltmp9:
0x12e: {  	_ = 	snop;
	(pc) =	sbr.rel .LBB2_31-.Ltmp9, $2  }
0x12f: {  	_ =	sdelay $0x2  }
0x130: {  	[tilespmem:v13+s25+$0x0] =	vst.idx.msk $0x1, v12  }
.LBB2_9:
0x131: {  	p0 =	sgt.s32 s31, $0x30  }
.Ltmp10:
0x132: {  	_ = 	snop;
	(pc) =	sbr.rel @p0 .LBB2_13-.Ltmp10, $1  }
0x133: {  	_ =	sdelay $0x3  }
0x134: {  	v7 =	vld [tilespmem:$0x2100]  }
0x135: {  	v8 =	vld [tilespmem:$0x2110];
	_ =	sdelay $0x2  }
0x136: {  	v9 =	vld [tilespmem:$0x2120];
	_ =	sdelay $0x3  }
0x137: {  	v11 =	vld.idx.msk [tilespmem:v7+s4+$0x0], $0xffff  }
0x138: {  	v12 =	vld.idx.msk [tilespmem:v8+s4+$0x0], $0xffff;
	_ =	sdelay $0x2  }
0x139: {  	v14 =	vld.idx.msk [tilespmem:v9+s4+$0x0], $0xffff  }
0x13a: {  	(xrf0) =	vmin.scan.msk.f32 $0xffff, v11  }
0x13b: {  	(xrf0) =	vmin.scan.msk.f32 $0xffff, v12;
	_ =	sdelay $0x2  }
0x13c: {  	(xrf0) =	vmin.scan.msk.f32 $0xffff, v14;
	_ =	sdelay $0x1  }
0x13d: {  	v15, _, _ =	vpop (xrf0)  }
0x13e: {  	v16 =	vbroadcast v15, $0xF;
	v17, _, _ =	vpop (xrf0)  }
0x13f: {  	v18 =	vbroadcast v17, $0xF  }
0x140: {  	v10 =	vxor.u32 $0x80000000, v7;
	vm0 =	veq.f32 v11, v16  }
0x141: {  	v63, _, _ =	vpop (xrf0);
	v11 =	vxor.u32 $0x80000000, v8;
	v16 =	vnsel vm0, $0xC0000000, v10;
	vm14 =	veq.f32 v12, v18  }
0x142: {  	v12 =	vnsel vm14, $0xC0000000, v11;
	(xrf0) =	vmin.scan.msk.u32 $0xffff, v16;
	v16 =	vbroadcast v63, $0xF  }
0x143: {  	(xrf0) =	vmin.scan.msk.u32 $0xffff, v12  }
0x144: {  	v12 =	vxor.u32 $0x80000000, v9;
	vm15 =	veq.f32 v14, v16  }
0x145: {  	v14 =	vnsel vm15, $0xC0000000, v12;
	_ =	sdelay $0x1  }
0x146: {  	(v2sf) =	vpush v17, $0xF;
	(xrf0) =	vmin.scan.msk.u32 $0xffff, v14  }
0x147: {  	(v2sf) =	vpush v63, $0xF;
	v14, _, _ =	vpop (xrf0)  }
0x148: {  	(v2sf) =	vpush v14, $0xF;
	v14, _, _ =	vpop (xrf0)  }
0x149: {  	(v2sf) =	vpush v14, $0xF  }
0x14a: {  	(v2sf) =	vpush v15, $0xF;
	_ =	sdelay $0x1  }
0x14b: {  	v14, _, _ =	vpop (xrf0)  }
0x14c: {  	(v2sf) =	vpush v14, $0xF;
	_ =	sdelay $0x7  }
0x14d: {  	s13 =	sadd.s32 s15, s13;
	s3 =	spop (v2sf)  }
0x14e: {  	s13 =	sadd.s32 s14, s13;
	s5 =	spop (v2sf)  }
0x14f: {  	s12 =	sadd.s32 s12, s13;
	s9 =	spop (v2sf)  }
0x150: {  	s11 =	sadd.s32 s11, s12;
	s17 =	spop (v2sf)  }
0x151: {  	s10 =	sadd.s32 s10, s11;
	s20 =	spop (v2sf)  }
0x152: {  	s9 =	sxor.u32 $0x80000000, s9;
	s17 =	sxor.u32 $0x80000000, s17;
	p0 =	seq.f32 s3, s20  }
0x153: {  	p1 =	slt.s32 s9, s17;
	s15 =	smov.u32 s17;
	p2 =	slt.f32 s3, s20  }
0x154: {  	s26 =	sadd.s32 s8, s10;
	s15 =	smov.u32 @p1 s9;
	s21 =	spop (v2sf)  }
0x155: {  	s9 =	smov.u32 @p0 s15;
	s20 =	smov.u32 @p2 s3;
	s3 =	sxor.u32 $0x80000000, s21  }
0x156: {  	s9 =	smov.u32 @p2 s17;
	p0 =	seq.f32 s5, s20;
	s12 =	smov.u32 s3  }
0x157: {  	p2 =	slt.f32 s5, s20;
	s5 =	sadd.s32 s7, s26;
	p1 =	slt.s32 s9, s3  }
0x158: {  	s0 =	sadd.s32 s0, s5;
	s12 =	smov.u32 @p1 s9  }
0x159: {  	s31 =	simm.s32 $0x0;
	s9 =	smov.u32 @p0 s12;
	p0 =	sgt.s32 s0, $0x1  }
0x15a: {  	v15 =	vmov s31;
	s0 =	simm.s32 @!p0 $0x1  }
0x15b: {  	v13 =	vshll.u32 v13, $0x7;
	v16 =	vand.u32 $0x7FFFFF80, v15;
	s9 =	smov.u32 @p2 s3;
	s0 =	smin.u32 s0, $0x21  }
0x15c: {  	v15 =	vand.u32 $0x7F, v15;
	v16 =	vadd.s32 v13, v16;
	v14 =	vmov s9;
	p0 =	seq.s32 s0, $0x1  }
.Ltmp11:
0x15d: {  	v15 =	vor.u32 v15, v16;
	(pc) =	sbr.rel @p0 .LBB2_12-.Ltmp11, $2  }
0x15e: {  	_ =	sdelay $0x2  }
0x15f: {  	s7 =	simm.s32 $0x1;
	[tilespmem:v14+s4+$0x0] =	vst.idx.msk $0x1, v1  }
.LBB2_11:
0x160: {  	[tilespmem:v15+s25+$0x0] =	vst.idx.msk $0x1, v14;
	s8 =	smov.u32 s7;
	s7 =	sadd.s32 $0x1, s7  }
0x161: {  	v14 =	vld.idx.msk [tilespmem:v7+s4+$0x0], $0xffff;
	p0 =	seq.s32 s0, s7  }
0x162: {  	v15 =	vld.idx.msk [tilespmem:v8+s4+$0x0], $0xffff;
	_ =	sdelay $0x3  }
0x163: {  	v16 =	vld.idx.msk [tilespmem:v9+s4+$0x0], $0xffff  }
0x164: {  	(xrf0) =	vmin.scan.msk.f32 $0xffff, v14  }
0x165: {  	(xrf0) =	vmin.scan.msk.f32 $0xffff, v15;
	_ =	sdelay $0x3  }
0x166: {  	(xrf0) =	vmin.scan.msk.f32 $0xffff, v16  }
0x167: {  	v17, _, _ =	vpop (xrf0)  }
0x168: {  	v18 =	vbroadcast v17, $0xF;
	v19, _, _ =	vpop (xrf0)  }
0x169: {  	v20 =	vbroadcast v19, $0xF;
	(v2sf) =	vpush v19, $0xF  }
0x16a: {  	vm0 =	veq.f32 v14, v18  }
0x16b: {  	v14 =	vnsel vm0, $0xC0000000, v10;
	vm0 =	veq.f32 v15, v20  }
0x16c: {  	v15 =	vnsel vm0, $0xC0000000, v11;
	v18, _, _ =	vpop (xrf0);
	(xrf0) =	vmin.scan.msk.u32 $0xffff, v14  }
0x16d: {  	v14 =	vbroadcast v18, $0xF;
	(v2sf) =	vpush v18, $0xF;
	(xrf0) =	vmin.scan.msk.u32 $0xffff, v15;
	_ =	sdelay $0x1  }
0x16e: {  	vm0 =	veq.f32 v16, v14  }
0x16f: {  	v15 =	vnsel vm0, $0xC0000000, v12  }
0x170: {  	(xrf0) =	vmin.scan.msk.u32 $0xffff, v15  }
0x171: {  	v14, _, _ =	vpop (xrf0)  }
0x172: {  	(v2sf) =	vpush v14, $0xF;
	v14, _, _ =	vpop (xrf0)  }
0x173: {  	(v2sf) =	vpush v14, $0xF  }
0x174: {  	(v2sf) =	vpush v17, $0xF;
	_ =	sdelay $0x1  }
0x175: {  	v14, _, _ =	vpop (xrf0)  }
0x176: {  	s3 =	spop (v2sf);
	(v2sf) =	vpush v14, $0xF;
	_ =	sdelay $0x3  }
0x177: {  	s5 =	spop (v2sf);
	_ =	sdelay $0x5  }
0x178: {  	s9 =	spop (v2sf)  }
0x179: {  	s10 =	spop (v2sf)  }
0x17a: {  	s11 =	spop (v2sf)  }
0x17b: {  	s9 =	sxor.u32 $0x80000000, s9;
	s10 =	sxor.u32 $0x80000000, s10;
	p1 =	slt.f32 s3, s11  }
0x17c: {  	p2 =	seq.f32 s3, s11;
	p3 =	slt.s32 s9, s10;
	s12 =	smov.u32 s10  }
0x17d: {  	s12 =	smov.u32 @p3 s9  }
0x17e: {  	s9 =	smov.u32 @p2 s12;
	s12 =	spop (v2sf);
	s11 =	smov.u32 @p1 s3  }
0x17f: {  	s12 =	sxor.u32 $0x80000000, s12;
	s9 =	smov.u32 @p1 s10;
	p1 =	slt.f32 s5, s11  }
0x180: {  	p2 =	seq.f32 s5, s11;
	p3 =	slt.s32 s9, s12;
	s3 =	smov.u32 s12  }
0x181: {  	s3 =	smov.u32 @p3 s9  }
0x182: {  	v15 =	vmov s8;
	s9 =	smov.u32 @p2 s3  }
0x183: {  	v16 =	vand.u32 $0x7FFFFF80, v15;
	s9 =	smov.u32 @p1 s12  }
0x184: {  	v15 =	vand.u32 $0x7F, v15;
	v16 =	vadd.s32 v13, v16;
	v14 =	vmov s9  }
.Ltmp12:
0x185: {  	v15 =	vor.u32 v15, v16;
	(pc) =	sbr.rel @!p0 .LBB2_11-.Ltmp12, $2  }
0x186: {  	_ =	sdelay $0x2  }
0x187: {  	[tilespmem:v14+s4+$0x0] =	vst.idx.msk $0x1, v1  }
.LBB2_12:
0x188: {  	_ =	sdelay $0x3  }
0x189: {  	[tilespmem:v15+s25+$0x0] =	vst.idx.msk $0x1, v14  }
.LBB2_31:
0x18a: {  	v7 =	vld [tilespmem:s30+$0x6180];
	_ =	sdelay $0x3  }
0x18b: {  	v8 =	vmov s29  }
0x18c: {  	vm0 =	vgt.s32 v7, $0x0  }
0x18d: {  	v9 =	vnsel vm0, $0x0, v7;
	_ =	sdelay $0x2  }
0x18e: {  	v10 =	vld.idx.msk [tilespmem:v8+s16+$0x0], $0xffff  }
0x18f: {  	v11 =	vld.idx.msk [tilespmem:v8+s18+$0x0], $0xffff  }
0x190: {  	v12 =	vld.idx.msk [tilespmem:v9+s16+$0x0], $0xffff  }
0x191: {  	v13 =	vld.idx.msk [tilespmem:v9+s18+$0x0], $0xffff  }
0x192: {  	v14 =	vld.idx.msk [tilespmem:v8+s19+$0x0], $0xffff  }
0x193: {  	v9 =	vld.idx.msk [tilespmem:v9+s19+$0x0], $0xffff;
	_ =	sdelay $0x2  }
0x194: {  	v12 =	vsub.f32 v12, v10;
	v13 =	vsub.f32 v13, v11  }
0x195: {  	vm0 =	vgt.s32 v7, $0xFFFFFFFF  }
0x196: {  	v9 =	vsub.f32 v9, v14;
	v7 =	vnsel vm0, $0x0, v12;
	v12 =	vnsel vm0, $0x0, v13  }
0x197: {  	v13 =	vmul.f32 v7, v7;
	v15 =	vmul.f32 v12, v12  }
0x198: {  	v9 =	vnsel vm0, $0x0, v9  }
0x199: {  	v13 =	vadd.f32 v15, v13;
	v15 =	vmul.f32 v9, v9  }
0x19a: {  	[tilespmem:s30+$0xE180] =	vst v7  }
0x19b: {  	[tilespmem:s30+$0x12180] =	vst v12;
	v7 =	vadd.f32 v15, v13  }
0x19c: {  	[tilespmem:s30+$0x16180] =	vst v9  }
0x19d: {  	[tilespmem:s30+$0x1A180] =	vst v7;
	v7 =	vnsel vm0, $0xFFFFFFFF, v8  }
0x19e: {  	s0 =	sor.u32 $0x10, s30;
	[tilespmem:s30+$0xA180] =	vst v7  }
0x19f: {  	v7 =	vld [tilespmem:s0+$0x6180];
	_ =	sdelay $0x4  }
0x1a0: {  	vm0 =	vgt.s32 v7, $0x0  }
0x1a1: {  	v9 =	vnsel vm0, $0x0, v7;
	_ =	sdelay $0x4  }
0x1a2: {  	v12 =	vld.idx.msk [tilespmem:v9+s16+$0x0], $0xffff  }
0x1a3: {  	v13 =	vld.idx.msk [tilespmem:v9+s18+$0x0], $0xffff;
	_ =	sdelay $0x1  }
0x1a4: {  	v9 =	vld.idx.msk [tilespmem:v9+s19+$0x0], $0xffff;
	_ =	sdelay $0x2  }
0x1a5: {  	v12 =	vsub.f32 v12, v10;
	v13 =	vsub.f32 v13, v11  }
0x1a6: {  	vm0 =	vgt.s32 v7, $0xFFFFFFFF  }
0x1a7: {  	v9 =	vsub.f32 v9, v14;
	v7 =	vnsel vm0, $0x0, v12;
	v12 =	vnsel vm0, $0x0, v13  }
0x1a8: {  	v13 =	vmul.f32 v7, v7;
	v15 =	vmul.f32 v12, v12  }
0x1a9: {  	v9 =	vnsel vm0, $0x0, v9  }
0x1aa: {  	v13 =	vadd.f32 v15, v13;
	v15 =	vmul.f32 v9, v9  }
0x1ab: {  	[tilespmem:s0+$0xE180] =	vst v7  }
0x1ac: {  	[tilespmem:s0+$0x12180] =	vst v12;
	v7 =	vadd.f32 v15, v13  }
0x1ad: {  	[tilespmem:s0+$0x16180] =	vst v9  }
0x1ae: {  	[tilespmem:s0+$0x1A180] =	vst v7;
	v7 =	vnsel vm0, $0xFFFFFFFF, v8  }
0x1af: {  	s3 =	sor.u32 $0x20, s30;
	[tilespmem:s0+$0xA180] =	vst v7  }
0x1b0: {  	v7 =	vld [tilespmem:s3+$0x6180];
	_ =	sdelay $0x4  }
0x1b1: {  	vm0 =	vgt.s32 v7, $0x0  }
0x1b2: {  	v9 =	vnsel vm0, $0x0, v7;
	_ =	sdelay $0x4  }
0x1b3: {  	v12 =	vld.idx.msk [tilespmem:v9+s16+$0x0], $0xffff  }
0x1b4: {  	v13 =	vld.idx.msk [tilespmem:v9+s18+$0x0], $0xffff;
	_ =	sdelay $0x1  }
0x1b5: {  	v9 =	vld.idx.msk [tilespmem:v9+s19+$0x0], $0xffff;
	_ =	sdelay $0x2  }
0x1b6: {  	v10 =	vsub.f32 v12, v10;
	v11 =	vsub.f32 v13, v11  }
0x1b7: {  	vm0 =	vgt.s32 v7, $0xFFFFFFFF  }
0x1b8: {  	v9 =	vsub.f32 v9, v14;
	v7 =	vnsel vm0, $0x0, v10;
	v10 =	vnsel vm0, $0x0, v11  }
0x1b9: {  	v11 =	vmul.f32 v7, v7;
	v12 =	vmul.f32 v10, v10  }
0x1ba: {  	v9 =	vnsel vm0, $0x0, v9  }
0x1bb: {  	v11 =	vadd.f32 v12, v11;
	v12 =	vmul.f32 v9, v9  }
0x1bc: {  	[tilespmem:s3+$0xE180] =	vst v7  }
0x1bd: {  	[tilespmem:s3+$0x12180] =	vst v10;
	v7 =	vadd.f32 v12, v11  }
0x1be: {  	s5 =	smin.u32 s29, $0xFFD;
	[tilespmem:s3+$0x16180] =	vst v9  }
0x1bf: {  	s8 =	simm.s32 $0x0;
	s9 =	simm.s32 $0x80;
	s0 =	sadd.s32 $0x2, s5;
	[tilespmem:s3+$0x1A180] =	vst v7;
	v7 =	vnsel vm0, $0xFFFFFFFF, v8  }
0x1c0: {  	s10 =	simm.s32 $0x10C0;
	s5 =	simm.s32 $0x2;
	s7 =	sshll.u32 s0, $0x4;
	[tilespmem:s3+$0xA180] =	vst v7  }
0x1c1: {  	s0 =	sshll.u32 s0, $0x9;
	s3 =	sand.u32 $0x70, s7;
	_ =	swait.ge [sflag:s5], $0x1000  }
0x1c2: {  	s0 =	sand.u32 $0x3FF000, s0;
	s3 =	sadd.s32 s6, s3;
	[sflag:s5] =	ssyncset.done $0x0  }
0x1c3: {  	s7 =	simm.s32 $0x400;
	s0 =	sadd.s32 s0, s3;
	[sflag:s5] =	ssyncadd.s32 $0xFFFFF000  }
0x1c4: {  	[tilespmem:s8], [sflag:$0x1] =	stream.strided.gather [hbm4b:s0+s9], $0x1000, s7, s9, $0x38;
	[tilespmem:$0x1E180] =	vst v63  }
0x1c5: {  	v7 =	vld [tilespmem:s10+$0xFFFFFFC0]  }
0x1c6: {  	v8 =	vld [tilespmem:s10+$0xFFFFFFD0]  }
0x1c7: {  	v9 =	vld [tilespmem:s10+$0xFFFFFFE0]  }
0x1c8: {  	v10 =	vld [tilespmem:s10+$0xFFFFFFF0]  }
0x1c9: {  	v11 =	vld [tilespmem:s10+$0x0]  }
0x1ca: {  	vm2 =	vle.f32 v7, $2.500000000e+01;
	v7 =	vld [tilespmem:s10+$0x10]  }
0x1cb: {  	vm0 =	vle.f32 v8, $2.500000000e+01;
	v8 =	vld [tilespmem:s10+$0x20]  }
0x1cc: {  	v12 =	vsel vm2, $0x1, v2  }
0x1cd: {  	vm3 =	vle.f32 v9, $2.500000000e+01;
	v13 =	vsel vm0, $0x1, v2;
	(xrf0) =	vadd.scan.msk.s32 $0xffff, v12  }
0x1ce: {  	vm4 =	vle.f32 v10, $2.500000000e+01;
	v9 =	vsel vm3, $0x1, v2;
	(xrf0) =	vadd.scan.msk.s32 $0xffff, v13  }
0x1cf: {  	vm1 =	vle.f32 v11, $2.500000000e+01;
	v10 =	vsel vm4, $0x1, v2;
	(xrf0) =	vadd.scan.msk.s32 $0xffff, v9  }
0x1d0: {  	v9 =	vsel vm1, $0x1, v2;
	vm6 =	vle.f32 v7, $2.500000000e+01;
	(xrf0) =	vadd.scan.msk.s32 $0xffff, v10;
	vm7 =	vle.f32 v8, $2.500000000e+01;
	v8 =	vld [tilespmem:s10+$0x30]  }
0x1d1: {  	v7 =	vsel vm6, $0x1, v2;
	(xrf0) =	vadd.scan.msk.s32 $0xffff, v9  }
0x1d2: {  	v9 =	vsel vm7, $0x1, v2;
	(xrf0) =	vadd.scan.msk.s32 $0xffff, v7  }
0x1d3: {  	v11, _, _ =	vpop (xrf0);
	(xrf0) =	vadd.scan.msk.s32 $0xffff, v9  }
0x1d4: {  	(v2sf) =	vpush v11, $0xF;
	v7, _, _ =	vpop (xrf0)  }
0x1d5: {  	(v2sf) =	vpush v7, $0xF;
	v13, _, _ =	vpop (xrf0);
	vm8 =	vle.f32 v8, $2.500000000e+01  }
0x1d6: {  	(v2sf) =	vpush v13, $0xF;
	v15, _, _ =	vpop (xrf0);
	v9 =	vsel vm8, $0x1, v2  }
0x1d7: {  	(v2sf) =	vpush v15, $0xF;
	v8, _, _ =	vpop (xrf0)  }
0x1d8: {  	(v2sf) =	vpush v8, $0xF;
	v10, _, _ =	vpop (xrf0)  }
0x1d9: {  	(xrf0) =	vadd.scan.msk.s32 $0xffff, v9;
	(v2sf) =	vpush v10, $0xF;
	v9, _, _ =	vpop (xrf0)  }
0x1da: {  	v12 =	vmov s8;
	s8 =	simm.s32 $0x1140;
	(v2sf) =	vpush v9, $0xF  }
0x1db: {  	v14 =	vld [tilespmem:s8+$0xFFFFFFC0];
	_ =	sdelay $0x1  }
0x1dc: {  	v17 =	vld [tilespmem:s8+$0xFFFFFFE0]  }
0x1dd: {  	s11 =	simm.s32 $0x0;
	v12 =	vadd.s32 $0xFFFFFFFF, v12;
	v16 =	vld [tilespmem:s8+$0xFFFFFFD0]  }
0x1de: {  	v26 =	vor.u32 s11, v0;
	v19 =	vld [tilespmem:s8+$0x0];
	v12 =	vbroadcast v12, $0x0  }
0x1df: {  	vm15 =	vmmov vm2;
	vm5 =	vmmov vm3;
	vm9 =	vle.f32 v14, $2.500000000e+01;
	v14 =	vld [tilespmem:s8+$0x10]  }
0x1e0: {  	vm4 =	vmmov vm4;
	vm3 =	vmmov vm0;
	v25 =	vadd.s32 v11, v12;
	v11 =	vld [tilespmem:s8+$0xFFFFFFF0];
	v18, _, _ =	vpop (xrf0)  }
0x1e1: {  	vm1 =	vmmov vm1;
	vm10 =	vle.f32 v17, $2.500000000e+01;
	v17 =	vld [tilespmem:s8+$0x30];
	(v2sf) =	vpush v18, $0xF  }
0x1e2: {  	vm2 =	vmmov vm6;
	vm6 =	vmmov vm8;
	vm8 =	vle.f32 v16, $2.500000000e+01;
	v16 =	vld [tilespmem:s8+$0x20];
	s12 =	spop (v2sf)  }
0x1e3: {  	s7 =	simm.s32 $0x70;
	vm0 =	vmmov vm7;
	vm7 =	vle.f32 v19, $2.500000000e+01;
	v20 =	vsel vm9, $0x1, v2;
	s13 =	sadd.s32 $0x0, s12;
	s14 =	spop (v2sf)  }
0x1e4: {  	v12 =	vor.u32 s7, v0;
	v23 =	vsel vm10, $0x1, v2;
	v22 =	vsel vm8, $0x1, v2;
	(xrf0) =	vadd.scan.msk.s32 $0xffff, v20;
	s0 =	sadd.s32 s13, s14;
	s15 =	spop (v2sf)  }
0x1e5: {  	v19 =	vsel vm7, $0x1, v2;
	vm11 =	vle.f32 v11, $2.500000000e+01;
	(xrf0) =	vadd.scan.msk.s32 $0xffff, v22;
	v20 =	vmov s0;
	s0 =	sadd.s32 s0, s15;
	s17 =	spop (v2sf)  }
0x1e6: {  	vm12 =	vle.f32 v14, $2.500000000e+01;
	v22 =	vsel vm11, $0x1, v2;
	(xrf0) =	vadd.scan.msk.s32 $0xffff, v23;
	v11 =	vmov s0;
	s0 =	sadd.s32 s0, s17;
	s20 =	spop (v2sf)  }
0x1e7: {  	vm14 =	vle.f32 v17, $2.500000000e+01;
	v14 =	vsel vm12, $0x1, v2;
	vm13 =	vle.f32 v16, $2.500000000e+01;
	(xrf0) =	vadd.scan.msk.s32 $0xffff, v22;
	s3 =	sadd.s32 s0, s20;
	s21 =	spop (v2sf)  }
0x1e8: {  	v16 =	vsel vm13, $0x1, v2;
	(xrf0) =	vadd.scan.msk.s32 $0xffff, v19;
	v11 =	vadd.s32 $0xFFFFFFFF, v11;
	v23 =	vmov s3;
	s3 =	sadd.s32 s3, s21;
	s26 =	spop (v2sf)  }
0x1e9: {  	v22 =	vsel vm14, $0x1, v2;
	(xrf0) =	vadd.scan.msk.s32 $0xffff, v14;
	v11 =	vbroadcast v11, $0x0;
	v19 =	vmov s3;
	s3 =	sadd.s32 s3, s26  }
0x1ea: {  	v14, _, _ =	vpop (xrf0);
	(xrf0) =	vadd.scan.msk.s32 $0xffff, v16;
	v21 =	vmov s13;
	v20 =	vadd.s32 $0xFFFFFFFF, v20;
	v17 =	vmov s3  }
0x1eb: {  	v16, _, _ =	vpop (xrf0);
	(xrf0) =	vadd.scan.msk.s32 $0xffff, v22;
	(v2sf) =	vpush v14, $0xF;
	v20 =	vbroadcast v20, $0x0;
	v17 =	vadd.s32 $0xFFFFFFFF, v17  }
0x1ec: {  	(v2sf) =	vpush v16, $0xF;
	v24 =	vadd.s32 $0xFFFFFFFF, v19;
	v22 =	vbroadcast v17, $0x0;
	v19, _, _ =	vpop (xrf0)  }
0x1ed: {  	v27 =	vadd.s32 $0xFFFFFFFF, v21;
	v17 =	vadd.s32 v15, v11;
	(v2sf) =	vpush v19, $0xF;
	v11, _, _ =	vpop (xrf0)  }
0x1ee: {  	v27 =	vbroadcast v27, $0x0;
	v22 =	vadd.s32 v18, v22;
	(v2sf) =	vpush v11, $0xF;
	v18, _, _ =	vpop (xrf0)  }
0x1ef: {  	s29 =	simm.s32 $0x40;
	s11 =	simm.s32 $0x30;
	s30 =	simm.s32 $0x60;
	v28 =	vadd.s32 $0xFFFFFFFF, v23;
	v15 =	vmov s0;
	(v2sf) =	vpush v18, $0xF;
	v21, _, _ =	vpop (xrf0)  }
0x1f0: {  	s9 =	simm.s32 $0x50;
	s10 =	simm.s32 $0x10;
	v23 =	vadd.s32 v13, v20;
	v15 =	vadd.s32 $0xFFFFFFFF, v15;
	s31 =	spop (v2sf);
	(v2sf) =	vpush v21, $0xF;
	v20, _, _ =	vpop (xrf0)  }
0x1f1: {  	[tilespmem:v25+s24+$0x0] =	vst.idx.msk vm15, v26;
	s12 =	simm.s32 $0x20;
	s13 =	simm.s32 $0x8;
	v26 =	vbroadcast v28, $0x0;
	s0 =	sadd.s32 s3, s31;
	v25 =	vbroadcast v15, $0x0;
	(v2sf) =	vpush v20, $0xF;
	v13, _, _ =	vpop (xrf0)  }
.LBB2_32:
0x1f2: {  	s13 =	sadd.s32 $0x8, s13;
	(v2sf) =	vpush v13, $0xF;
	v27 =	vadd.s32 v7, v27;
	v24 =	vbroadcast v24, $0x0;
	s7 =	sadd.s32 $0x80, s7;
	v7 =	vmovc v16;
	v15 =	vmovc v19  }
0x1f3: {  	v16 =	vmov s0;
	p0 =	slt.u32 s13, $0xF8;
	s3 =	sadd.s32 $0xFFFFFFB0, s7;
	s5 =	sadd.s32 $0xFFFFFFC0, s7;
	v19 =	vadd.s32 v8, v25;
	v25 =	vadd.s32 v10, v26;
	v8 =	vmovc v18;
	v10 =	vmovc v21  }
0x1f4: {  	v16 =	vadd.s32 $0xFFFFFFFF, v16;
	s14 =	sadd.s32 $0xFFFFFFA0, s7;
	s15 =	sadd.s32 $0xFFFFFFE0, s7;
	s17 =	sadd.s32 $0xFFFFFFF0, s7;
	v18 =	vor.u32 s12, v0;
	v21 =	vadd.s32 v9, v24;
	[tilespmem:v22+s24+$0x0] =	vst.idx.msk vm6, v12;
	v9 =	vmovc v20  }
0x1f5: {  	s8 =	sadd.s32 $0x80, s8;
	vm15 =	vmmov vm9;
	s20 =	sadd.s32 $0xFFFFFFD0, s7;
	v12 =	vbroadcast v16, $0x0;
	v16 =	vor.u32 s11, v0;
	s12 =	smov.u32 s3;
	[tilespmem:v23+s24+$0x0] =	vst.idx.msk vm5, v18  }
0x1f6: {  	v20 =	vor.u32 s10, v0;
	s11 =	smov.u32 s5;
	s10 =	smov.u32 s14;
	vm5 =	vmmov vm10;
	v18 =	vld [tilespmem:s8+$0xFFFFFFC0];
	[tilespmem:v17+s24+$0x0] =	vst.idx.msk vm4, v16;
	vm4 =	vmmov vm11  }
0x1f7: {  	v14 =	vadd.s32 v14, v12;
	v12 =	vor.u32 s9, v0;
	s9 =	smov.u32 s15;
	v16 =	vld [tilespmem:s8+$0xFFFFFFD0];
	[tilespmem:v27+s24+$0x0] =	vst.idx.msk vm3, v20;
	vm3 =	vmmov vm8  }
0x1f8: {  	vm6 =	vmmov vm14;
	v17 =	vld [tilespmem:s8+$0xFFFFFFE0];
	[tilespmem:v25+s24+$0x0] =	vst.idx.msk vm2, v12;
	v12 =	vor.u32 s30, v0;
	vm2 =	vmmov vm12;
	s30 =	smov.u32 s17  }
0x1f9: {  	v22 =	vor.u32 s29, v0;
	s29 =	smov.u32 s20;
	v20 =	vld [tilespmem:s8+$0xFFFFFFF0];
	[tilespmem:v21+s24+$0x0] =	vst.idx.msk vm0, v12;
	vm0 =	vmmov vm13  }
0x1fa: {  	s3 =	sadd.s32 $0xFFFFFF90, s7;
	v21 =	vld [tilespmem:s8+$0x0];
	s5 =	spop (v2sf);
	[tilespmem:v19+s24+$0x0] =	vst.idx.msk vm1, v22;
	vm1 =	vmmov vm7  }
0x1fb: {  	v12 =	vor.u32 s7, v0;
	v19 =	vor.u32 s3, v0;
	vm9 =	vle.f32 v18, $2.500000000e+01;
	v18 =	vld [tilespmem:s8+$0x10];
	s0 =	sadd.s32 s0, s5;
	s3 =	spop (v2sf)  }
0x1fc: {  	v22 =	vsel vm9, $0x1, v2;
	vm8 =	vle.f32 v16, $2.500000000e+01;
	v16 =	vld [tilespmem:s8+$0x20];
	[tilespmem:v14+s24+$0x0] =	vst.idx.msk vm15, v19;
	v23 =	vmov s0;
	s0 =	sadd.s32 s0, s3;
	s3 =	spop (v2sf)  }
0x1fd: {  	v14 =	vsel vm8, $0x1, v2;
	vm10 =	vle.f32 v17, $2.500000000e+01;
	v17 =	vld [tilespmem:s8+$0x30];
	(xrf0) =	vadd.scan.msk.s32 $0xffff, v22;
	v22 =	vmov s0;
	s0 =	sadd.s32 s0, s3;
	s3 =	spop (v2sf)  }
0x1fe: {  	v19 =	vsel vm10, $0x1, v2;
	vm11 =	vle.f32 v20, $2.500000000e+01;
	(xrf0) =	vadd.scan.msk.s32 $0xffff, v14;
	v14 =	vmov s0;
	s3 =	sadd.s32 s0, s3;
	s0 =	spop (v2sf)  }
0x1ff: {  	v20 =	vsel vm11, $0x1, v2;
	vm7 =	vle.f32 v21, $2.500000000e+01;
	(xrf0) =	vadd.scan.msk.s32 $0xffff, v19;
	v19 =	vadd.s32 $0xFFFFFFFF, v14;
	s0 =	sadd.s32 s3, s0;
	s5 =	spop (v2sf)  }
0x200: {  	v14 =	vsel vm7, $0x1, v2;
	vm12 =	vle.f32 v18, $2.500000000e+01;
	(xrf0) =	vadd.scan.msk.s32 $0xffff, v20;
	v20 =	vmov s0;
	s0 =	sadd.s32 s0, s5;
	s5 =	spop (v2sf)  }
0x201: {  	v18 =	vsel vm12, $0x1, v2;
	vm13 =	vle.f32 v16, $2.500000000e+01;
	(xrf0) =	vadd.scan.msk.s32 $0xffff, v14;
	v21 =	vmov s0;
	s0 =	sadd.s32 s0, s5;
	s5 =	spop (v2sf)  }
0x202: {  	v24 =	vsel vm13, $0x1, v2;
	vm14 =	vle.f32 v17, $2.500000000e+01;
	(xrf0) =	vadd.scan.msk.s32 $0xffff, v18;
	v17 =	vmov s0;
	s0 =	sadd.s32 s0, s5  }
0x203: {  	v25 =	vbroadcast v19, $0x0;
	v18 =	vsel vm14, $0x1, v2;
	v14, _, _ =	vpop (xrf0);
	(xrf0) =	vadd.scan.msk.s32 $0xffff, v24;
	v17 =	vadd.s32 $0xFFFFFFFF, v17  }
0x204: {  	v24 =	vadd.s32 $0xFFFFFFFF, v21;
	(v2sf) =	vpush v14, $0xF;
	v16, _, _ =	vpop (xrf0);
	(xrf0) =	vadd.scan.msk.s32 $0xffff, v18;
	v26 =	vbroadcast v17, $0x0  }
0x205: {  	v17 =	vadd.s32 v11, v25;
	v25 =	vmov s3;
	(v2sf) =	vpush v16, $0xF;
	v19, _, _ =	vpop (xrf0)  }
.Ltmp13:
0x206: {  	v27 =	vadd.s32 $0xFFFFFFFF, v22;
	(v2sf) =	vpush v19, $0xF;
	v11, _, _ =	vpop (xrf0);
	v22 =	vadd.s32 v13, v26;
	(pc) =	sbr.rel @p0 .LBB2_32-.Ltmp13, $4  }
0x207: {  	v13 =	vadd.s32 $0xFFFFFFFF, v23;
	v23 =	vbroadcast v27, $0x0;
	(v2sf) =	vpush v11, $0xF;
	v18, _, _ =	vpop (xrf0)  }
0x208: {  	v25 =	vadd.s32 $0xFFFFFFFF, v25;
	v26 =	vadd.s32 $0xFFFFFFFF, v20;
	(v2sf) =	vpush v18, $0xF;
	v21, _, _ =	vpop (xrf0)  }
0x209: {  	v27 =	vbroadcast v13, $0x0;
	v23 =	vadd.s32 v15, v23;
	(v2sf) =	vpush v21, $0xF;
	v20, _, _ =	vpop (xrf0)  }
0x20a: {  	v25 =	vbroadcast v25, $0x0;
	v26 =	vbroadcast v26, $0x0;
	(v2sf) =	vpush v20, $0xF;
	v13, _, _ =	vpop (xrf0)  }
0x20b: {  	_ =	sdelay $0x5  }
0x20c: {  	v7 =	vadd.s32 v7, v27;
	v15 =	vbroadcast v24, $0x0  }
0x20d: {  	v48 =	vmov s0;
	v49 =	vor.u32 s12, v0;
	v50 =	vor.u32 s11, v0  }
0x20e: {  	vm15 =	vmmov vm9;
	v24 =	vadd.s32 $0xFFFFFFFF, v48;
	s13 =	spop (v2sf);
	(v2sf) =	vpush v13, $0xF  }
0x20f: {  	v51 =	vor.u32 s10, v0;
	v9 =	vadd.s32 v9, v15;
	v15 =	vbroadcast v24, $0x0  }
0x210: {  	vm10 =	vmmov vm10;
	vm9 =	vmmov vm11;
	vm8 =	vmmov vm8  }
0x211: {  	v52 =	vor.u32 s30, v0;
	v14 =	vadd.s32 v14, v15;
	v15 =	vor.u32 s9, v0;
	s9 =	sadd.s32 $0x80, s7;
	s3 =	sadd.s32 s0, s13;
	s15 =	spop (v2sf)  }
0x212: {  	vm11 =	vmmov vm12;
	vm14 =	vmmov vm14;
	v8 =	vadd.s32 v8, v25;
	s7 =	sadd.s32 $0xFFFFFF90, s9;
	s5 =	sadd.s32 s3, s15;
	s14 =	spop (v2sf)  }
0x213: {  	v28 =	vor.u32 s29, v0;
	v10 =	vadd.s32 v10, v26;
	v30 =	vor.u32 s7, v0;
	s17 =	sadd.s32 s5, s14;
	s12 =	spop (v2sf)  }
0x214: {  	[tilespmem:v22+s24+$0x0] =	vst.idx.msk vm6, v12;
	v31 =	vmov s3;
	v12 =	vmov s5;
	s20 =	sadd.s32 s17, s12;
	s11 =	spop (v2sf);
	v53 =	vmov s17  }
0x215: {  	v56 =	vadd.s32 $0xFFFFFFFF, v31;
	v12 =	vadd.s32 $0xFFFFFFFF, v12;
	s10 =	sadd.s32 s20, s11;
	s31 =	spop (v2sf);
	v22 =	vadd.s32 $0xFFFFFFFF, v53  }
0x216: {  	[tilespmem:v7+s24+$0x0] =	vst.idx.msk vm3, v51;
	v12 =	vbroadcast v12, $0x0;
	v58 =	vmov s20;
	s21 =	sadd.s32 s10, s31;
	s8 =	spop (v2sf);
	v54 =	vmov s10  }
0x217: {  	[tilespmem:v8+s24+$0x0] =	vst.idx.msk vm1, v28;
	v7 =	vbroadcast v22, $0x0;
	v8 =	vadd.s32 $0xFFFFFFFF, v58;
	s26 =	sadd.s32 s21, s8;
	v57 =	vadd.s32 $0xFFFFFFFF, v54  }
0x218: {  	[tilespmem:v23+s24+$0x0] =	vst.idx.msk vm5, v49;
	v12 =	vadd.s32 v19, v12;
	v8 =	vbroadcast v8, $0x0;
	v29 =	vmov s26  }
0x219: {  	[tilespmem:v10+s24+$0x0] =	vst.idx.msk vm2, v15;
	v7 =	vadd.s32 v11, v7;
	v10 =	vbroadcast v57, $0x0;
	v29 =	vadd.s32 $0xFFFFFFFF, v29  }
0x21a: {  	[tilespmem:v17+s24+$0x0] =	vst.idx.msk vm4, v50;
	v55 =	vmov s21;
	v8 =	vadd.s32 v18, v8;
	v29 =	vbroadcast v29, $0x0  }
0x21b: {  	[tilespmem:v9+s24+$0x0] =	vst.idx.msk vm0, v52;
	v15 =	vbroadcast v56, $0x0;
	s10 =	sadd.s32 $0xFFFFFFB0, s9;
	v17 =	vadd.s32 $0xFFFFFFFF, v55;
	v10 =	vadd.s32 v21, v10  }
0x21c: {  	[tilespmem:v14+s24+$0x0] =	vst.idx.msk vm15, v30;
	s17 =	sadd.s32 $0xFFFFFFC0, s9;
	v14 =	vor.u32 s10, v0;
	v60 =	vbroadcast v17, $0x0;
	v13 =	vadd.s32 v13, v29  }
0x21d: {  	vm12 =	vmmov vm13;
	s29 =	sadd.s32 $0xFFFFFFD0, s9;
	v59 =	vadd.s32 v16, v15;
	[tilespmem:v12+s24+$0x0] =	vst.idx.msk vm10, v14;
	v12 =	vor.u32 s17, v0;
	s7 =	spop (v2sf)  }
0x21e: {  	v63 =	vor.u32 s29, v0;
	s21 =	sadd.s32 $0xFFFFFFE0, s9;
	v11 =	vadd.s32 v20, v60;
	[tilespmem:v7+s24+$0x0] =	vst.idx.msk vm9, v12;
	s10 =	sadd.s32 s26, s7  }
0x21f: {  	v61 =	vor.u32 s21, v0;
	[tilespmem:v8+s24+$0x0] =	vst.idx.msk vm7, v63;
	v7 =	vadd.s32 s10, v0  }
0x220: {  	s20 =	sadd.s32 $0xFFFFFFA0, s9;
	v15 =	vor.u32 s9, v0;
	[tilespmem:v10+s24+$0x0] =	vst.idx.msk vm11, v61;
	v12 =	vadd.s32 s10, v4  }
0x221: {  	s26 =	sadd.s32 $0xFFFFFFF0, s9;
	[tilespmem:v13+s24+$0x0] =	vst.idx.msk vm14, v15;
	v13 =	vor.u32 s20, v0  }
0x222: {  	v62 =	vor.u32 s26, v0;
	[tilespmem:v59+s24+$0x0] =	vst.idx.msk vm8, v13  }
0x223: {  	p0 =	sgt.s32 s10, $0x20;
	[tilespmem:v11+s24+$0x0] =	vst.idx.msk vm12, v62  }
.Ltmp14:
0x224: {  	s30 =	sor.u32 $0x1, s28;
	[tilespmem:v7+s24+$0x0] =	vst.idx.msk $0xffff, v3;
	(pc) =	sbr.rel @p0 .LBB2_38-.Ltmp14, $4  }
0x225: {  	s28 =	sshll.u32 s30, $0x7;
	[tilespmem:v12+s24+$0x0] =	vst.idx.msk $0xffff, v5  }
0x226: {  	[tilespmem:s28+$0x6180] =	vst v6  }
0x227: {  	[tilespmem:s28+$0x6190] =	vst v6  }
0x228: {  	vm15 =	vmmov vm7;
	v13 =	vmov s30;
	[tilespmem:s28+$0x61A0] =	vst v6  }
0x229: {  	p0 =	slt.s32 s10, $0x1  }
.Ltmp15:
0x22a: {  	_ = 	snop;
	(pc) =	sbr.rel @p0 .LBB2_60-.Ltmp15, $1  }
0x22b: {  	_ =	sdelay $0x3  }
0x22c: {  	v7 =	vld [tilespmem:$0x2100]  }
0x22d: {  	v8 =	vld [tilespmem:$0x2110];
	_ =	sdelay $0x6  }
0x22e: {  	v10 =	vld.idx.msk [tilespmem:v7+s23+$0x0], $0xffff  }
0x22f: {  	v11 =	vld.idx.msk [tilespmem:v8+s23+$0x0], $0xffff;
	_ =	sdelay $0x3  }
0x230: {  	(xrf0) =	vmin.scan.msk.f32 $0xffff, v10  }
0x231: {  	(xrf0) =	vmin.scan.msk.f32 $0xffff, v11;
	_ =	sdelay $0x4  }
0x232: {  	v12, _, _ =	vpop (xrf0)  }
0x233: {  	v14 =	vbroadcast v12, $0xF;
	v15, _, _ =	vpop (xrf0)  }
0x234: {  	v16 =	vbroadcast v15, $0xF  }
0x235: {  	v9 =	vxor.u32 $0x80000000, v7;
	vm0 =	veq.f32 v10, v14  }
0x236: {  	v10 =	vxor.u32 $0x80000000, v8;
	v14 =	vnsel vm0, $0xC0000000, v9;
	vm15 =	veq.f32 v11, v16  }
0x237: {  	v11 =	vnsel vm15, $0xC0000000, v10;
	(xrf0) =	vmin.scan.msk.u32 $0xffff, v14  }
0x238: {  	(xrf0) =	vmin.scan.msk.u32 $0xffff, v11;
	_ =	sdelay $0x4  }
0x239: {  	(v2sf) =	vpush v15, $0xF;
	v11, _, _ =	vpop (xrf0)  }
0x23a: {  	(v2sf) =	vpush v11, $0xF;
	v11, _, _ =	vpop (xrf0)  }
0x23b: {  	(v2sf) =	vpush v11, $0xF  }
0x23c: {  	(v2sf) =	vpush v12, $0xF;
	_ =	sdelay $0x7  }
0x23d: {  	s3 =	sadd.s32 s15, s13  }
0x23e: {  	s3 =	sadd.s32 s14, s3  }
0x23f: {  	s3 =	sadd.s32 s12, s3  }
0x240: {  	s3 =	sadd.s32 s11, s3  }
0x241: {  	s3 =	sadd.s32 s31, s3;
	s5 =	spop (v2sf)  }
0x242: {  	s3 =	sadd.s32 s8, s3;
	s9 =	spop (v2sf)  }
0x243: {  	s3 =	sadd.s32 s7, s3;
	s10 =	spop (v2sf)  }
0x244: {  	s9 =	sxor.u32 $0x80000000, s9;
	s10 =	sxor.u32 $0x80000000, s10;
	s30 =	spop (v2sf)  }
0x245: {  	p0 =	seq.f32 s5, s30;
	p1 =	slt.s32 s9, s10;
	s11 =	smov.u32 s10  }
0x246: {  	s31 =	simm.s32 $0x0;
	s0 =	sadd.s32 s0, s3;
	s11 =	smov.u32 @p1 s9  }
0x247: {  	p2 =	slt.f32 s5, s30;
	s9 =	smov.u32 @p0 s11;
	p0 =	sgt.s32 s0, $0x1  }
0x248: {  	v14 =	vmov s31;
	s0 =	simm.s32 @!p0 $0x1  }
0x249: {  	v11 =	vshll.u32 v13, $0x7;
	v13 =	vand.u32 $0x7FFFFF80, v14;
	s9 =	smov.u32 @p2 s10;
	s0 =	smin.u32 s0, $0x21  }
0x24a: {  	v14 =	vand.u32 $0x7F, v14;
	v13 =	vadd.s32 v11, v13;
	v12 =	vmov s9;
	p0 =	seq.s32 s0, $0x1  }
.Ltmp16:
0x24b: {  	v13 =	vor.u32 v14, v13;
	(pc) =	sbr.rel @p0 .LBB2_37-.Ltmp16, $2  }
0x24c: {  	_ =	sdelay $0x2  }
0x24d: {  	s7 =	simm.s32 $0x1;
	[tilespmem:v12+s23+$0x0] =	vst.idx.msk $0x1, v1  }
.LBB2_36:
0x24e: {  	[tilespmem:v13+s25+$0x0] =	vst.idx.msk $0x1, v12;
	s8 =	smov.u32 s7;
	s7 =	sadd.s32 $0x1, s7  }
0x24f: {  	v12 =	vld.idx.msk [tilespmem:v7+s23+$0x0], $0xffff;
	p0 =	seq.s32 s0, s7  }
0x250: {  	v13 =	vld.idx.msk [tilespmem:v8+s23+$0x0], $0xffff;
	_ =	sdelay $0x4  }
0x251: {  	(xrf0) =	vmin.scan.msk.f32 $0xffff, v12  }
0x252: {  	(xrf0) =	vmin.scan.msk.f32 $0xffff, v13;
	_ =	sdelay $0x4  }
0x253: {  	v14, _, _ =	vpop (xrf0)  }
0x254: {  	v15 =	vbroadcast v14, $0xF;
	v16, _, _ =	vpop (xrf0)  }
0x255: {  	v17 =	vbroadcast v16, $0xF;
	(v2sf) =	vpush v16, $0xF  }
0x256: {  	vm0 =	veq.f32 v12, v15  }
0x257: {  	v12 =	vnsel vm0, $0xC0000000, v9;
	vm0 =	veq.f32 v13, v17  }
0x258: {  	v13 =	vnsel vm0, $0xC0000000, v10;
	(xrf0) =	vmin.scan.msk.u32 $0xffff, v12  }
0x259: {  	(xrf0) =	vmin.scan.msk.u32 $0xffff, v13;
	_ =	sdelay $0x4  }
0x25a: {  	v12, _, _ =	vpop (xrf0)  }
0x25b: {  	(v2sf) =	vpush v12, $0xF;
	v12, _, _ =	vpop (xrf0)  }
0x25c: {  	(v2sf) =	vpush v12, $0xF  }
0x25d: {  	(v2sf) =	vpush v14, $0xF;
	_ =	sdelay $0x2  }
0x25e: {  	s3 =	spop (v2sf);
	_ =	sdelay $0x9  }
0x25f: {  	s5 =	spop (v2sf)  }
0x260: {  	s9 =	spop (v2sf)  }
0x261: {  	s10 =	spop (v2sf)  }
0x262: {  	s5 =	sxor.u32 $0x80000000, s5;
	s9 =	sxor.u32 $0x80000000, s9;
	p1 =	slt.f32 s3, s10  }
0x263: {  	p2 =	seq.f32 s3, s10;
	p3 =	slt.s32 s5, s9;
	s3 =	smov.u32 s9  }
0x264: {  	s3 =	smov.u32 @p3 s5  }
0x265: {  	v13 =	vmov s8;
	s5 =	smov.u32 @p2 s3  }
0x266: {  	v14 =	vand.u32 $0x7FFFFF80, v13;
	s5 =	smov.u32 @p1 s9  }
0x267: {  	v13 =	vand.u32 $0x7F, v13;
	v14 =	vadd.s32 v11, v14;
	v12 =	vmov s5  }
.Ltmp17:
0x268: {  	v13 =	vor.u32 v13, v14;
	(pc) =	sbr.rel @!p0 .LBB2_36-.Ltmp17, $2  }
0x269: {  	_ =	sdelay $0x2  }
0x26a: {  	[tilespmem:v12+s23+$0x0] =	vst.idx.msk $0x1, v1  }
.Ltmp18:
0x26b: {  	_ = 	snop;
	(pc) =	sbr.rel .LBB2_37-.Ltmp18, $1  }
0x26c: {  	_ =	sdelay $0x3  }
.LBB2_38:
0x26d: {  	p0 =	sgt.s32 s10, $0x30  }
.Ltmp19:
0x26e: {  	_ = 	snop;
	(pc) =	sbr.rel @p0 .LBB2_42-.Ltmp19, $1  }
0x26f: {  	_ =	sdelay $0x3  }
0x270: {  	v7 =	vld [tilespmem:$0x2100]  }
0x271: {  	v8 =	vld [tilespmem:$0x2110];
	_ =	sdelay $0x2  }
0x272: {  	v9 =	vld [tilespmem:$0x2120];
	_ =	sdelay $0x3  }
0x273: {  	v11 =	vld.idx.msk [tilespmem:v7+s23+$0x0], $0xffff  }
0x274: {  	v12 =	vld.idx.msk [tilespmem:v8+s23+$0x0], $0xffff;
	_ =	sdelay $0x2  }
0x275: {  	v14 =	vld.idx.msk [tilespmem:v9+s23+$0x0], $0xffff  }
0x276: {  	(xrf0) =	vmin.scan.msk.f32 $0xffff, v11  }
0x277: {  	(xrf0) =	vmin.scan.msk.f32 $0xffff, v12;
	_ =	sdelay $0x2  }
0x278: {  	(xrf0) =	vmin.scan.msk.f32 $0xffff, v14;
	_ =	sdelay $0x1  }
0x279: {  	v15, _, _ =	vpop (xrf0)  }
0x27a: {  	v16 =	vbroadcast v15, $0xF;
	v17, _, _ =	vpop (xrf0)  }
0x27b: {  	v18 =	vbroadcast v17, $0xF  }
0x27c: {  	v10 =	vxor.u32 $0x80000000, v7;
	vm0 =	veq.f32 v11, v16  }
0x27d: {  	v63, _, _ =	vpop (xrf0);
	v11 =	vxor.u32 $0x80000000, v8;
	v16 =	vnsel vm0, $0xC0000000, v10;
	vm14 =	veq.f32 v12, v18  }
0x27e: {  	v12 =	vnsel vm14, $0xC0000000, v11;
	(xrf0) =	vmin.scan.msk.u32 $0xffff, v16;
	v16 =	vbroadcast v63, $0xF  }
0x27f: {  	(xrf0) =	vmin.scan.msk.u32 $0xffff, v12  }
0x280: {  	v12 =	vxor.u32 $0x80000000, v9;
	vm15 =	veq.f32 v14, v16  }
0x281: {  	v14 =	vnsel vm15, $0xC0000000, v12;
	_ =	sdelay $0x1  }
0x282: {  	(v2sf) =	vpush v17, $0xF  }
0x283: {  	(v2sf) =	vpush v63, $0xF;
	(xrf0) =	vmin.scan.msk.u32 $0xffff, v14;
	v14, _, _ =	vpop (xrf0)  }
0x284: {  	(v2sf) =	vpush v14, $0xF;
	v14, _, _ =	vpop (xrf0)  }
0x285: {  	(v2sf) =	vpush v14, $0xF  }
0x286: {  	(v2sf) =	vpush v15, $0xF;
	_ =	sdelay $0x2  }
0x287: {  	v14, _, _ =	vpop (xrf0)  }
0x288: {  	(v2sf) =	vpush v14, $0xF;
	_ =	sdelay $0x6  }
0x289: {  	s3 =	spop (v2sf)  }
0x28a: {  	s5 =	spop (v2sf)  }
0x28b: {  	s13 =	sadd.s32 s15, s13;
	s9 =	spop (v2sf)  }
0x28c: {  	s13 =	sadd.s32 s14, s13;
	s10 =	spop (v2sf)  }
0x28d: {  	s12 =	sadd.s32 s12, s13;
	s17 =	spop (v2sf)  }
0x28e: {  	s9 =	sxor.u32 $0x80000000, s9;
	s10 =	sxor.u32 $0x80000000, s10;
	p0 =	seq.f32 s3, s17  }
0x28f: {  	p1 =	slt.s32 s9, s10;
	s15 =	smov.u32 s10;
	p2 =	slt.f32 s3, s17  }
0x290: {  	s29 =	sadd.s32 s11, s12;
	s15 =	smov.u32 @p1 s9  }
0x291: {  	s26 =	spop (v2sf);
	s9 =	smov.u32 @p0 s15;
	s17 =	smov.u32 @p2 s3  }
0x292: {  	s3 =	sxor.u32 $0x80000000, s26;
	s9 =	smov.u32 @p2 s10;
	s10 =	sadd.s32 s31, s29  }
0x293: {  	p0 =	seq.f32 s5, s17;
	s11 =	smov.u32 s3;
	s30 =	sadd.s32 s8, s10  }
0x294: {  	p2 =	slt.f32 s5, s17;
	p1 =	slt.s32 s9, s3;
	s5 =	sadd.s32 s7, s30  }
0x295: {  	s11 =	smov.u32 @p1 s9;
	s0 =	sadd.s32 s0, s5  }
0x296: {  	s31 =	simm.s32 $0x0;
	s9 =	smov.u32 @p0 s11;
	p0 =	sgt.s32 s0, $0x1  }
0x297: {  	v15 =	vmov s31;
	s0 =	simm.s32 @!p0 $0x1  }
0x298: {  	v13 =	vshll.u32 v13, $0x7;
	v16 =	vand.u32 $0x7FFFFF80, v15;
	s9 =	smov.u32 @p2 s3;
	s0 =	smin.u32 s0, $0x21  }
0x299: {  	v15 =	vand.u32 $0x7F, v15;
	v16 =	vadd.s32 v13, v16;
	v14 =	vmov s9;
	p0 =	seq.s32 s0, $0x1  }
.Ltmp20:
0x29a: {  	v15 =	vor.u32 v15, v16;
	(pc) =	sbr.rel @p0 .LBB2_41-.Ltmp20, $2  }
0x29b: {  	_ =	sdelay $0x2  }
0x29c: {  	s7 =	simm.s32 $0x1;
	[tilespmem:v14+s23+$0x0] =	vst.idx.msk $0x1, v1  }
.LBB2_40:
0x29d: {  	[tilespmem:v15+s25+$0x0] =	vst.idx.msk $0x1, v14;
	s8 =	smov.u32 s7;
	s7 =	sadd.s32 $0x1, s7  }
0x29e: {  	v14 =	vld.idx.msk [tilespmem:v7+s23+$0x0], $0xffff;
	p0 =	seq.s32 s0, s7  }
0x29f: {  	v15 =	vld.idx.msk [tilespmem:v8+s23+$0x0], $0xffff;
	_ =	sdelay $0x3  }
0x2a0: {  	v16 =	vld.idx.msk [tilespmem:v9+s23+$0x0], $0xffff  }
0x2a1: {  	(xrf0) =	vmin.scan.msk.f32 $0xffff, v14  }
0x2a2: {  	(xrf0) =	vmin.scan.msk.f32 $0xffff, v15;
	_ =	sdelay $0x3  }
0x2a3: {  	(xrf0) =	vmin.scan.msk.f32 $0xffff, v16  }
0x2a4: {  	v17, _, _ =	vpop (xrf0)  }
0x2a5: {  	v18 =	vbroadcast v17, $0xF;
	v19, _, _ =	vpop (xrf0)  }
0x2a6: {  	v20 =	vbroadcast v19, $0xF;
	(v2sf) =	vpush v19, $0xF  }
0x2a7: {  	vm0 =	veq.f32 v14, v18  }
0x2a8: {  	v14 =	vnsel vm0, $0xC0000000, v10;
	vm0 =	veq.f32 v15, v20  }
0x2a9: {  	v15 =	vnsel vm0, $0xC0000000, v11;
	v18, _, _ =	vpop (xrf0);
	(xrf0) =	vmin.scan.msk.u32 $0xffff, v14  }
0x2aa: {  	v14 =	vbroadcast v18, $0xF;
	(v2sf) =	vpush v18, $0xF;
	(xrf0) =	vmin.scan.msk.u32 $0xffff, v15;
	_ =	sdelay $0x1  }
0x2ab: {  	vm0 =	veq.f32 v16, v14  }
0x2ac: {  	v15 =	vnsel vm0, $0xC0000000, v12  }
0x2ad: {  	(xrf0) =	vmin.scan.msk.u32 $0xffff, v15  }
0x2ae: {  	v14, _, _ =	vpop (xrf0)  }
0x2af: {  	(v2sf) =	vpush v14, $0xF;
	v14, _, _ =	vpop (xrf0)  }
0x2b0: {  	(v2sf) =	vpush v14, $0xF  }
0x2b1: {  	(v2sf) =	vpush v17, $0xF;
	_ =	sdelay $0x1  }
0x2b2: {  	v14, _, _ =	vpop (xrf0)  }
0x2b3: {  	s3 =	spop (v2sf);
	(v2sf) =	vpush v14, $0xF;
	_ =	sdelay $0x3  }
0x2b4: {  	s5 =	spop (v2sf);
	_ =	sdelay $0x5  }
0x2b5: {  	s9 =	spop (v2sf)  }
0x2b6: {  	s10 =	spop (v2sf)  }
0x2b7: {  	s11 =	spop (v2sf)  }
0x2b8: {  	s9 =	sxor.u32 $0x80000000, s9;
	s10 =	sxor.u32 $0x80000000, s10;
	p1 =	slt.f32 s3, s11  }
0x2b9: {  	p2 =	seq.f32 s3, s11;
	p3 =	slt.s32 s9, s10;
	s12 =	smov.u32 s10  }
0x2ba: {  	s12 =	smov.u32 @p3 s9  }
0x2bb: {  	s9 =	smov.u32 @p2 s12;
	s12 =	spop (v2sf);
	s11 =	smov.u32 @p1 s3  }
0x2bc: {  	s12 =	sxor.u32 $0x80000000, s12;
	s9 =	smov.u32 @p1 s10;
	p1 =	slt.f32 s5, s11  }
0x2bd: {  	p2 =	seq.f32 s5, s11;
	p3 =	slt.s32 s9, s12;
	s3 =	smov.u32 s12  }
0x2be: {  	s3 =	smov.u32 @p3 s9  }
0x2bf: {  	v15 =	vmov s8;
	s9 =	smov.u32 @p2 s3  }
0x2c0: {  	v16 =	vand.u32 $0x7FFFFF80, v15;
	s9 =	smov.u32 @p1 s12  }
0x2c1: {  	v15 =	vand.u32 $0x7F, v15;
	v16 =	vadd.s32 v13, v16;
	v14 =	vmov s9  }
.Ltmp21:
0x2c2: {  	v15 =	vor.u32 v15, v16;
	(pc) =	sbr.rel @!p0 .LBB2_40-.Ltmp21, $2  }
0x2c3: {  	_ =	sdelay $0x2  }
0x2c4: {  	[tilespmem:v14+s23+$0x0] =	vst.idx.msk $0x1, v1  }
.LBB2_41:
.Ltmp22:
0x2c5: {  	_ = 	snop;
	(pc) =	sbr.rel .LBB2_60-.Ltmp22, $2  }
0x2c6: {  	_ =	sdelay $0x2  }
0x2c7: {  	[tilespmem:v15+s25+$0x0] =	vst.idx.msk $0x1, v14  }
.LBB2_13:
0x2c8: {  	s3 =	sadd.s32 s15, s13  }
0x2c9: {  	s5 =	sadd.s32 $0xF, s31;
	s3 =	sadd.s32 s14, s3  }
0x2ca: {  	s9 =	sshra.s32 s5, $0x1F;
	s3 =	sadd.s32 s12, s3  }
0x2cb: {  	s21 =	sand.u32 $0xF, s5;
	p0 =	slt.s32 s5, $0x1;
	s3 =	sadd.s32 s11, s3  }
0x2cc: {  	s9 =	sshrl.u32 s9, $0x1C;
	p1 =	sne.s32 s21, $0x0;
	s3 =	sadd.s32 s10, s3  }
0x2cd: {  	s5 =	sadd.s32 s9, s5;
	p0 =	por !p0, !p1;
	s3 =	sadd.s32 s8, s3  }
0x2ce: {  	p0 =	por !p0, !p0;
	s3 =	sadd.s32 s7, s3;
	s7 =	simm.s32 $0x1  }
0x2cf: {  	s26 =	sshra.s32 s5, $0x4;
	s0 =	sadd.s32 s0, s3;
	s7 =	simm.s32 @!p0 $0x0  }
.Ltmp23:
0x2d0: {  	p0 =	sgt.s32 s0, $0x1;
	s31 =	ssub.s32 s26, s7;
	(pc) =	sbr.rel .LBB2_14-.Ltmp23, $4  }
0x2d1: {  	s0 =	simm.s32 @!p0 $0x1;
	p0 =	slt.s32 s31, $0x1  }
0x2d2: {  	s3 =	simm.s32 @!p0 $0x0  }
0x2d3: {  	s3 =	simm.s32 @p0 $0x1  }
0x2d4: {  	v7 =	vshll.u32 v13, $0x7;
	s7 =	simm.s32 $0x0;
	s0 =	smin.u32 s0, $0x21;
	[smem:$0x7FD] =	sst s3  }
.LBB2_42:
0x2d5: {  	s3 =	sadd.s32 s15, s13  }
0x2d6: {  	s5 =	sadd.s32 $0xF, s10;
	s3 =	sadd.s32 s14, s3  }
0x2d7: {  	s9 =	sshra.s32 s5, $0x1F;
	s3 =	sadd.s32 s12, s3  }
0x2d8: {  	s10 =	sand.u32 $0xF, s5;
	p0 =	slt.s32 s5, $0x1;
	s3 =	sadd.s32 s11, s3  }
0x2d9: {  	s9 =	sshrl.u32 s9, $0x1C;
	p1 =	sne.s32 s10, $0x0;
	s3 =	sadd.s32 s31, s3  }
0x2da: {  	s5 =	sadd.s32 s9, s5;
	p0 =	por !p0, !p1;
	s3 =	sadd.s32 s8, s3  }
0x2db: {  	p0 =	por !p0, !p0;
	s3 =	sadd.s32 s7, s3;
	s7 =	simm.s32 $0x1  }
0x2dc: {  	s31 =	sshra.s32 s5, $0x4;
	s0 =	sadd.s32 s0, s3;
	s7 =	simm.s32 @!p0 $0x0  }
.Ltmp24:
0x2dd: {  	p0 =	sgt.s32 s0, $0x1;
	s29 =	ssub.s32 s31, s7;
	(pc) =	sbr.rel .LBB2_43-.Ltmp24, $4  }
0x2de: {  	s0 =	simm.s32 @!p0 $0x1;
	p0 =	slt.s32 s29, $0x1  }
0x2df: {  	s3 =	simm.s32 @!p0 $0x0  }
0x2e0: {  	s3 =	simm.s32 @p0 $0x1  }
0x2e1: {  	v7 =	vshll.u32 v13, $0x7;
	s7 =	simm.s32 $0x0;
	s0 =	smin.u32 s0, $0x21;
	[smem:$0x7FB] =	sst s3  }
.LBB2_16:
0x2e2: {  	p0 =	por $0x0, $0x0  }
0x2e3: {  	s3 =	simm.s32 @!p0 $0x0  }
0x2e4: {  	s3 =	simm.s32 @p0 $0x1  }
0x2e5: {  	s10 =	simm.f32 $+Inf;
	s11 =	simm.s32 $0x40000000;
	v9 =	vmov v16;
	[smem:$0x7FC] =	sst s3  }
.LBB2_29:
0x2e6: {  	v17, _, _ =	vpop @p2 (xrf0)  }
0x2e7: {  	v19 =	vbroadcast @p2 v17, $0xF  }
0x2e8: {  	(xrf0) =	vmin.scan.msk.f32 @p1 $0xffff, v14;
	_ =	sdelay $0x1  }
0x2e9: {  	v60 =	vld.idx.msk [tilespmem:v9+s4+$0x0], $0xffff;
	vm0 =	veq.f32 @p2 v13, v19;
	v13 =	vxor.u32 @p2 $0x80000000, v16  }
0x2ea: {  	v13 =	vnsel @p2 vm0, $0xC0000000, v13;
	v19, _, _ =	vpop @p3 (xrf0)  }
0x2eb: {  	(xrf0) =	vmin.scan.msk.u32 @p2 $0xffff, v13;
	(v2sf) =	vpush @p3 v19, $0xF  }
0x2ec: {  	s3 =	spop @p4 (v2sf);
	(v2sf) =	vpush @p3 v15, $0xF  }
0x2ed: {  	s3 =	sxor.u32 @p4 $0x80000000, s3;
	s5 =	spop @p4 (v2sf);
	v13, _, _ =	vpop @p1 (xrf0)  }
0x2ee: {  	v11 =	vpsel p1, v14, v11;
	s20 =	sld [smem:$0x7FC];
	p0 =	seq.f32 @p4 s5, s10;
	p5 =	slt.s32 @p4 s11, s3;
	v15 =	vmovc @p1 v18;
	(xrf0) =	vmin.scan.msk.f32 $0xffff, v60;
	v18 =	vbroadcast @p1 v13, $0xF  }
0x2ef: {  	s12 =	smov.u32 s11;
	p6 =	por !p5, !p4;
	p5 =	slt.f32 @p4 s5, s10;
	v10 =	vpsel p1, v15, v10  }
0x2f0: {  	s12 =	smov.u32 @p6 s3;
	p0 =	por !p0, !p4;
	v10 =	vxor.u32 @p1 $0x80000000, v10;
	vm0 =	veq.f32 @p1 v11, v18  }
0x2f1: {  	p6 =	seq.s32 s20, $0x1;
	s12 =	smov.u32 @p0 s11;
	p0 =	por !p5, !p4;
	v11 =	vmov @p2 v17;
	v14, _, _ =	vpop @p2 (xrf0);
	v10 =	vnsel @p1 vm0, $0xC0000000, v10  }
0x2f2: {  	s5 =	smov.u32 @p0 s10;
	s3 =	smov.u32 @p0 s12;
	s10 =	simm.f32 $+Inf;
	v11 =	vpsel p2, v11, v12;
	(v2sf) =	vpush @p2 v14, $0xF;
	(xrf0) =	vmin.scan.msk.u32 @p1 $0xffff, v10  }
0x2f3: {  	s11 =	spop @p6 (v2sf);
	s10 =	smov.u32 @p4 s5;
	s5 =	simm.s32 $0x40000000;
	(v2sf) =	vpush @p2 v11, $0xF  }
0x2f4: {  	s5 =	smov.u32 @p4 s3;
	s3 =	sxor.u32 @p6 $0x80000000, s11;
	s11 =	spop @p6 (v2sf);
	v61, _, _ =	vpop (xrf0)  }
0x2f5: {  	p0 =	seq.f32 @p6 s11, s10;
	p4 =	slt.s32 @p6 s5, s3;
	v62 =	vbroadcast v61, $0xF  }
0x2f6: {  	p5 =	slt.f32 @p6 s11, s10;
	s12 =	smov.u32 s5;
	p4 =	por !p4, !p6  }
0x2f7: {  	v63 =	vxor.u32 $0x80000000, v9;
	s12 =	smov.u32 @p4 s3;
	p0 =	por !p0, !p6;
	vm15 =	veq.f32 v60, v62  }
0x2f8: {  	s12 =	smov.u32 @p0 s5;
	p0 =	por !p5, !p6;
	v11 =	vmov @p1 v13;
	v9 =	vnsel vm15, $0xC0000000, v63;
	v12, _, _ =	vpop @p1 (xrf0)  }
0x2f9: {  	s5 =	simm.f32 $+Inf;
	s11 =	smov.u32 @p0 s10;
	s3 =	smov.u32 @p0 s12;
	v8 =	vpsel p1, v11, v8;
	(xrf0) =	vmin.scan.msk.u32 $0xffff, v9;
	(v2sf) =	vpush @p1 v12, $0xF  }
0x2fa: {  	s10 =	simm.s32 $0x40000000;
	s5 =	smov.u32 @p6 s11;
	s11 =	spop @p3 (v2sf);
	(v2sf) =	vpush @p1 v8, $0xF  }
0x2fb: {  	s10 =	smov.u32 @p6 s3;
	s3 =	sxor.u32 @p3 $0x80000000, s11;
	s11 =	spop @p3 (v2sf)  }
0x2fc: {  	p0 =	seq.f32 @p3 s11, s5;
	p4 =	slt.s32 @p3 s10, s3  }
0x2fd: {  	s12 =	smov.u32 s10;
	p5 =	slt.f32 @p3 s11, s5;
	p4 =	por !p4, !p3  }
0x2fe: {  	s12 =	smov.u32 @p4 s3;
	p0 =	por !p0, !p3  }
0x2ff: {  	v8, _, _ =	vpop (xrf0);
	s12 =	smov.u32 @p0 s10;
	p0 =	por !p5, !p3  }
0x300: {  	(v2sf) =	vpush v8, $0xF;
	s10 =	simm.s32 $0x40000000;
	s11 =	smov.u32 @p0 s5;
	s5 =	simm.f32 $+Inf  }
0x301: {  	s3 =	smov.u32 @p0 s12;
	s5 =	smov.u32 @p3 s11;
	s11 =	spop @p2 (v2sf);
	(v2sf) =	vpush v61, $0xF  }
0x302: {  	s10 =	smov.u32 @p3 s3;
	s12 =	spop @p2 (v2sf);
	s3 =	sxor.u32 @p2 $0x80000000, s11  }
0x303: {  	p0 =	seq.f32 @p2 s12, s5;
	p3 =	slt.s32 @p2 s10, s3  }
0x304: {  	s11 =	smov.u32 s10;
	p4 =	slt.f32 @p2 s12, s5;
	p3 =	por !p3, !p2  }
0x305: {  	s11 =	smov.u32 @p3 s3;
	p0 =	por !p0, !p2  }
0x306: {  	s11 =	smov.u32 @p0 s10;
	p0 =	por !p4, !p2  }
0x307: {  	s10 =	simm.s32 $0x40000000;
	s12 =	smov.u32 @p0 s5;
	s5 =	simm.f32 $+Inf  }
0x308: {  	s3 =	smov.u32 @p0 s11;
	s11 =	spop @p1 (v2sf);
	s5 =	smov.u32 @p2 s12  }
0x309: {  	s10 =	smov.u32 @p2 s3;
	s3 =	sxor.u32 @p1 $0x80000000, s11;
	s11 =	spop @p1 (v2sf)  }
0x30a: {  	p2 =	slt.s32 @p1 s10, s3;
	p0 =	seq.f32 @p1 s11, s5  }
0x30b: {  	s12 =	smov.u32 s10;
	p3 =	slt.f32 @p1 s11, s5;
	p2 =	por !p2, !p1  }
0x30c: {  	s12 =	smov.u32 @p2 s3;
	p0 =	por !p0, !p1  }
0x30d: {  	s12 =	smov.u32 @p0 s10;
	p0 =	por !p3, !p1  }
0x30e: {  	s11 =	smov.u32 @p0 s5  }
0x30f: {  	s21 =	spop (v2sf);
	s3 =	smov.u32 @p0 s12;
	s9 =	smov.u32 @p1 s11  }
0x310: {  	s8 =	smov.u32 @p1 s3;
	s3 =	sxor.u32 $0x80000000, s21;
	s26 =	spop (v2sf)  }
0x311: {  	p1 =	slt.s32 s8, s3;
	s10 =	smov.u32 s3;
	p0 =	seq.f32 s26, s9  }
0x312: {  	s10 =	smov.u32 @p1 s8;
	p1 =	slt.f32 s26, s9  }
0x313: {  	s8 =	smov.u32 @p0 s10  }
0x314: {  	s8 =	smov.u32 @p1 s3  }
.LBB2_30:
0x315: {  	v8 =	vmov s7  }
0x316: {  	v9 =	vand.u32 $0x7FFFFF80, v8  }
0x317: {  	v10 =	vmov s8;
	s7 =	sadd.s32 $0x1, s7;
	v8 =	vand.u32 $0x7F, v8;
	v9 =	vadd.s32 v7, v9  }
0x318: {  	p0 =	sne.s32 s7, s0;
	v8 =	vor.u32 v8, v9  }
.Ltmp25:
0x319: {  	_ = 	snop;
	(pc) =	sbr.rel @!p0 .LBB2_31-.Ltmp25, $3  }
0x31a: {  	_ =	sdelay $0x1  }
0x31b: {  	[tilespmem:v10+s4+$0x0] =	vst.idx.msk $0x1, v1  }
0x31c: {  	[tilespmem:v8+s25+$0x0] =	vst.idx.msk $0x1, v10  }
.LBB2_14:
0x31d: {  	s3 =	sld [smem:$0x7FD];
	_ =	sdelay $0x2  }
0x31e: {  	p0 =	seq.s32 s3, $0x1  }
.Ltmp26:
0x31f: {  	_ = 	snop;
	(pc) =	sbr.rel @p0 .LBB2_30-.Ltmp26, $2  }
0x320: {  	_ =	sdelay $0x2  }
0x321: {  	s8 =	simm.s32 $0x40000000  }
0x322: {  	p6 =	sne.s32 s31, $0x1  }
.Ltmp27:
0x323: {  	_ = 	snop;
	(pc) =	sbr.rel @!p6 .LBB2_16-.Ltmp27, $4  }
0x324: {  	_ = 	snop  }
0x325: {  	s3 =	simm.s32 $0x2100  }
0x326: {  	s9 =	simm.f32 $+Inf;
	s10 =	sadd.s32 $0xFFFFFFFF, s31;
	p1 =	por $0x0, $0x0;
	v16 =	vld [tilespmem:s3+$0x0]  }
0x327: {  	p2 =	por $0x0, $0x0;
	p3 =	por $0x0, $0x0;
	p4 =	por $0x0, $0x0  }
0x328: {  	_ =	sdelay $0x1  }
0x329: {  	p6 =	sne.s32 s10, $0x1  }
.Ltmp28:
0x32a: {  	_ = 	snop;
	(pc) =	sbr.rel @!p6 .LBB2_18-.Ltmp28, $4  }
0x32b: {  	_ = 	snop  }
0x32c: {  	s3 =	simm.s32 $0x2110  }
0x32d: {  	v17 =	vld [tilespmem:s3+$0x0]  }
0x32e: {  	s10 =	sadd.s32 $0xFFFFFFFF, s10;
	p1 =	por $0x1, $0x1;
	v13 =	vld.idx.msk [tilespmem:v16+s4+$0x0], $0xffff  }
0x32f: {  	_ =	sdelay $0x3  }
0x330: {  	p6 =	sne.s32 s10, $0x1;
	(xrf0) =	vmin.scan.msk.f32 $0xffff, v13  }
.Ltmp29:
0x331: {  	_ = 	snop;
	(pc) =	sbr.rel @!p6 .LBB2_20-.Ltmp29, $4  }
0x332: {  	_ = 	snop  }
0x333: {  	s3 =	simm.s32 $0x2120  }
0x334: {  	v10 =	vld [tilespmem:s3+$0x0]  }
0x335: {  	s10 =	sadd.s32 $0xFFFFFFFF, s10;
	p2 =	por $0x1, $0x1;
	v15 =	vld.idx.msk [tilespmem:v17+s4+$0x0], $0xffff  }
0x336: {  	_ = 	snop  }
0x337: {  	v8, _, _ =	vpop (xrf0)  }
0x338: {  	v9 =	vbroadcast v8, $0xF;
	_ =	sdelay $0x1  }
0x339: {  	p6 =	sne.s32 s10, $0x1;
	vm0 =	veq.f32 v13, v9;
	v9 =	vxor.u32 $0x80000000, v16;
	(xrf0) =	vmin.scan.msk.f32 $0xffff, v15  }
.Ltmp30:
0x33a: {  	s3 =	simm.s32 $0x2130;
	v9 =	vnsel vm0, $0xC0000000, v9;
	(pc) =	sbr.rel @!p6 .LBB2_22-.Ltmp30, $2  }
0x33b: {  	(xrf0) =	vmin.scan.msk.u32 $0xffff, v9;
	v9 =	vld [tilespmem:s3+$0x0];
	_ =	sdelay $0x2  }
0x33c: {  	s10 =	sadd.s32 $0xFFFFFFFF, s10;
	p3 =	por $0x1, $0x1;
	v11 =	vld.idx.msk [tilespmem:v10+s4+$0x0], $0xffff  }
0x33d: {  	_ = 	snop  }
0x33e: {  	v12, _, _ =	vpop (xrf0)  }
0x33f: {  	v14, _, _ =	vpop (xrf0)  }
0x340: {  	(v2sf) =	vpush v14, $0xF  }
0x341: {  	(v2sf) =	vpush v8, $0xF;
	_ =	sdelay $0x6  }
0x342: {  	p6 =	sne.s32 s10, $0x1;
	(xrf0) =	vmin.scan.msk.f32 $0xffff, v11  }
.Ltmp31:
0x343: {  	v13 =	vbroadcast v12, $0xF;
	(pc) =	sbr.rel @!p6 .LBB2_24-.Ltmp31, $4  }
0x344: {  	s3 =	simm.s32 $0x2140;
	p0 =	por $0x1, $0x1  }
0x345: {  	vm0 =	veq.f32 v15, v13;
	v13 =	vxor.u32 $0x80000000, v17;
	v17 =	vld [tilespmem:s3+$0x0];
	s3 =	simm.s32 @!p0 $0x0  }
0x346: {  	v14 =	vnsel vm0, $0xC0000000, v13;
	s3 =	simm.s32 @p0 $0x1  }
0x347: {  	s10 =	sadd.s32 $0xFFFFFFFF, s10;
	v13 =	vld.idx.msk [tilespmem:v9+s4+$0x0], $0xffff;
	(xrf0) =	vmin.scan.msk.u32 $0xffff, v14;
	[smem:$0x7FC] =	sst s3  }
0x348: {  	_ =	sdelay $0x3  }
0x349: {  	v15, _, _ =	vpop (xrf0)  }
0x34a: {  	v16, _, _ =	vpop (xrf0)  }
0x34b: {  	(v2sf) =	vpush v16, $0xF  }
0x34c: {  	v14 =	vbroadcast v15, $0xF;
	(v2sf) =	vpush v12, $0xF  }
0x34d: {  	p6 =	sne.s32 s10, $0x1;
	(xrf0) =	vmin.scan.msk.f32 $0xffff, v13  }
.Ltmp32:
0x34e: {  	vm0 =	veq.f32 v11, v14;
	v14 =	vxor.u32 $0x80000000, v10;
	(pc) =	sbr.rel @!p6 .LBB2_26-.Ltmp32, $4  }
0x34f: {  	v16 =	vnsel vm0, $0xC0000000, v14  }
0x350: {  	v14 =	vld.idx.msk [tilespmem:v17+s4+$0x0], $0xffff;
	(xrf0) =	vmin.scan.msk.u32 $0xffff, v16  }
0x351: {  	s12 =	simm.s32 $0x2150  }
0x352: {  	s13 =	sadd.s32 $0xFFFFFFFF, s10;
	s10 =	simm.f32 $+Inf;
	s11 =	simm.s32 $0x40000000;
	v19 =	vld [tilespmem:s12+$0x0]  }
.LBB2_27:
0x353: {  	p6 =	sne.s32 s13, $0x1  }
0x354: {  	v16, _, _ =	vpop (xrf0);
	s3 =	spop (v2sf)  }
0x355: {  	v18 =	vbroadcast v16, $0xF;
	s3 =	sxor.u32 $0x80000000, s3;
	s5 =	spop (v2sf)  }
0x356: {  	v20, _, _ =	vpop (xrf0);
	p0 =	seq.f32 s5, s10;
	p4 =	slt.s32 s11, s3;
	s14 =	smov.u32 s3  }
.Ltmp33:
0x357: {  	v21 =	vxor.u32 $0x80000000, v9;
	p5 =	slt.f32 s5, s10;
	(xrf0) =	vmin.scan.msk.f32 $0xffff, v14;
	vm0 =	veq.f32 v13, v18;
	(v2sf) =	vpush v20, $0xF;
	s14 =	smov.u32 @p4 s11;
	(pc) =	sbr.rel @p6 .LBB2_27-.Ltmp33, $4  }
0x358: {  	v9 =	vmovc v17;
	v13 =	vmovc v14;
	v18 =	vnsel vm0, $0xC0000000, v21;
	(v2sf) =	vpush v15, $0xF;
	s11 =	smov.u32 @p0 s14;
	v15 =	vmov v16  }
0x359: {  	v17 =	vmov v19;
	s10 =	smov.u32 @p5 s5;
	(xrf0) =	vmin.scan.msk.u32 $0xffff, v18;
	s11 =	smov.u32 @p5 s3  }
0x35a: {  	s12 =	sadd.s32 $0x10, s12;
	v14 =	vld.idx.msk [tilespmem:v19+s4+$0x0], $0xffff  }
0x35b: {  	s13 =	sadd.s32 $0xFFFFFFFF, s13;
	v19 =	vld [tilespmem:s12+$0x0]  }
.Ltmp34:
0x35c: {  	_ = 	snop;
	(pc) =	sbr.rel .LBB2_29-.Ltmp34, $2  }
0x35d: {  	_ =	sdelay $0x2  }
0x35e: {  	v16 =	vmov v9;
	v18 =	vmov v17;
	p4 =	por $0x1, $0x1;
	v9 =	vmov v19  }
.LBB2_18:
.Ltmp35:
0x35f: {  	_ = 	snop;
	(pc) =	sbr.rel .LBB2_29-.Ltmp35, $4  }
0x360: {  	p0 =	por $0x0, $0x0  }
0x361: {  	s3 =	simm.s32 @!p0 $0x0  }
0x362: {  	s3 =	simm.s32 @p0 $0x1  }
0x363: {  	s10 =	simm.f32 $+Inf;
	s11 =	simm.s32 $0x40000000;
	v18 =	vmov v16;
	[smem:$0x7FC] =	sst s3;
	v9 =	vmov v17;
	v14 =	vmov v13  }
.LBB2_20:
.Ltmp36:
0x364: {  	_ = 	snop;
	(pc) =	sbr.rel .LBB2_29-.Ltmp36, $4  }
0x365: {  	p0 =	por $0x0, $0x0  }
0x366: {  	s3 =	simm.s32 @!p0 $0x0  }
0x367: {  	s3 =	simm.s32 @p0 $0x1  }
0x368: {  	s10 =	simm.f32 $+Inf;
	s11 =	simm.s32 $0x40000000;
	v18 =	vmov v17;
	[smem:$0x7FC] =	sst s3;
	v9 =	vmov v10;
	v14 =	vmov v15  }
.LBB2_22:
.Ltmp37:
0x369: {  	_ = 	snop;
	(pc) =	sbr.rel .LBB2_29-.Ltmp37, $4  }
0x36a: {  	p0 =	por $0x0, $0x0  }
0x36b: {  	s3 =	simm.s32 @!p0 $0x0  }
0x36c: {  	s3 =	simm.s32 @p0 $0x1  }
0x36d: {  	v18 =	vmovc v10;
	s10 =	simm.f32 $+Inf;
	s11 =	simm.s32 $0x40000000;
	v13 =	vmovc v15;
	v16 =	vmov v17;
	v15 =	vmov v8;
	[smem:$0x7FC] =	sst s3;
	v14 =	vmov v11  }
.LBB2_24:
.Ltmp38:
0x36e: {  	_ = 	snop;
	(pc) =	sbr.rel .LBB2_29-.Ltmp38, $3  }
0x36f: {  	_ =	sdelay $0x1  }
0x370: {  	v18 =	vmov v9  }
0x371: {  	s10 =	simm.f32 $+Inf;
	s11 =	simm.s32 $0x40000000;
	v16 =	vmovc v10;
	v15 =	vmovc v12;
	v9 =	vmov v17;
	v14 =	vmov v13;
	v13 =	vmov v11  }
.LBB2_26:
.Ltmp39:
0x372: {  	_ = 	snop;
	(pc) =	sbr.rel .LBB2_29-.Ltmp39, $2  }
0x373: {  	_ =	sdelay $0x2  }
0x374: {  	v16 =	vmov v9;
	s10 =	simm.f32 $+Inf;
	s11 =	simm.s32 $0x40000000;
	v18 =	vmov v17;
	p4 =	por $0x1, $0x1;
	v9 =	vmov v19  }
.LBB2_45:
0x375: {  	p0 =	por $0x0, $0x0  }
0x376: {  	s3 =	simm.s32 @!p0 $0x0  }
0x377: {  	s3 =	simm.s32 @p0 $0x1  }
0x378: {  	s10 =	simm.f32 $+Inf;
	s11 =	simm.s32 $0x40000000;
	v9 =	vmov v16;
	[smem:$0x7FA] =	sst s3  }
.LBB2_58:
0x379: {  	v17, _, _ =	vpop @p2 (xrf0)  }
0x37a: {  	v19 =	vbroadcast @p2 v17, $0xF  }
0x37b: {  	(xrf0) =	vmin.scan.msk.f32 @p1 $0xffff, v14;
	_ =	sdelay $0x1  }
0x37c: {  	v60 =	vld.idx.msk [tilespmem:v9+s23+$0x0], $0xffff;
	vm0 =	veq.f32 @p2 v13, v19;
	v13 =	vxor.u32 @p2 $0x80000000, v16  }
0x37d: {  	v13 =	vnsel @p2 vm0, $0xC0000000, v13;
	v19, _, _ =	vpop @p3 (xrf0)  }
0x37e: {  	(xrf0) =	vmin.scan.msk.u32 @p2 $0xffff, v13;
	(v2sf) =	vpush @p3 v19, $0xF  }
0x37f: {  	s3 =	spop @p4 (v2sf);
	(v2sf) =	vpush @p3 v15, $0xF  }
0x380: {  	s3 =	sxor.u32 @p4 $0x80000000, s3;
	s5 =	spop @p4 (v2sf);
	v13, _, _ =	vpop @p1 (xrf0)  }
0x381: {  	v11 =	vpsel p1, v14, v11;
	s26 =	sld [smem:$0x7FA];
	p0 =	seq.f32 @p4 s5, s10;
	p5 =	slt.s32 @p4 s11, s3;
	v15 =	vmovc @p1 v18;
	(xrf0) =	vmin.scan.msk.f32 $0xffff, v60;
	v18 =	vbroadcast @p1 v13, $0xF  }
0x382: {  	s12 =	smov.u32 s11;
	p6 =	por !p5, !p4;
	p5 =	slt.f32 @p4 s5, s10;
	v10 =	vpsel p1, v15, v10  }
0x383: {  	s12 =	smov.u32 @p6 s3;
	p0 =	por !p0, !p4;
	v10 =	vxor.u32 @p1 $0x80000000, v10;
	vm0 =	veq.f32 @p1 v11, v18  }
0x384: {  	p6 =	seq.s32 s26, $0x1;
	s12 =	smov.u32 @p0 s11;
	p0 =	por !p5, !p4;
	v11 =	vmov @p2 v17;
	v14, _, _ =	vpop @p2 (xrf0);
	v10 =	vnsel @p1 vm0, $0xC0000000, v10  }
0x385: {  	s5 =	smov.u32 @p0 s10;
	s3 =	smov.u32 @p0 s12;
	s10 =	simm.f32 $+Inf;
	v11 =	vpsel p2, v11, v12;
	(v2sf) =	vpush @p2 v14, $0xF;
	(xrf0) =	vmin.scan.msk.u32 @p1 $0xffff, v10  }
0x386: {  	s11 =	spop @p6 (v2sf);
	s10 =	smov.u32 @p4 s5;
	s5 =	simm.s32 $0x40000000;
	(v2sf) =	vpush @p2 v11, $0xF  }
0x387: {  	s5 =	smov.u32 @p4 s3;
	s3 =	sxor.u32 @p6 $0x80000000, s11;
	s11 =	spop @p6 (v2sf);
	v61, _, _ =	vpop (xrf0)  }
0x388: {  	p0 =	seq.f32 @p6 s11, s10;
	p4 =	slt.s32 @p6 s5, s3;
	v62 =	vbroadcast v61, $0xF  }
0x389: {  	p5 =	slt.f32 @p6 s11, s10;
	s12 =	smov.u32 s5;
	p4 =	por !p4, !p6  }
0x38a: {  	v63 =	vxor.u32 $0x80000000, v9;
	s12 =	smov.u32 @p4 s3;
	p0 =	por !p0, !p6;
	vm15 =	veq.f32 v60, v62  }
0x38b: {  	s12 =	smov.u32 @p0 s5;
	p0 =	por !p5, !p6;
	v11 =	vmov @p1 v13;
	v9 =	vnsel vm15, $0xC0000000, v63;
	v12, _, _ =	vpop @p1 (xrf0)  }
0x38c: {  	s5 =	simm.f32 $+Inf;
	s11 =	smov.u32 @p0 s10;
	s3 =	smov.u32 @p0 s12;
	v8 =	vpsel p1, v11, v8;
	(xrf0) =	vmin.scan.msk.u32 $0xffff, v9;
	(v2sf) =	vpush @p1 v12, $0xF  }
0x38d: {  	s10 =	simm.s32 $0x40000000;
	s5 =	smov.u32 @p6 s11;
	s11 =	spop @p3 (v2sf);
	(v2sf) =	vpush @p1 v8, $0xF  }
0x38e: {  	s10 =	smov.u32 @p6 s3;
	s3 =	sxor.u32 @p3 $0x80000000, s11;
	s11 =	spop @p3 (v2sf)  }
0x38f: {  	p0 =	seq.f32 @p3 s11, s5;
	p4 =	slt.s32 @p3 s10, s3  }
0x390: {  	s12 =	smov.u32 s10;
	p5 =	slt.f32 @p3 s11, s5;
	p4 =	por !p4, !p3  }
0x391: {  	s12 =	smov.u32 @p4 s3;
	p0 =	por !p0, !p3  }
0x392: {  	v8, _, _ =	vpop (xrf0);
	s12 =	smov.u32 @p0 s10;
	p0 =	por !p5, !p3  }
0x393: {  	(v2sf) =	vpush v8, $0xF;
	s10 =	simm.s32 $0x40000000;
	s11 =	smov.u32 @p0 s5;
	s5 =	simm.f32 $+Inf  }
0x394: {  	s3 =	smov.u32 @p0 s12;
	s5 =	smov.u32 @p3 s11;
	s11 =	spop @p2 (v2sf);
	(v2sf) =	vpush v61, $0xF  }
0x395: {  	s10 =	smov.u32 @p3 s3;
	s12 =	spop @p2 (v2sf);
	s3 =	sxor.u32 @p2 $0x80000000, s11  }
0x396: {  	p0 =	seq.f32 @p2 s12, s5;
	p3 =	slt.s32 @p2 s10, s3  }
0x397: {  	s11 =	smov.u32 s10;
	p4 =	slt.f32 @p2 s12, s5;
	p3 =	por !p3, !p2  }
0x398: {  	s11 =	smov.u32 @p3 s3;
	p0 =	por !p0, !p2  }
0x399: {  	s11 =	smov.u32 @p0 s10;
	p0 =	por !p4, !p2  }
0x39a: {  	s10 =	simm.s32 $0x40000000;
	s12 =	smov.u32 @p0 s5;
	s5 =	simm.f32 $+Inf  }
0x39b: {  	s3 =	smov.u32 @p0 s11;
	s11 =	spop @p1 (v2sf);
	s5 =	smov.u32 @p2 s12  }
0x39c: {  	s10 =	smov.u32 @p2 s3;
	s3 =	sxor.u32 @p1 $0x80000000, s11;
	s11 =	spop @p1 (v2sf)  }
0x39d: {  	p2 =	slt.s32 @p1 s10, s3;
	p0 =	seq.f32 @p1 s11, s5  }
0x39e: {  	s12 =	smov.u32 s10;
	p3 =	slt.f32 @p1 s11, s5;
	p2 =	por !p2, !p1  }
0x39f: {  	s12 =	smov.u32 @p2 s3;
	p0 =	por !p0, !p1  }
0x3a0: {  	s12 =	smov.u32 @p0 s10;
	p0 =	por !p3, !p1  }
0x3a1: {  	s11 =	smov.u32 @p0 s5  }
0x3a2: {  	s30 =	spop (v2sf);
	s3 =	smov.u32 @p0 s12;
	s9 =	smov.u32 @p1 s11  }
0x3a3: {  	s8 =	smov.u32 @p1 s3;
	s3 =	sxor.u32 $0x80000000, s30;
	s31 =	spop (v2sf)  }
0x3a4: {  	p1 =	slt.s32 s8, s3;
	s10 =	smov.u32 s3;
	p0 =	seq.f32 s31, s9  }
0x3a5: {  	s10 =	smov.u32 @p1 s8;
	p1 =	slt.f32 s31, s9  }
0x3a6: {  	s8 =	smov.u32 @p0 s10  }
0x3a7: {  	s8 =	smov.u32 @p1 s3  }
.LBB2_59:
0x3a8: {  	v8 =	vmov s7  }
0x3a9: {  	v9 =	vand.u32 $0x7FFFFF80, v8  }
0x3aa: {  	v10 =	vmov s8;
	s7 =	sadd.s32 $0x1, s7;
	v8 =	vand.u32 $0x7F, v8;
	v9 =	vadd.s32 v7, v9  }
0x3ab: {  	p0 =	sne.s32 s7, s0;
	v8 =	vor.u32 v8, v9  }
.Ltmp40:
0x3ac: {  	_ = 	snop;
	(pc) =	sbr.rel @!p0 .LBB2_60-.Ltmp40, $3  }
0x3ad: {  	_ =	sdelay $0x1  }
0x3ae: {  	[tilespmem:v10+s23+$0x0] =	vst.idx.msk $0x1, v1  }
0x3af: {  	[tilespmem:v8+s25+$0x0] =	vst.idx.msk $0x1, v10  }
.LBB2_43:
0x3b0: {  	s3 =	sld [smem:$0x7FB];
	_ =	sdelay $0x2  }
0x3b1: {  	p0 =	seq.s32 s3, $0x1  }
.Ltmp41:
0x3b2: {  	_ = 	snop;
	(pc) =	sbr.rel @p0 .LBB2_59-.Ltmp41, $2  }
0x3b3: {  	_ =	sdelay $0x2  }
0x3b4: {  	s8 =	simm.s32 $0x40000000  }
0x3b5: {  	p6 =	sne.s32 s29, $0x1  }
.Ltmp42:
0x3b6: {  	_ = 	snop;
	(pc) =	sbr.rel @!p6 .LBB2_45-.Ltmp42, $4  }
0x3b7: {  	_ = 	snop  }
0x3b8: {  	s3 =	simm.s32 $0x2100  }
0x3b9: {  	s9 =	simm.f32 $+Inf;
	s10 =	sadd.s32 $0xFFFFFFFF, s29;
	p1 =	por $0x0, $0x0;
	v16 =	vld [tilespmem:s3+$0x0]  }
0x3ba: {  	p2 =	por $0x0, $0x0;
	p3 =	por $0x0, $0x0;
	p4 =	por $0x0, $0x0  }
0x3bb: {  	_ =	sdelay $0x1  }
0x3bc: {  	p6 =	sne.s32 s10, $0x1  }
.Ltmp43:
0x3bd: {  	_ = 	snop;
	(pc) =	sbr.rel @!p6 .LBB2_47-.Ltmp43, $4  }
0x3be: {  	_ = 	snop  }
0x3bf: {  	s3 =	simm.s32 $0x2110  }
0x3c0: {  	v17 =	vld [tilespmem:s3+$0x0]  }
0x3c1: {  	s10 =	sadd.s32 $0xFFFFFFFF, s10;
	p1 =	por $0x1, $0x1;
	v13 =	vld.idx.msk [tilespmem:v16+s23+$0x0], $0xffff  }
0x3c2: {  	_ =	sdelay $0x3  }
0x3c3: {  	p6 =	sne.s32 s10, $0x1;
	(xrf0) =	vmin.scan.msk.f32 $0xffff, v13  }
.Ltmp44:
0x3c4: {  	_ = 	snop;
	(pc) =	sbr.rel @!p6 .LBB2_49-.Ltmp44, $4  }
0x3c5: {  	_ = 	snop  }
0x3c6: {  	s3 =	simm.s32 $0x2120  }
0x3c7: {  	v10 =	vld [tilespmem:s3+$0x0]  }
0x3c8: {  	s10 =	sadd.s32 $0xFFFFFFFF, s10;
	p2 =	por $0x1, $0x1;
	v15 =	vld.idx.msk [tilespmem:v17+s23+$0x0], $0xffff  }
0x3c9: {  	_ = 	snop  }
0x3ca: {  	v8, _, _ =	vpop (xrf0)  }
0x3cb: {  	v9 =	vbroadcast v8, $0xF;
	_ =	sdelay $0x1  }
0x3cc: {  	p6 =	sne.s32 s10, $0x1;
	vm0 =	veq.f32 v13, v9;
	v9 =	vxor.u32 $0x80000000, v16;
	(xrf0) =	vmin.scan.msk.f32 $0xffff, v15  }
.Ltmp45:
0x3cd: {  	s3 =	simm.s32 $0x2130;
	v9 =	vnsel vm0, $0xC0000000, v9;
	(pc) =	sbr.rel @!p6 .LBB2_51-.Ltmp45, $2  }
0x3ce: {  	(xrf0) =	vmin.scan.msk.u32 $0xffff, v9;
	v9 =	vld [tilespmem:s3+$0x0];
	_ =	sdelay $0x2  }
0x3cf: {  	s10 =	sadd.s32 $0xFFFFFFFF, s10;
	p3 =	por $0x1, $0x1;
	v11 =	vld.idx.msk [tilespmem:v10+s23+$0x0], $0xffff  }
0x3d0: {  	_ = 	snop  }
0x3d1: {  	v12, _, _ =	vpop (xrf0)  }
0x3d2: {  	v14, _, _ =	vpop (xrf0)  }
0x3d3: {  	(v2sf) =	vpush v14, $0xF  }
0x3d4: {  	(v2sf) =	vpush v8, $0xF;
	_ =	sdelay $0x6  }
0x3d5: {  	p6 =	sne.s32 s10, $0x1;
	(xrf0) =	vmin.scan.msk.f32 $0xffff, v11  }
.Ltmp46:
0x3d6: {  	v13 =	vbroadcast v12, $0xF;
	(pc) =	sbr.rel @!p6 .LBB2_53-.Ltmp46, $4  }
0x3d7: {  	s3 =	simm.s32 $0x2140;
	p0 =	por $0x1, $0x1  }
0x3d8: {  	vm0 =	veq.f32 v15, v13;
	v13 =	vxor.u32 $0x80000000, v17;
	v17 =	vld [tilespmem:s3+$0x0];
	s3 =	simm.s32 @!p0 $0x0  }
0x3d9: {  	v14 =	vnsel vm0, $0xC0000000, v13;
	s3 =	simm.s32 @p0 $0x1  }
0x3da: {  	s10 =	sadd.s32 $0xFFFFFFFF, s10;
	v13 =	vld.idx.msk [tilespmem:v9+s23+$0x0], $0xffff;
	(xrf0) =	vmin.scan.msk.u32 $0xffff, v14;
	[smem:$0x7FA] =	sst s3  }
0x3db: {  	_ =	sdelay $0x3  }
0x3dc: {  	v15, _, _ =	vpop (xrf0)  }
0x3dd: {  	v16, _, _ =	vpop (xrf0)  }
0x3de: {  	(v2sf) =	vpush v16, $0xF  }
0x3df: {  	v14 =	vbroadcast v15, $0xF;
	(v2sf) =	vpush v12, $0xF  }
0x3e0: {  	p6 =	sne.s32 s10, $0x1;
	(xrf0) =	vmin.scan.msk.f32 $0xffff, v13  }
.Ltmp47:
0x3e1: {  	vm0 =	veq.f32 v11, v14;
	v14 =	vxor.u32 $0x80000000, v10;
	(pc) =	sbr.rel @!p6 .LBB2_55-.Ltmp47, $4  }
0x3e2: {  	v16 =	vnsel vm0, $0xC0000000, v14  }
0x3e3: {  	v14 =	vld.idx.msk [tilespmem:v17+s23+$0x0], $0xffff;
	(xrf0) =	vmin.scan.msk.u32 $0xffff, v16  }
0x3e4: {  	s12 =	simm.s32 $0x2150  }
0x3e5: {  	s13 =	sadd.s32 $0xFFFFFFFF, s10;
	s10 =	simm.f32 $+Inf;
	s11 =	simm.s32 $0x40000000;
	v19 =	vld [tilespmem:s12+$0x0]  }
.LBB2_56:
0x3e6: {  	p6 =	sne.s32 s13, $0x1  }
0x3e7: {  	v16, _, _ =	vpop (xrf0);
	s3 =	spop (v2sf)  }
0x3e8: {  	v18 =	vbroadcast v16, $0xF;
	s3 =	sxor.u32 $0x80000000, s3;
	s5 =	spop (v2sf)  }
0x3e9: {  	v20, _, _ =	vpop (xrf0);
	p0 =	seq.f32 s5, s10;
	p4 =	slt.s32 s11, s3;
	s14 =	smov.u32 s3  }
.Ltmp48:
0x3ea: {  	v21 =	vxor.u32 $0x80000000, v9;
	p5 =	slt.f32 s5, s10;
	(xrf0) =	vmin.scan.msk.f32 $0xffff, v14;
	vm0 =	veq.f32 v13, v18;
	(v2sf) =	vpush v20, $0xF;
	s14 =	smov.u32 @p4 s11;
	(pc) =	sbr.rel @p6 .LBB2_56-.Ltmp48, $4  }
0x3eb: {  	v9 =	vmovc v17;
	v13 =	vmovc v14;
	v18 =	vnsel vm0, $0xC0000000, v21;
	(v2sf) =	vpush v15, $0xF;
	s11 =	smov.u32 @p0 s14;
	v15 =	vmov v16  }
0x3ec: {  	v17 =	vmov v19;
	s10 =	smov.u32 @p5 s5;
	(xrf0) =	vmin.scan.msk.u32 $0xffff, v18;
	s11 =	smov.u32 @p5 s3  }
0x3ed: {  	s12 =	sadd.s32 $0x10, s12;
	v14 =	vld.idx.msk [tilespmem:v19+s23+$0x0], $0xffff  }
0x3ee: {  	s13 =	sadd.s32 $0xFFFFFFFF, s13;
	v19 =	vld [tilespmem:s12+$0x0]  }
.Ltmp49:
0x3ef: {  	_ = 	snop;
	(pc) =	sbr.rel .LBB2_58-.Ltmp49, $2  }
0x3f0: {  	_ =	sdelay $0x2  }
0x3f1: {  	v16 =	vmov v9;
	v18 =	vmov v17;
	p4 =	por $0x1, $0x1;
	v9 =	vmov v19  }
.LBB2_47:
.Ltmp50:
0x3f2: {  	_ = 	snop;
	(pc) =	sbr.rel .LBB2_58-.Ltmp50, $4  }
0x3f3: {  	p0 =	por $0x0, $0x0  }
0x3f4: {  	s3 =	simm.s32 @!p0 $0x0  }
0x3f5: {  	s3 =	simm.s32 @p0 $0x1  }
0x3f6: {  	s10 =	simm.f32 $+Inf;
	s11 =	simm.s32 $0x40000000;
	v18 =	vmov v16;
	[smem:$0x7FA] =	sst s3;
	v9 =	vmov v17;
	v14 =	vmov v13  }
.LBB2_49:
.Ltmp51:
0x3f7: {  	_ = 	snop;
	(pc) =	sbr.rel .LBB2_58-.Ltmp51, $4  }
0x3f8: {  	p0 =	por $0x0, $0x0  }
0x3f9: {  	s3 =	simm.s32 @!p0 $0x0  }
0x3fa: {  	s3 =	simm.s32 @p0 $0x1  }
0x3fb: {  	s10 =	simm.f32 $+Inf;
	s11 =	simm.s32 $0x40000000;
	v18 =	vmov v17;
	[smem:$0x7FA] =	sst s3;
	v9 =	vmov v10;
	v14 =	vmov v15  }
.LBB2_51:
.Ltmp52:
0x3fc: {  	_ = 	snop;
	(pc) =	sbr.rel .LBB2_58-.Ltmp52, $4  }
0x3fd: {  	p0 =	por $0x0, $0x0  }
0x3fe: {  	s3 =	simm.s32 @!p0 $0x0  }
0x3ff: {  	s3 =	simm.s32 @p0 $0x1  }
0x400: {  	v18 =	vmovc v10;
	s10 =	simm.f32 $+Inf;
	s11 =	simm.s32 $0x40000000;
	v13 =	vmovc v15;
	v16 =	vmov v17;
	v15 =	vmov v8;
	[smem:$0x7FA] =	sst s3;
	v14 =	vmov v11  }
.LBB2_53:
.Ltmp53:
0x401: {  	_ = 	snop;
	(pc) =	sbr.rel .LBB2_58-.Ltmp53, $3  }
0x402: {  	_ =	sdelay $0x1  }
0x403: {  	v18 =	vmov v9  }
0x404: {  	s10 =	simm.f32 $+Inf;
	s11 =	simm.s32 $0x40000000;
	v16 =	vmovc v10;
	v15 =	vmovc v12;
	v9 =	vmov v17;
	v14 =	vmov v13;
	v13 =	vmov v11  }
.LBB2_55:
.Ltmp54:
0x405: {  	_ = 	snop;
	(pc) =	sbr.rel .LBB2_58-.Ltmp54, $2  }
0x406: {  	_ =	sdelay $0x2  }
0x407: {  	v16 =	vmov v9;
	s10 =	simm.f32 $+Inf;
	s11 =	simm.s32 $0x40000000;
	v18 =	vmov v17;
	p4 =	por $0x1, $0x1;
	v9 =	vmov v19  }
.LBB2_62:
0x408: {  	_ =	sfence.sel $0x180000  }
0x409: {  	[bflag:$0x0] =	sbarrier.arrive $0xFFFF  }
0x40a: {  	_ =	strace $0x90000047  }
0x40b: {  	s0 =	stileid.u32;
	[bflag:$0x2] =	sbarrier.arrive $0xFFFF  }
0x40c: {  	p0 =	sne.s32 s0, $0x0;
	s0 =	rddreg [dreg:$0x4]  }
0x40d: {  	s0 =	sadd.s32 @!p0 $0x100000, s0  }
0x40e: {  	[sflag:s0] =	ssyncadd.tile.s32 @!p0 $0x1;
	_ =	shalt  }
.Lfunc_end2:
_tile_overlayer_lowered:
.L_overlay_start_2:
0x40f: {  	(tag) =	ssettag $0x2  }
0x410: {  	s0 =	rddreg [dreg:$0x0];
	s2 =	stileid.u32  }
0x411: {  	s1 =	rddreg [dreg:$0x1];
	p0 =	sne.s32 s2, $0x0  }
0x412: {  	s3 =	rddreg [dreg:$0x2];
	[bflag:$0x3] =	sbarrier.arrive $0xFFFF;
	s2 =	simm.s32 @!p0 $0x1C03  }
0x413: {  	[timem:s3], [sflag:s2] =	dma.local @!p0 [hbm:s0], s1  }
0x414: {  	s0 =	simm.s32 @!p0 $0x3  }
0x415: {  	_ =	swait.ge @!p0 [sflag:s0], s1  }
0x416: {  	s1 =	ssub.s32 @!p0 $0x0, s1;
	[sflag:s0] =	ssyncset.done @!p0 $0x0  }
0x417: {  	[sflag:s0] =	ssyncadd.s32 @!p0 s1  }
0x418: {  	[bflag:$0x3] =	sbarrier.arrive $0xFFFF  }
0x419: {  	_ =	shalt  }

</sc_bundles>
